<compile_context>
chip_gen: v7x
topology: tpu7x:2x2x1
jax: 0.10.2.dev20260603
libtpu: 0.0.44.dev20260713+nightly
codegen_flags: <defaults>
</compile_context>

<pallas_src>
import jax
import jax.numpy as jnp
from jax import lax
from jax.experimental import pallas as pl
from jax.experimental.pallas import tpu as pltpu
from jax.experimental.pallas import tpu_sc as plsc

F = 26
V = 50
D = 32
B = 16384

NC = 2
NS = 16
NW = NC * NS
BBLK = 128
BPF = B // BBLK
ITEMS = F * BPF
IPW = ITEMS // NW
FVP = F * V + 4
TAB = D * FVP
LANES = 16


def _sc_body(inputs_t_hbm, tab_hbm, out_hbm, idx_v, tab_v, buf0, buf1,
             sem0, sem1):
    wid = lax.axis_index("s") * NC + lax.axis_index("c")
    g0 = wid * IPW

    f_lo = g0 // BPF
    f_hi = (g0 + IPW - 1) // BPF
    pltpu.async_copy(tab_hbm, tab_v, sem0)
    pltpu.async_copy(inputs_t_hbm.at[f_lo], idx_v.at[pl.ds(0, B)], sem1)
    pltpu.async_copy(inputs_t_hbm.at[f_hi], idx_v.at[pl.ds(B, B)], sem1)
    pltpu.make_async_copy(tab_hbm, tab_v, sem0).wait()
    pltpu.make_async_copy(inputs_t_hbm.at[f_lo], idx_v.at[pl.ds(0, B)],
                          sem1).wait()
    pltpu.make_async_copy(inputs_t_hbm.at[f_hi], idx_v.at[pl.ds(B, B)],
                          sem1).wait()

    def compute(g, buf):
        f = g // BPF
        b0 = (g % BPF) * BBLK
        base_off = (f - f_lo) * B + b0
        fv = f * V
        @plsc.parallel_loop(0, BBLK // LANES, 1, unroll=4)
        def _grp(i):
            a16 = idx_v[pl.ds(base_off + LANES * i, LANES)] + fv
            for dd in range(0, D, 8):
                vals = [
                    plsc.load_gather(
                        tab_v.at[pl.ds((dd + k) * FVP, F * V)], [a16])
                    for k in range(8)
                ]
                for k in range(8):
                    buf[dd + k, pl.ds(LANES * i, LANES)] = vals[k]

    def fire(g, buf, sem):
        f = g // BPF
        b0 = (g % BPF) * BBLK
        pltpu.async_copy(buf, out_hbm.at[f, :, pl.ds(b0, BBLK)], sem)

    def drain(g, buf, sem):
        f = g // BPF
        b0 = (g % BPF) * BBLK
        pltpu.make_async_copy(buf, out_hbm.at[f, :, pl.ds(b0, BBLK)],
                              sem).wait()

    compute(g0, buf0)
    fire(g0, buf0, sem0)

    def step(t, buf, sem, nbuf, nsem):
        g = g0 + t

        @pl.when(t + 1 < IPW)
        def _():
            compute(g + 1, nbuf)
            fire(g + 1, nbuf, nsem)

        drain(g, buf, sem)

    def pair(t, carry):
        step(2 * t, buf0, sem0, buf1, sem1)
        step(2 * t + 1, buf1, sem1, buf0, sem0)
        return carry

    lax.fori_loop(0, IPW // 2, pair, 0)


@jax.jit
def _lookup(inputs_t, tab_flat):
    mesh = plsc.VectorSubcoreMesh(core_axis_name="c", subcore_axis_name="s")
    run = pl.kernel(
        _sc_body,
        out_type=jax.ShapeDtypeStruct((F, D, B), jnp.float32),
        mesh=mesh,
        scratch_types=[
            pltpu.VMEM((2 * B,), jnp.int32),
            pltpu.VMEM((TAB,), jnp.float32),
            pltpu.VMEM((D, BBLK), jnp.float32),
            pltpu.VMEM((D, BBLK), jnp.float32),
            pltpu.SemaphoreType.DMA,
            pltpu.SemaphoreType.DMA,
        ],
        compiler_params=pltpu.CompilerParams(
            use_tc_tiling_on_sc=True, needs_layout_passes=False),
    )
    return run(inputs_t, tab_flat)


def kernel(inputs, tables):
    inputs_t = inputs.T
    tab_t = tables.transpose(2, 0, 1).reshape(D, F * V)
    tab_flat = jnp.pad(tab_t, ((0, 0), (0, FVP - F * V))).reshape(TAB)
    out_t = _lookup(inputs_t, tab_flat)
    return out_t.transpose(2, 0, 1)

# --- scband reference (transcript-rebuilt; emitter-appended) ---
"""Pipeline reference for scband-categorical-feature-embedding-78993038508606 (READ-ONLY COPY).

The authoritative reference and input builder live on the scoring server;
editing this copy changes nothing except your own understanding.
"""

import jax, jax.numpy as jnp
import numpy as np

NUM_FEATURES = 26
VOCAB_SIZE = 50
EMBED_DIM = 32
BATCH = 16384

def setup_inputs(seed: int = 0) -> dict:
    key = jax.random.key(seed)
    k_idx, k_tab = jax.random.split(key)
    inputs = jax.random.randint(k_idx, (BATCH, NUM_FEATURES), 0, VOCAB_SIZE, dtype=jnp.int32)
    # one embedding table per categorical feature, stacked: [F, V, D]
    tables = jax.random.normal(k_tab, (NUM_FEATURES, VOCAB_SIZE, EMBED_DIM), dtype=jnp.float32) * 0.05
    return {"inputs": inputs, "tables": tables}

def reference(inputs, tables):
    # Faithful translation of CategoricalFeatureEmbedding.call with encode=False:
    # per-feature embedding lookup, stacked over features, transposed to [B, F, D].
    embs = [jnp.take(tables[f], inputs[:, f], axis=0) for f in range(NUM_FEATURES)]
    return jnp.stack(embs, axis=1)

if __name__ == "__main__":
    import jax
    _d = setup_inputs()
    print(jax.jit(kernel)(*tuple(_d.values())))

</pallas_src>

<mosaic_0001>
#map = affine_map<(d0, d1) -> (0, 0)>
#map1 = affine_map<(d0, d1) -> (0)>
#map2 = affine_map<(d0, d1) -> (0, 0, 0)>
module attributes {stable_mosaic.version = 14 : i64} {
  func.func @_sc_body(%arg0: i32, %arg1: i32, %arg2: memref<26x16384xi32, #tpu.memory_space<hbm>>, %arg3: memref<41728xf32, #tpu.memory_space<hbm>>, %arg4: memref<26x32x16384xf32, #tpu.memory_space<hbm>>, %arg5: memref<32768xi32, #tpu.memory_space<vmem>>, %arg6: memref<41728xf32, #tpu.memory_space<vmem>>, %arg7: memref<32x128xf32, #tpu.memory_space<vmem>>, %arg8: memref<32x128xf32, #tpu.memory_space<vmem>>, %arg9: memref<!tpu.dma_semaphore, #tpu.memory_space<semaphore_mem>>, %arg10: memref<!tpu.dma_semaphore, #tpu.memory_space<semaphore_mem>>) attributes {dimension_semantics = [#tpu.dimension_semantics<core_parallel>, #tpu.dimension_semantics<subcore_parallel>], iteration_bounds = array<i64: 2, 16>, scalar_prefetch = 0 : i64, scratch_operands = 6 : i64, tpu.core_type = #tpu.core_type<sc_vector_subcore>, window_params = [{transform_indices = #map}, {transform_indices = #map1}, {transform_indices = #map2}]} {
    %mul3A = arith.constant 2 : i32
    %mul3A_0 = arith.muli %arg1, %mul3A : i32
    %add3A = arith.addi %mul3A_0, %arg0 : i32
    %mul3A_1 = arith.constant 104 : i32
    %mul3A_2 = arith.muli %add3A, %mul3A_1 : i32
    %jit3A = arith.constant 128 : i32
    %div3A = arith.divsi %mul3A_2, %jit3A : i32
    %sign3A = arith.constant 0 : i32
    %sign3A_3 = arith.cmpi sgt, %mul3A_2, %sign3A : i32
    %sign3A_4 = arith.extui %sign3A_3 : i1 to i32
    %sign3A_5 = arith.constant 0 : i32
    %sign3A_6 = arith.cmpi slt, %mul3A_2, %sign3A_5 : i32
    %sign3A_7 = arith.extui %sign3A_6 : i1 to i32
    %sign3A_8 = arith.subi %sign3A_4, %sign3A_7 : i32
    %sign3A_9 = arith.constant 0 : i32
    %sign3A_10 = arith.cmpi sgt, %jit3A, %sign3A_9 : i32
    %sign3A_11 = arith.extui %sign3A_10 : i1 to i32
    %sign3A_12 = arith.constant 0 : i32
    %sign3A_13 = arith.cmpi slt, %jit3A, %sign3A_12 : i32
    %sign3A_14 = arith.extui %sign3A_13 : i1 to i32
    %sign3A_15 = arith.subi %sign3A_11, %sign3A_14 : i32
    %ne3A = arith.cmpi ne, %sign3A_8, %sign3A_15 : i32
    %rem3A = arith.remsi %mul3A_2, %jit3A : i32
    %ne3A_16 = arith.constant 0 : i32
    %ne3A_17 = arith.cmpi ne, %rem3A, %ne3A_16 : i32
    %and3A = arith.andi %ne3A, %ne3A_17 : i1
    %sub3A = arith.constant 1 : i32
    %sub3A_18 = arith.subi %div3A, %sub3A : i32
    %select_n3A = arith.select %and3A, %sub3A_18, %div3A : i32
    %add3A_19 = arith.constant 104 : i32
    %add3A_20 = arith.addi %mul3A_2, %add3A_19 : i32
    %sub3A_21 = arith.constant 1 : i32
    %sub3A_22 = arith.subi %add3A_20, %sub3A_21 : i32
    %jit3A_23 = arith.constant 128 : i32
    %div3A_24 = arith.divsi %sub3A_22, %jit3A_23 : i32
    %sign3A_25 = arith.constant 0 : i32
    %sign3A_26 = arith.cmpi sgt, %sub3A_22, %sign3A_25 : i32
    %sign3A_27 = arith.extui %sign3A_26 : i1 to i32
    %sign3A_28 = arith.constant 0 : i32
    %sign3A_29 = arith.cmpi slt, %sub3A_22, %sign3A_28 : i32
    %sign3A_30 = arith.extui %sign3A_29 : i1 to i32
    %sign3A_31 = arith.subi %sign3A_27, %sign3A_30 : i32
    %sign3A_32 = arith.constant 0 : i32
    %sign3A_33 = arith.cmpi sgt, %jit3A_23, %sign3A_32 : i32
    %sign3A_34 = arith.extui %sign3A_33 : i1 to i32
    %sign3A_35 = arith.constant 0 : i32
    %sign3A_36 = arith.cmpi slt, %jit3A_23, %sign3A_35 : i32
    %sign3A_37 = arith.extui %sign3A_36 : i1 to i32
    %sign3A_38 = arith.subi %sign3A_34, %sign3A_37 : i32
    %ne3A_39 = arith.cmpi ne, %sign3A_31, %sign3A_38 : i32
    %rem3A_40 = arith.remsi %sub3A_22, %jit3A_23 : i32
    %ne3A_41 = arith.constant 0 : i32
    %ne3A_42 = arith.cmpi ne, %rem3A_40, %ne3A_41 : i32
    %and3A_43 = arith.andi %ne3A_39, %ne3A_42 : i1
    %sub3A_44 = arith.constant 1 : i32
    %sub3A_45 = arith.subi %div3A_24, %sub3A_44 : i32
    %select_n3A_46 = arith.select %and3A_43, %sub3A_45, %div3A_24 : i32
    tpu.enqueue_dma source(%arg3 : memref<41728xf32, #tpu.memory_space<hbm>>) target(%arg6 : memref<41728xf32, #tpu.memory_space<vmem>>) target_semaphore(%arg9 : memref<!tpu.dma_semaphore, #tpu.memory_space<semaphore_mem>>)
    %dma_start3A = arith.constant 0 : i32
    %dma_start3A_47 = tpu.memref_slice %arg5[%dma_start3A] : memref<32768xi32, #tpu.memory_space<vmem>> -> memref<16384xi32, #tpu.memory_space<vmem>>
    %dma_start3A_48 = arith.constant 0 : i32
    %dma_start3A_49 = tpu.memref_slice %arg2[%select_n3A, %dma_start3A_48] : memref<26x16384xi32, #tpu.memory_space<hbm>> -> memref<1x16384xi32, #tpu.memory_space<hbm>>
    %dma_start3A_50 = tpu.memref_squeeze %dma_start3A_49 : memref<1x16384xi32, #tpu.memory_space<hbm>> -> memref<16384xi32, #tpu.memory_space<hbm>>
    %dma_start3A_51 = arith.constant 0 : i32
    %dma_start3A_52 = tpu.memref_slice %arg5[%dma_start3A_51] : memref<32768xi32, #tpu.memory_space<vmem>> -> memref<16384xi32, #tpu.memory_space<vmem>>
    %dma_start3A_53 = arith.constant 0 : i32
    %dma_start3A_54 = tpu.memref_slice %arg2[%select_n3A, %dma_start3A_53] : memref<26x16384xi32, #tpu.memory_space<hbm>> -> memref<1x16384xi32, #tpu.memory_space<hbm>>
    %dma_start3A_55 = tpu.memref_squeeze %dma_start3A_54 : memref<1x16384xi32, #tpu.memory_space<hbm>> -> memref<16384xi32, #tpu.memory_space<hbm>>
    tpu.enqueue_dma source(%dma_start3A_55 : memref<16384xi32, #tpu.memory_space<hbm>>) target(%dma_start3A_52 : memref<16384xi32, #tpu.memory_space<vmem>>) target_semaphore(%arg10 : memref<!tpu.dma_semaphore, #tpu.memory_space<semaphore_mem>>)
    %dma_start3A_56 = arith.constant 16384 : i32
    %dma_start3A_57 = tpu.memref_slice %arg5[%dma_start3A_56] : memref<32768xi32, #tpu.memory_space<vmem>> -> memref<16384xi32, #tpu.memory_space<vmem>>
    %dma_start3A_58 = arith.constant 0 : i32
    %dma_start3A_59 = tpu.memref_slice %arg2[%select_n3A_46, %dma_start3A_58] : memref<26x16384xi32, #tpu.memory_space<hbm>> -> memref<1x16384xi32, #tpu.memory_space<hbm>>
    %dma_start3A_60 = tpu.memref_squeeze %dma_start3A_59 : memref<1x16384xi32, #tpu.memory_space<hbm>> -> memref<16384xi32, #tpu.memory_space<hbm>>
    %dma_start3A_61 = arith.constant 16384 : i32
    %dma_start3A_62 = tpu.memref_slice %arg5[%dma_start3A_61] : memref<32768xi32, #tpu.memory_space<vmem>> -> memref<16384xi32, #tpu.memory_space<vmem>>
    %dma_start3A_63 = arith.constant 0 : i32
    %dma_start3A_64 = tpu.memref_slice %arg2[%select_n3A_46, %dma_start3A_63] : memref<26x16384xi32, #tpu.memory_space<hbm>> -> memref<1x16384xi32, #tpu.memory_space<hbm>>
    %dma_start3A_65 = tpu.memref_squeeze %dma_start3A_64 : memref<1x16384xi32, #tpu.memory_space<hbm>> -> memref<16384xi32, #tpu.memory_space<hbm>>
    tpu.enqueue_dma source(%dma_start3A_65 : memref<16384xi32, #tpu.memory_space<hbm>>) target(%dma_start3A_62 : memref<16384xi32, #tpu.memory_space<vmem>>) target_semaphore(%arg10 : memref<!tpu.dma_semaphore, #tpu.memory_space<semaphore_mem>>)
    tpu.wait_dma2 semaphore(%arg9 : memref<!tpu.dma_semaphore, #tpu.memory_space<semaphore_mem>>) src(%arg3 : memref<41728xf32, #tpu.memory_space<hbm>>) dst(%arg6 : memref<41728xf32, #tpu.memory_space<vmem>>)
    %dma_wait3A = arith.constant 0 : i32
    %dma_wait3A_66 = tpu.memref_slice %arg5[%dma_wait3A] : memref<32768xi32, #tpu.memory_space<vmem>> -> memref<16384xi32, #tpu.memory_space<vmem>>
    %dma_wait3A_67 = arith.constant 0 : i32
    %dma_wait3A_68 = tpu.memref_slice %arg2[%select_n3A, %dma_wait3A_67] : memref<26x16384xi32, #tpu.memory_space<hbm>> -> memref<1x16384xi32, #tpu.memory_space<hbm>>
    %dma_wait3A_69 = tpu.memref_squeeze %dma_wait3A_68 : memref<1x16384xi32, #tpu.memory_space<hbm>> -> memref<16384xi32, #tpu.memory_space<hbm>>
    %dma_wait3A_70 = arith.constant 0 : i32
    %dma_wait3A_71 = tpu.memref_slice %arg5[%dma_wait3A_70] : memref<32768xi32, #tpu.memory_space<vmem>> -> memref<16384xi32, #tpu.memory_space<vmem>>
    %dma_wait3A_72 = arith.constant 0 : i32
    %dma_wait3A_73 = tpu.memref_slice %arg2[%select_n3A, %dma_wait3A_72] : memref<26x16384xi32, #tpu.memory_space<hbm>> -> memref<1x16384xi32, #tpu.memory_space<hbm>>
    %dma_wait3A_74 = tpu.memref_squeeze %dma_wait3A_73 : memref<1x16384xi32, #tpu.memory_space<hbm>> -> memref<16384xi32, #tpu.memory_space<hbm>>
    tpu.wait_dma2 semaphore(%arg10 : memref<!tpu.dma_semaphore, #tpu.memory_space<semaphore_mem>>) src(%dma_wait3A_74 : memref<16384xi32, #tpu.memory_space<hbm>>) dst(%dma_wait3A_71 : memref<16384xi32, #tpu.memory_space<vmem>>)
    %dma_wait3A_75 = arith.constant 16384 : i32
    %dma_wait3A_76 = tpu.memref_slice %arg5[%dma_wait3A_75] : memref<32768xi32, #tpu.memory_space<vmem>> -> memref<16384xi32, #tpu.memory_space<vmem>>
    %dma_wait3A_77 = arith.constant 0 : i32
    %dma_wait3A_78 = tpu.memref_slice %arg2[%select_n3A_46, %dma_wait3A_77] : memref<26x16384xi32, #tpu.memory_space<hbm>> -> memref<1x16384xi32, #tpu.memory_space<hbm>>
    %dma_wait3A_79 = tpu.memref_squeeze %dma_wait3A_78 : memref<1x16384xi32, #tpu.memory_space<hbm>> -> memref<16384xi32, #tpu.memory_space<hbm>>
    %dma_wait3A_80 = arith.constant 16384 : i32
    %dma_wait3A_81 = tpu.memref_slice %arg5[%dma_wait3A_80] : memref<32768xi32, #tpu.memory_space<vmem>> -> memref<16384xi32, #tpu.memory_space<vmem>>
    %dma_wait3A_82 = arith.constant 0 : i32
    %dma_wait3A_83 = tpu.memref_slice %arg2[%select_n3A_46, %dma_wait3A_82] : memref<26x16384xi32, #tpu.memory_space<hbm>> -> memref<1x16384xi32, #tpu.memory_space<hbm>>
    %dma_wait3A_84 = tpu.memref_squeeze %dma_wait3A_83 : memref<1x16384xi32, #tpu.memory_space<hbm>> -> memref<16384xi32, #tpu.memory_space<hbm>>
    tpu.wait_dma2 semaphore(%arg10 : memref<!tpu.dma_semaphore, #tpu.memory_space<semaphore_mem>>) src(%dma_wait3A_84 : memref<16384xi32, #tpu.memory_space<hbm>>) dst(%dma_wait3A_81 : memref<16384xi32, #tpu.memory_space<vmem>>)
    %jit3A_85 = arith.constant 128 : i32
    %div3A_86 = arith.divsi %mul3A_2, %jit3A_85 : i32
    %sign3A_87 = arith.constant 0 : i32
    %sign3A_88 = arith.cmpi sgt, %mul3A_2, %sign3A_87 : i32
    %sign3A_89 = arith.extui %sign3A_88 : i1 to i32
    %sign3A_90 = arith.constant 0 : i32
    %sign3A_91 = arith.cmpi slt, %mul3A_2, %sign3A_90 : i32
    %sign3A_92 = arith.extui %sign3A_91 : i1 to i32
    %sign3A_93 = arith.subi %sign3A_89, %sign3A_92 : i32
    %sign3A_94 = arith.constant 0 : i32
    %sign3A_95 = arith.cmpi sgt, %jit3A_85, %sign3A_94 : i32
    %sign3A_96 = arith.extui %sign3A_95 : i1 to i32
    %sign3A_97 = arith.constant 0 : i32
    %sign3A_98 = arith.cmpi slt, %jit3A_85, %sign3A_97 : i32
    %sign3A_99 = arith.extui %sign3A_98 : i1 to i32
    %sign3A_100 = arith.subi %sign3A_96, %sign3A_99 : i32
    %ne3A_101 = arith.cmpi ne, %sign3A_93, %sign3A_100 : i32
    %rem3A_102 = arith.remsi %mul3A_2, %jit3A_85 : i32
    %ne3A_103 = arith.constant 0 : i32
    %ne3A_104 = arith.cmpi ne, %rem3A_102, %ne3A_103 : i32
    %and3A_105 = arith.andi %ne3A_101, %ne3A_104 : i1
    %sub3A_106 = arith.constant 1 : i32
    %sub3A_107 = arith.subi %div3A_86, %sub3A_106 : i32
    %select_n3A_108 = arith.select %and3A_105, %sub3A_107, %div3A_86 : i32
    %jit3A_109 = arith.constant 128 : i32
    %eq3A = arith.constant 0 : i32
    %eq3A_110 = arith.cmpi eq, %jit3A_109, %eq3A : i32
    %jit3A_111 = arith.constant 1 : i32
    %select_n3A_112 = arith.select %eq3A_110, %jit3A_111, %jit3A_109 : i32
    %rem3A_113 = arith.remsi %mul3A_2, %select_n3A_112 : i32
    %ne3A_114 = arith.constant 0 : i32
    %ne3A_115 = arith.cmpi ne, %rem3A_113, %ne3A_114 : i32
    %lt3A = arith.constant 0 : i32
    %lt3A_116 = arith.cmpi slt, %rem3A_113, %lt3A : i32
    %lt3A_117 = arith.constant 0 : i32
    %lt3A_118 = arith.cmpi slt, %select_n3A_112, %lt3A_117 : i32
    %ne3A_119 = arith.xori %lt3A_116, %lt3A_118 : i1
    %and3A_120 = arith.andi %ne3A_119, %ne3A_115 : i1
    %add3A_121 = arith.addi %rem3A_113, %select_n3A_112 : i32
    %select_n3A_122 = arith.select %and3A_120, %add3A_121, %rem3A_113 : i32
    %mul3A_123 = arith.constant 128 : i32
    %mul3A_124 = arith.muli %select_n3A_122, %mul3A_123 : i32
    %sub3A_125 = arith.subi %select_n3A_108, %select_n3A : i32
    %mul3A_126 = arith.constant 16384 : i32
    %mul3A_127 = arith.muli %sub3A_125, %mul3A_126 : i32
    %add3A_128 = arith.addi %mul3A_127, %mul3A_124 : i32
    %mul3A_129 = arith.constant 50 : i32
    %mul3A_130 = arith.muli %select_n3A_108, %mul3A_129 : i32
    %parallel_loop3A = arith.constant 0 : i32
    %parallel_loop3A_131 = arith.constant 8 : i32
    %parallel_loop3A_132 = arith.constant 1 : i32
    scf.for %parallel_loop3A_186 = %parallel_loop3A to %parallel_loop3A_131 step %parallel_loop3A_132  : i32 {
      %parallel_loop3A_187 = arith.constant 16 : i32
      %parallel_loop3A_188 = arith.muli %parallel_loop3A_187, %parallel_loop3A_186 : i32
      %parallel_loop3A_189 = arith.addi %add3A_128, %parallel_loop3A_188 : i32
      %parallel_loop3A_190 = arith.index_cast %parallel_loop3A_189 : i32 to index
      %parallel_loop3A_191 = tpu.vector_load %arg5[%parallel_loop3A_190] {strides = array<i32>} : memref<32768xi32, #tpu.memory_space<vmem>>, vector<16xi32>,
      %parallel_loop3A_192 = vector.broadcast %mul3A_130 : i32 to vector<16xi32>
      %parallel_loop3A_193 = arith.addi %parallel_loop3A_191, %parallel_loop3A_192 : vector<16xi32>
      %parallel_loop3A_194 = arith.constant 0 : i32
      %parallel_loop3A_195 = tpu.memref_slice %arg6[%parallel_loop3A_194] : memref<41728xf32, #tpu.memory_space<vmem>> -> memref<1300xf32, #tpu.memory_space<vmem>>
      %parallel_loop3A_196 = tpu.vector_load_idx %parallel_loop3A_195[%parallel_loop3A_193] : memref<1300xf32, #tpu.memory_space<vmem>>[vector<16xi32>], vector<16xf32>,
      %parallel_loop3A_197 = arith.constant 1304 : i32
      %parallel_loop3A_198 = tpu.memref_slice %arg6[%parallel_loop3A_197] : memref<41728xf32, #tpu.memory_space<vmem>> -> memref<1300xf32, #tpu.memory_space<vmem>>
      %parallel_loop3A_199 = tpu.vector_load_idx %parallel_loop3A_198[%parallel_loop3A_193] : memref<1300xf32, #tpu.memory_space<vmem>>[vector<16xi32>], vector<16xf32>,
      %parallel_loop3A_200 = arith.constant 2608 : i32
      %parallel_loop3A_201 = tpu.memref_slice %arg6[%parallel_loop3A_200] : memref<41728xf32, #tpu.memory_space<vmem>> -> memref<1300xf32, #tpu.memory_space<vmem>>
      %parallel_loop3A_202 = tpu.vector_load_idx %parallel_loop3A_201[%parallel_loop3A_193] : memref<1300xf32, #tpu.memory_space<vmem>>[vector<16xi32>], vector<16xf32>,
      %parallel_loop3A_203 = arith.constant 3912 : i32
      %parallel_loop3A_204 = tpu.memref_slice %arg6[%parallel_loop3A_203] : memref<41728xf32, #tpu.memory_space<vmem>> -> memref<1300xf32, #tpu.memory_space<vmem>>
      %parallel_loop3A_205 = tpu.vector_load_idx %parallel_loop3A_204[%parallel_loop3A_193] : memref<1300xf32, #tpu.memory_space<vmem>>[vector<16xi32>], vector<16xf32>,
      %parallel_loop3A_206 = arith.constant 5216 : i32
      %parallel_loop3A_207 = tpu.memref_slice %arg6[%parallel_loop3A_206] : memref<41728xf32, #tpu.memory_space<vmem>> -> memref<1300xf32, #tpu.memory_space<vmem>>
      %parallel_loop3A_208 = tpu.vector_load_idx %parallel_loop3A_207[%parallel_loop3A_193] : memref<1300xf32, #tpu.memory_space<vmem>>[vector<16xi32>], vector<16xf32>,
      %parallel_loop3A_209 = arith.constant 6520 : i32
      %parallel_loop3A_210 = tpu.memref_slice %arg6[%parallel_loop3A_209] : memref<41728xf32, #tpu.memory_space<vmem>> -> memref<1300xf32, #tpu.memory_space<vmem>>
      %parallel_loop3A_211 = tpu.vector_load_idx %parallel_loop3A_210[%parallel_loop3A_193] : memref<1300xf32, #tpu.memory_space<vmem>>[vector<16xi32>], vector<16xf32>,
      %parallel_loop3A_212 = arith.constant 7824 : i32
      %parallel_loop3A_213 = tpu.memref_slice %arg6[%parallel_loop3A_212] : memref<41728xf32, #tpu.memory_space<vmem>> -> memref<1300xf32, #tpu.memory_space<vmem>>
      %parallel_loop3A_214 = tpu.vector_load_idx %parallel_loop3A_213[%parallel_loop3A_193] : memref<1300xf32, #tpu.memory_space<vmem>>[vector<16xi32>], vector<16xf32>,
      %parallel_loop3A_215 = arith.constant 9128 : i32
      %parallel_loop3A_216 = tpu.memref_slice %arg6[%parallel_loop3A_215] : memref<41728xf32, #tpu.memory_space<vmem>> -> memref<1300xf32, #tpu.memory_space<vmem>>
      %parallel_loop3A_217 = tpu.vector_load_idx %parallel_loop3A_216[%parallel_loop3A_193] : memref<1300xf32, #tpu.memory_space<vmem>>[vector<16xi32>], vector<16xf32>,
      %parallel_loop3A_218 = arith.constant 16 : i32
      %parallel_loop3A_219 = arith.muli %parallel_loop3A_218, %parallel_loop3A_186 : i32
      %parallel_loop3A_220 = arith.constant 0 : i32
      %parallel_loop3A_221 = arith.index_cast %parallel_loop3A_220 : i32 to index
      %parallel_loop3A_222 = arith.index_cast %parallel_loop3A_219 : i32 to index
      %parallel_loop3A_223 = tpu.vector_load %arg7[%parallel_loop3A_221, %parallel_loop3A_222] {strides = array<i32>} : memref<32x128xf32, #tpu.memory_space<vmem>>, vector<16xf32>,
      tpu.vector_store %arg7[%parallel_loop3A_221, %parallel_loop3A_222], %parallel_loop3A_196 {strides = array<i32>} : memref<32x128xf32, #tpu.memory_space<vmem>>, vector<16xf32>,
      %parallel_loop3A_224 = arith.constant 16 : i32
      %parallel_loop3A_225 = arith.muli %parallel_loop3A_224, %parallel_loop3A_186 : i32
      %parallel_loop3A_226 = arith.constant 1 : i32
      %parallel_loop3A_227 = arith.index_cast %parallel_loop3A_226 : i32 to index
      %parallel_loop3A_228 = arith.index_cast %parallel_loop3A_225 : i32 to index
      %parallel_loop3A_229 = tpu.vector_load %arg7[%parallel_loop3A_227, %parallel_loop3A_228] {strides = array<i32>} : memref<32x128xf32, #tpu.memory_space<vmem>>, vector<16xf32>,
      tpu.vector_store %arg7[%parallel_loop3A_227, %parallel_loop3A_228], %parallel_loop3A_199 {strides = array<i32>} : memref<32x128xf32, #tpu.memory_space<vmem>>, vector<16xf32>,
      %parallel_loop3A_230 = arith.constant 16 : i32
      %parallel_loop3A_231 = arith.muli %parallel_loop3A_230, %parallel_loop3A_186 : i32
      %parallel_loop3A_232 = arith.constant 2 : i32
      %parallel_loop3A_233 = arith.index_cast %parallel_loop3A_232 : i32 to index
      %parallel_loop3A_234 = arith.index_cast %parallel_loop3A_231 : i32 to index
      %parallel_loop3A_235 = tpu.vector_load %arg7[%parallel_loop3A_233, %parallel_loop3A_234] {strides = array<i32>} : memref<32x128xf32, #tpu.memory_space<vmem>>, vector<16xf32>,
      tpu.vector_store %arg7[%parallel_loop3A_233, %parallel_loop3A_234], %parallel_loop3A_202 {strides = array<i32>} : memref<32x128xf32, #tpu.memory_space<vmem>>, vector<16xf32>,
      %parallel_loop3A_236 = arith.constant 16 : i32
      %parallel_loop3A_237 = arith.muli %parallel_loop3A_236, %parallel_loop3A_186 : i32
      %parallel_loop3A_238 = arith.constant 3 : i32
      %parallel_loop3A_239 = arith.index_cast %parallel_loop3A_238 : i32 to index
      %parallel_loop3A_240 = arith.index_cast %parallel_loop3A_237 : i32 to index
      %parallel_loop3A_241 = tpu.vector_load %arg7[%parallel_loop3A_239, %parallel_loop3A_240] {strides = array<i32>} : memref<32x128xf32, #tpu.memory_space<vmem>>, vector<16xf32>,
      tpu.vector_store %arg7[%parallel_loop3A_239, %parallel_loop3A_240], %parallel_loop3A_205 {strides = array<i32>} : memref<32x128xf32, #tpu.memory_space<vmem>>, vector<16xf32>,
      %parallel_loop3A_242 = arith.constant 16 : i32
      %parallel_loop3A_243 = arith.muli %parallel_loop3A_242, %parallel_loop3A_186 : i32
      %parallel_loop3A_244 = arith.constant 4 : i32
      %parallel_loop3A_245 = arith.index_cast %parallel_loop3A_244 : i32 to index
      %parallel_loop3A_246 = arith.index_cast %parallel_loop3A_243 : i32 to index
      %parallel_loop3A_247 = tpu.vector_load %arg7[%parallel_loop3A_245, %parallel_loop3A_246] {strides = array<i32>} : memref<32x128xf32, #tpu.memory_space<vmem>>, vector<16xf32>,
      tpu.vector_store %arg7[%parallel_loop3A_245, %parallel_loop3A_246], %parallel_loop3A_208 {strides = array<i32>} : memref<32x128xf32, #tpu.memory_space<vmem>>, vector<16xf32>,
      %parallel_loop3A_248 = arith.constant 16 : i32
      %parallel_loop3A_249 = arith.muli %parallel_loop3A_248, %parallel_loop3A_186 : i32
      %parallel_loop3A_250 = arith.constant 5 : i32
      %parallel_loop3A_251 = arith.index_cast %parallel_loop3A_250 : i32 to index
      %parallel_loop3A_252 = arith.index_cast %parallel_loop3A_249 : i32 to index
      %parallel_loop3A_253 = tpu.vector_load %arg7[%parallel_loop3A_251, %parallel_loop3A_252] {strides = array<i32>} : memref<32x128xf32, #tpu.memory_space<vmem>>, vector<16xf32>,
      tpu.vector_store %arg7[%parallel_loop3A_251, %parallel_loop3A_252], %parallel_loop3A_211 {strides = array<i32>} : memref<32x128xf32, #tpu.memory_space<vmem>>, vector<16xf32>,
      %parallel_loop3A_254 = arith.constant 16 : i32
      %parallel_loop3A_255 = arith.muli %parallel_loop3A_254, %parallel_loop3A_186 : i32
      %parallel_loop3A_256 = arith.constant 6 : i32
      %parallel_loop3A_257 = arith.index_cast %parallel_loop3A_256 : i32 to index
      %parallel_loop3A_258 = arith.index_cast %parallel_loop3A_255 : i32 to index
      %parallel_loop3A_259 = tpu.vector_load %arg7[%parallel_loop3A_257, %parallel_loop3A_258] {strides = array<i32>} : memref<32x128xf32, #tpu.memory_space<vmem>>, vector<16xf32>,
      tpu.vector_store %arg7[%parallel_loop3A_257, %parallel_loop3A_258], %parallel_loop3A_214 {strides = array<i32>} : memref<32x128xf32, #tpu.memory_space<vmem>>, vector<16xf32>,
      %parallel_loop3A_260 = arith.constant 16 : i32
      %parallel_loop3A_261 = arith.muli %parallel_loop3A_260, %parallel_loop3A_186 : i32
      %parallel_loop3A_262 = arith.constant 7 : i32
      %parallel_loop3A_263 = arith.index_cast %parallel_loop3A_262 : i32 to index
      %parallel_loop3A_264 = arith.index_cast %parallel_loop3A_261 : i32 to index
      %parallel_loop3A_265 = tpu.vector_load %arg7[%parallel_loop3A_263, %parallel_loop3A_264] {strides = array<i32>} : memref<32x128xf32, #tpu.memory_space<vmem>>, vector<16xf32>,
      tpu.vector_store %arg7[%parallel_loop3A_263, %parallel_loop3A_264], %parallel_loop3A_217 {strides = array<i32>} : memref<32x128xf32, #tpu.memory_space<vmem>>, vector<16xf32>,
      %parallel_loop3A_266 = arith.constant 10432 : i32
      %parallel_loop3A_267 = tpu.memref_slice %arg6[%parallel_loop3A_266] : memref<41728xf32, #tpu.memory_space<vmem>> -> memref<1300xf32, #tpu.memory_space<vmem>>
      %parallel_loop3A_268 = tpu.vector_load_idx %parallel_loop3A_267[%parallel_loop3A_193] : memref<1300xf32, #tpu.memory_space<vmem>>[vector<16xi32>], vector<16xf32>,
      %parallel_loop3A_269 = arith.constant 11736 : i32
      %parallel_loop3A_270 = tpu.memref_slice %arg6[%parallel_loop3A_269] : memref<41728xf32, #tpu.memory_space<vmem>> -> memref<1300xf32, #tpu.memory_space<vmem>>
      %parallel_loop3A_271 = tpu.vector_load_idx %parallel_loop3A_270[%parallel_loop3A_193] : memref<1300xf32, #tpu.memory_space<vmem>>[vector<16xi32>], vector<16xf32>,
      %parallel_loop3A_272 = arith.constant 13040 : i32
      %parallel_loop3A_273 = tpu.memref_slice %arg6[%parallel_loop3A_272] : memref<41728xf32, #tpu.memory_space<vmem>> -> memref<1300xf32, #tpu.memory_space<vmem>>
      %parallel_loop3A_274 = tpu.vector_load_idx %parallel_loop3A_273[%parallel_loop3A_193] : memref<1300xf32, #tpu.memory_space<vmem>>[vector<16xi32>], vector<16xf32>,
      %parallel_loop3A_275 = arith.constant 14344 : i32
      %parallel_loop3A_276 = tpu.memref_slice %arg6[%parallel_loop3A_275] : memref<41728xf32, #tpu.memory_space<vmem>> -> memref<1300xf32, #tpu.memory_space<vmem>>
      %parallel_loop3A_277 = tpu.vector_load_idx %parallel_loop3A_276[%parallel_loop3A_193] : memref<1300xf32, #tpu.memory_space<vmem>>[vector<16xi32>], vector<16xf32>,
      %parallel_loop3A_278 = arith.constant 15648 : i32
      %parallel_loop3A_279 = tpu.memref_slice %arg6[%parallel_loop3A_278] : memref<41728xf32, #tpu.memory_space<vmem>> -> memref<1300xf32, #tpu.memory_space<vmem>>
      %parallel_loop3A_280 = tpu.vector_load_idx %parallel_loop3A_279[%parallel_loop3A_193] : memref<1300xf32, #tpu.memory_space<vmem>>[vector<16xi32>], vector<16xf32>,
      %parallel_loop3A_281 = arith.constant 16952 : i32
      %parallel_loop3A_282 = tpu.memref_slice %arg6[%parallel_loop3A_281] : memref<41728xf32, #tpu.memory_space<vmem>> -> memref<1300xf32, #tpu.memory_space<vmem>>
      %parallel_loop3A_283 = tpu.vector_load_idx %parallel_loop3A_282[%parallel_loop3A_193] : memref<1300xf32, #tpu.memory_space<vmem>>[vector<16xi32>], vector<16xf32>,
      %parallel_loop3A_284 = arith.constant 18256 : i32
      %parallel_loop3A_285 = tpu.memref_slice %arg6[%parallel_loop3A_284] : memref<41728xf32, #tpu.memory_space<vmem>> -> memref<1300xf32, #tpu.memory_space<vmem>>
      %parallel_loop3A_286 = tpu.vector_load_idx %parallel_loop3A_285[%parallel_loop3A_193] : memref<1300xf32, #tpu.memory_space<vmem>>[vector<16xi32>], vector<16xf32>,
      %parallel_loop3A_287 = arith.constant 19560 : i32
      %parallel_loop3A_288 = tpu.memref_slice %arg6[%parallel_loop3A_287] : memref<41728xf32, #tpu.memory_space<vmem>> -> memref<1300xf32, #tpu.memory_space<vmem>>
      %parallel_loop3A_289 = tpu.vector_load_idx %parallel_loop3A_288[%parallel_loop3A_193] : memref<1300xf32, #tpu.memory_space<vmem>>[vector<16xi32>], vector<16xf32>,
      %parallel_loop3A_290 = arith.constant 16 : i32
      %parallel_loop3A_291 = arith.muli %parallel_loop3A_290, %parallel_loop3A_186 : i32
      %parallel_loop3A_292 = arith.constant 8 : i32
      %parallel_loop3A_293 = arith.index_cast %parallel_loop3A_292 : i32 to index
      %parallel_loop3A_294 = arith.index_cast %parallel_loop3A_291 : i32 to index
      %parallel_loop3A_295 = tpu.vector_load %arg7[%parallel_loop3A_293, %parallel_loop3A_294] {strides = array<i32>} : memref<32x128xf32, #tpu.memory_space<vmem>>, vector<16xf32>,
      tpu.vector_store %arg7[%parallel_loop3A_293, %parallel_loop3A_294], %parallel_loop3A_268 {strides = array<i32>} : memref<32x128xf32, #tpu.memory_space<vmem>>, vector<16xf32>,
      %parallel_loop3A_296 = arith.constant 16 : i32
      %parallel_loop3A_297 = arith.muli %parallel_loop3A_296, %parallel_loop3A_186 : i32
      %parallel_loop3A_298 = arith.constant 9 : i32
      %parallel_loop3A_299 = arith.index_cast %parallel_loop3A_298 : i32 to index
      %parallel_loop3A_300 = arith.index_cast %parallel_loop3A_297 : i32 to index
      %parallel_loop3A_301 = tpu.vector_load %arg7[%parallel_loop3A_299, %parallel_loop3A_300] {strides = array<i32>} : memref<32x128xf32, #tpu.memory_space<vmem>>, vector<16xf32>,
      tpu.vector_store %arg7[%parallel_loop3A_299, %parallel_loop3A_300], %parallel_loop3A_271 {strides = array<i32>} : memref<32x128xf32, #tpu.memory_space<vmem>>, vector<16xf32>,
      %parallel_loop3A_302 = arith.constant 16 : i32
      %parallel_loop3A_303 = arith.muli %parallel_loop3A_302, %parallel_loop3A_186 : i32
      %parallel_loop3A_304 = arith.constant 10 : i32
      %parallel_loop3A_305 = arith.index_cast %parallel_loop3A_304 : i32 to index
      %parallel_loop3A_306 = arith.index_cast %parallel_loop3A_303 : i32 to index
      %parallel_loop3A_307 = tpu.vector_load %arg7[%parallel_loop3A_305, %parallel_loop3A_306] {strides = array<i32>} : memref<32x128xf32, #tpu.memory_space<vmem>>, vector<16xf32>,
      tpu.vector_store %arg7[%parallel_loop3A_305, %parallel_loop3A_306], %parallel_loop3A_274 {strides = array<i32>} : memref<32x128xf32, #tpu.memory_space<vmem>>, vector<16xf32>,
      %parallel_loop3A_308 = arith.constant 16 : i32
      %parallel_loop3A_309 = arith.muli %parallel_loop3A_308, %parallel_loop3A_186 : i32
      %parallel_loop3A_310 = arith.constant 11 : i32
      %parallel_loop3A_311 = arith.index_cast %parallel_loop3A_310 : i32 to index
      %parallel_loop3A_312 = arith.index_cast %parallel_loop3A_309 : i32 to index
      %parallel_loop3A_313 = tpu.vector_load %arg7[%parallel_loop3A_311, %parallel_loop3A_312] {strides = array<i32>} : memref<32x128xf32, #tpu.memory_space<vmem>>, vector<16xf32>,
      tpu.vector_store %arg7[%parallel_loop3A_311, %parallel_loop3A_312], %parallel_loop3A_277 {strides = array<i32>} : memref<32x128xf32, #tpu.memory_space<vmem>>, vector<16xf32>,
      %parallel_loop3A_314 = arith.constant 16 : i32
      %parallel_loop3A_315 = arith.muli %parallel_loop3A_314, %parallel_loop3A_186 : i32
      %parallel_loop3A_316 = arith.constant 12 : i32
      %parallel_loop3A_317 = arith.index_cast %parallel_loop3A_316 : i32 to index
      %parallel_loop3A_318 = arith.index_cast %parallel_loop3A_315 : i32 to index
      %parallel_loop3A_319 = tpu.vector_load %arg7[%parallel_loop3A_317, %parallel_loop3A_318] {strides = array<i32>} : memref<32x128xf32, #tpu.memory_space<vmem>>, vector<16xf32>,
      tpu.vector_store %arg7[%parallel_loop3A_317, %parallel_loop3A_318], %parallel_loop3A_280 {strides = array<i32>} : memref<32x128xf32, #tpu.memory_space<vmem>>, vector<16xf32>,
      %parallel_loop3A_320 = arith.constant 16 : i32
      %parallel_loop3A_321 = arith.muli %parallel_loop3A_320, %parallel_loop3A_186 : i32
      %parallel_loop3A_322 = arith.constant 13 : i32
      %parallel_loop3A_323 = arith.index_cast %parallel_loop3A_322 : i32 to index
      %parallel_loop3A_324 = arith.index_cast %parallel_loop3A_321 : i32 to index
      %parallel_loop3A_325 = tpu.vector_load %arg7[%parallel_loop3A_323, %parallel_loop3A_324] {strides = array<i32>} : memref<32x128xf32, #tpu.memory_space<vmem>>, vector<16xf32>,
      tpu.vector_store %arg7[%parallel_loop3A_323, %parallel_loop3A_324], %parallel_loop3A_283 {strides = array<i32>} : memref<32x128xf32, #tpu.memory_space<vmem>>, vector<16xf32>,
      %parallel_loop3A_326 = arith.constant 16 : i32
      %parallel_loop3A_327 = arith.muli %parallel_loop3A_326, %parallel_loop3A_186 : i32
      %parallel_loop3A_328 = arith.constant 14 : i32
      %parallel_loop3A_329 = arith.index_cast %parallel_loop3A_328 : i32 to index
      %parallel_loop3A_330 = arith.index_cast %parallel_loop3A_327 : i32 to index
      %parallel_loop3A_331 = tpu.vector_load %arg7[%parallel_loop3A_329, %parallel_loop3A_330] {strides = array<i32>} : memref<32x128xf32, #tpu.memory_space<vmem>>, vector<16xf32>,
      tpu.vector_store %arg7[%parallel_loop3A_329, %parallel_loop3A_330], %parallel_loop3A_286 {strides = array<i32>} : memref<32x128xf32, #tpu.memory_space<vmem>>, vector<16xf32>,
      %parallel_loop3A_332 = arith.constant 16 : i32
      %parallel_loop3A_333 = arith.muli %parallel_loop3A_332, %parallel_loop3A_186 : i32
      %parallel_loop3A_334 = arith.constant 15 : i32
      %parallel_loop3A_335 = arith.index_cast %parallel_loop3A_334 : i32 to index
      %parallel_loop3A_336 = arith.index_cast %parallel_loop3A_333 : i32 to index
      %parallel_loop3A_337 = tpu.vector_load %arg7[%parallel_loop3A_335, %parallel_loop3A_336] {strides = array<i32>} : memref<32x128xf32, #tpu.memory_space<vmem>>, vector<16xf32>,
      tpu.vector_store %arg7[%parallel_loop3A_335, %parallel_loop3A_336], %parallel_loop3A_289 {strides = array<i32>} : memref<32x128xf32, #tpu.memory_space<vmem>>, vector<16xf32>,
      %parallel_loop3A_338 = arith.constant 20864 : i32
      %parallel_loop3A_339 = tpu.memref_slice %arg6[%parallel_loop3A_338] : memref<41728xf32, #tpu.memory_space<vmem>> -> memref<1300xf32, #tpu.memory_space<vmem>>
      %parallel_loop3A_340 = tpu.vector_load_idx %parallel_loop3A_339[%parallel_loop3A_193] : memref<1300xf32, #tpu.memory_space<vmem>>[vector<16xi32>], vector<16xf32>,
      %parallel_loop3A_341 = arith.constant 22168 : i32
      %parallel_loop3A_342 = tpu.memref_slice %arg6[%parallel_loop3A_341] : memref<41728xf32, #tpu.memory_space<vmem>> -> memref<1300xf32, #tpu.memory_space<vmem>>
      %parallel_loop3A_343 = tpu.vector_load_idx %parallel_loop3A_342[%parallel_loop3A_193] : memref<1300xf32, #tpu.memory_space<vmem>>[vector<16xi32>], vector<16xf32>,
      %parallel_loop3A_344 = arith.constant 23472 : i32
      %parallel_loop3A_345 = tpu.memref_slice %arg6[%parallel_loop3A_344] : memref<41728xf32, #tpu.memory_space<vmem>> -> memref<1300xf32, #tpu.memory_space<vmem>>
      %parallel_loop3A_346 = tpu.vector_load_idx %parallel_loop3A_345[%parallel_loop3A_193] : memref<1300xf32, #tpu.memory_space<vmem>>[vector<16xi32>], vector<16xf32>,
      %parallel_loop3A_347 = arith.constant 24776 : i32
      %parallel_loop3A_348 = tpu.memref_slice %arg6[%parallel_loop3A_347] : memref<41728xf32, #tpu.memory_space<vmem>> -> memref<1300xf32, #tpu.memory_space<vmem>>
      %parallel_loop3A_349 = tpu.vector_load_idx %parallel_loop3A_348[%parallel_loop3A_193] : memref<1300xf32, #tpu.memory_space<vmem>>[vector<16xi32>], vector<16xf32>,
      %parallel_loop3A_350 = arith.constant 26080 : i32
      %parallel_loop3A_351 = tpu.memref_slice %arg6[%parallel_loop3A_350] : memref<41728xf32, #tpu.memory_space<vmem>> -> memref<1300xf32, #tpu.memory_space<vmem>>
      %parallel_loop3A_352 = tpu.vector_load_idx %parallel_loop3A_351[%parallel_loop3A_193] : memref<1300xf32, #tpu.memory_space<vmem>>[vector<16xi32>], vector<16xf32>,
      %parallel_loop3A_353 = arith.constant 27384 : i32
      %parallel_loop3A_354 = tpu.memref_slice %arg6[%parallel_loop3A_353] : memref<41728xf32, #tpu.memory_space<vmem>> -> memref<1300xf32, #tpu.memory_space<vmem>>
      %parallel_loop3A_355 = tpu.vector_load_idx %parallel_loop3A_354[%parallel_loop3A_193] : memref<1300xf32, #tpu.memory_space<vmem>>[vector<16xi32>], vector<16xf32>,
      %parallel_loop3A_356 = arith.constant 28688 : i32
      %parallel_loop3A_357 = tpu.memref_slice %arg6[%parallel_loop3A_356] : memref<41728xf32, #tpu.memory_space<vmem>> -> memref<1300xf32, #tpu.memory_space<vmem>>
      %parallel_loop3A_358 = tpu.vector_load_idx %parallel_loop3A_357[%parallel_loop3A_193] : memref<1300xf32, #tpu.memory_space<vmem>>[vector<16xi32>], vector<16xf32>,
      %parallel_loop3A_359 = arith.constant 29992 : i32
      %parallel_loop3A_360 = tpu.memref_slice %arg6[%parallel_loop3A_359] : memref<41728xf32, #tpu.memory_space<vmem>> -> memref<1300xf32, #tpu.memory_space<vmem>>
      %parallel_loop3A_361 = tpu.vector_load_idx %parallel_loop3A_360[%parallel_loop3A_193] : memref<1300xf32, #tpu.memory_space<vmem>>[vector<16xi32>], vector<16xf32>,
      %parallel_loop3A_362 = arith.constant 16 : i32
      %parallel_loop3A_363 = arith.muli %parallel_loop3A_362, %parallel_loop3A_186 : i32
      %parallel_loop3A_364 = arith.constant 16 : i32
      %parallel_loop3A_365 = arith.index_cast %parallel_loop3A_364 : i32 to index
      %parallel_loop3A_366 = arith.index_cast %parallel_loop3A_363 : i32 to index
      %parallel_loop3A_367 = tpu.vector_load %arg7[%parallel_loop3A_365, %parallel_loop3A_366] {strides = array<i32>} : memref<32x128xf32, #tpu.memory_space<vmem>>, vector<16xf32>,
      tpu.vector_store %arg7[%parallel_loop3A_365, %parallel_loop3A_366], %parallel_loop3A_340 {strides = array<i32>} : memref<32x128xf32, #tpu.memory_space<vmem>>, vector<16xf32>,
      %parallel_loop3A_368 = arith.constant 16 : i32
      %parallel_loop3A_369 = arith.muli %parallel_loop3A_368, %parallel_loop3A_186 : i32
      %parallel_loop3A_370 = arith.constant 17 : i32
      %parallel_loop3A_371 = arith.index_cast %parallel_loop3A_370 : i32 to index
      %parallel_loop3A_372 = arith.index_cast %parallel_loop3A_369 : i32 to index
      %parallel_loop3A_373 = tpu.vector_load %arg7[%parallel_loop3A_371, %parallel_loop3A_372] {strides = array<i32>} : memref<32x128xf32, #tpu.memory_space<vmem>>, vector<16xf32>,
      tpu.vector_store %arg7[%parallel_loop3A_371, %parallel_loop3A_372], %parallel_loop3A_343 {strides = array<i32>} : memref<32x128xf32, #tpu.memory_space<vmem>>, vector<16xf32>,
      %parallel_loop3A_374 = arith.constant 16 : i32
      %parallel_loop3A_375 = arith.muli %parallel_loop3A_374, %parallel_loop3A_186 : i32
      %parallel_loop3A_376 = arith.constant 18 : i32
      %parallel_loop3A_377 = arith.index_cast %parallel_loop3A_376 : i32 to index
      %parallel_loop3A_378 = arith.index_cast %parallel_loop3A_375 : i32 to index
      %parallel_loop3A_379 = tpu.vector_load %arg7[%parallel_loop3A_377, %parallel_loop3A_378] {strides = array<i32>} : memref<32x128xf32, #tpu.memory_space<vmem>>, vector<16xf32>,
      tpu.vector_store %arg7[%parallel_loop3A_377, %parallel_loop3A_378], %parallel_loop3A_346 {strides = array<i32>} : memref<32x128xf32, #tpu.memory_space<vmem>>, vector<16xf32>,
      %parallel_loop3A_380 = arith.constant 16 : i32
      %parallel_loop3A_381 = arith.muli %parallel_loop3A_380, %parallel_loop3A_186 : i32
      %parallel_loop3A_382 = arith.constant 19 : i32
      %parallel_loop3A_383 = arith.index_cast %parallel_loop3A_382 : i32 to index
      %parallel_loop3A_384 = arith.index_cast %parallel_loop3A_381 : i32 to index
      %parallel_loop3A_385 = tpu.vector_load %arg7[%parallel_loop3A_383, %parallel_loop3A_384] {strides = array<i32>} : memref<32x128xf32, #tpu.memory_space<vmem>>, vector<16xf32>,
      tpu.vector_store %arg7[%parallel_loop3A_383, %parallel_loop3A_384], %parallel_loop3A_349 {strides = array<i32>} : memref<32x128xf32, #tpu.memory_space<vmem>>, vector<16xf32>,
      %parallel_loop3A_386 = arith.constant 16 : i32
      %parallel_loop3A_387 = arith.muli %parallel_loop3A_386, %parallel_loop3A_186 : i32
      %parallel_loop3A_388 = arith.constant 20 : i32
      %parallel_loop3A_389 = arith.index_cast %parallel_loop3A_388 : i32 to index
      %parallel_loop3A_390 = arith.index_cast %parallel_loop3A_387 : i32 to index
      %parallel_loop3A_391 = tpu.vector_load %arg7[%parallel_loop3A_389, %parallel_loop3A_390] {strides = array<i32>} : memref<32x128xf32, #tpu.memory_space<vmem>>, vector<16xf32>,
      tpu.vector_store %arg7[%parallel_loop3A_389, %parallel_loop3A_390], %parallel_loop3A_352 {strides = array<i32>} : memref<32x128xf32, #tpu.memory_space<vmem>>, vector<16xf32>,
      %parallel_loop3A_392 = arith.constant 16 : i32
      %parallel_loop3A_393 = arith.muli %parallel_loop3A_392, %parallel_loop3A_186 : i32
      %parallel_loop3A_394 = arith.constant 21 : i32
      %parallel_loop3A_395 = arith.index_cast %parallel_loop3A_394 : i32 to index
      %parallel_loop3A_396 = arith.index_cast %parallel_loop3A_393 : i32 to index
      %parallel_loop3A_397 = tpu.vector_load %arg7[%parallel_loop3A_395, %parallel_loop3A_396] {strides = array<i32>} : memref<32x128xf32, #tpu.memory_space<vmem>>, vector<16xf32>,
      tpu.vector_store %arg7[%parallel_loop3A_395, %parallel_loop3A_396], %parallel_loop3A_355 {strides = array<i32>} : memref<32x128xf32, #tpu.memory_space<vmem>>, vector<16xf32>,
      %parallel_loop3A_398 = arith.constant 16 : i32
      %parallel_loop3A_399 = arith.muli %parallel_loop3A_398, %parallel_loop3A_186 : i32
      %parallel_loop3A_400 = arith.constant 22 : i32
      %parallel_loop3A_401 = arith.index_cast %parallel_loop3A_400 : i32 to index
      %parallel_loop3A_402 = arith.index_cast %parallel_loop3A_399 : i32 to index
      %parallel_loop3A_403 = tpu.vector_load %arg7[%parallel_loop3A_401, %parallel_loop3A_402] {strides = array<i32>} : memref<32x128xf32, #tpu.memory_space<vmem>>, vector<16xf32>,
      tpu.vector_store %arg7[%parallel_loop3A_401, %parallel_loop3A_402], %parallel_loop3A_358 {strides = array<i32>} : memref<32x128xf32, #tpu.memory_space<vmem>>, vector<16xf32>,
      %parallel_loop3A_404 = arith.constant 16 : i32
      %parallel_loop3A_405 = arith.muli %parallel_loop3A_404, %parallel_loop3A_186 : i32
      %parallel_loop3A_406 = arith.constant 23 : i32
      %parallel_loop3A_407 = arith.index_cast %parallel_loop3A_406 : i32 to index
      %parallel_loop3A_408 = arith.index_cast %parallel_loop3A_405 : i32 to index
      %parallel_loop3A_409 = tpu.vector_load %arg7[%parallel_loop3A_407, %parallel_loop3A_408] {strides = array<i32>} : memref<32x128xf32, #tpu.memory_space<vmem>>, vector<16xf32>,
      tpu.vector_store %arg7[%parallel_loop3A_407, %parallel_loop3A_408], %parallel_loop3A_361 {strides = array<i32>} : memref<32x128xf32, #tpu.memory_space<vmem>>, vector<16xf32>,
      %parallel_loop3A_410 = arith.constant 31296 : i32
      %parallel_loop3A_411 = tpu.memref_slice %arg6[%parallel_loop3A_410] : memref<41728xf32, #tpu.memory_space<vmem>> -> memref<1300xf32, #tpu.memory_space<vmem>>
      %parallel_loop3A_412 = tpu.vector_load_idx %parallel_loop3A_411[%parallel_loop3A_193] : memref<1300xf32, #tpu.memory_space<vmem>>[vector<16xi32>], vector<16xf32>,
      %parallel_loop3A_413 = arith.constant 32600 : i32
      %parallel_loop3A_414 = tpu.memref_slice %arg6[%parallel_loop3A_413] : memref<41728xf32, #tpu.memory_space<vmem>> -> memref<1300xf32, #tpu.memory_space<vmem>>
      %parallel_loop3A_415 = tpu.vector_load_idx %parallel_loop3A_414[%parallel_loop3A_193] : memref<1300xf32, #tpu.memory_space<vmem>>[vector<16xi32>], vector<16xf32>,
      %parallel_loop3A_416 = arith.constant 33904 : i32
      %parallel_loop3A_417 = tpu.memref_slice %arg6[%parallel_loop3A_416] : memref<41728xf32, #tpu.memory_space<vmem>> -> memref<1300xf32, #tpu.memory_space<vmem>>
      %parallel_loop3A_418 = tpu.vector_load_idx %parallel_loop3A_417[%parallel_loop3A_193] : memref<1300xf32, #tpu.memory_space<vmem>>[vector<16xi32>], vector<16xf32>,
      %parallel_loop3A_419 = arith.constant 35208 : i32
      %parallel_loop3A_420 = tpu.memref_slice %arg6[%parallel_loop3A_419] : memref<41728xf32, #tpu.memory_space<vmem>> -> memref<1300xf32, #tpu.memory_space<vmem>>
      %parallel_loop3A_421 = tpu.vector_load_idx %parallel_loop3A_420[%parallel_loop3A_193] : memref<1300xf32, #tpu.memory_space<vmem>>[vector<16xi32>], vector<16xf32>,
      %parallel_loop3A_422 = arith.constant 36512 : i32
      %parallel_loop3A_423 = tpu.memref_slice %arg6[%parallel_loop3A_422] : memref<41728xf32, #tpu.memory_space<vmem>> -> memref<1300xf32, #tpu.memory_space<vmem>>
      %parallel_loop3A_424 = tpu.vector_load_idx %parallel_loop3A_423[%parallel_loop3A_193] : memref<1300xf32, #tpu.memory_space<vmem>>[vector<16xi32>], vector<16xf32>,
      %parallel_loop3A_425 = arith.constant 37816 : i32
      %parallel_loop3A_426 = tpu.memref_slice %arg6[%parallel_loop3A_425] : memref<41728xf32, #tpu.memory_space<vmem>> -> memref<1300xf32, #tpu.memory_space<vmem>>
      %parallel_loop3A_427 = tpu.vector_load_idx %parallel_loop3A_426[%parallel_loop3A_193] : memref<1300xf32, #tpu.memory_space<vmem>>[vector<16xi32>], vector<16xf32>,
      %parallel_loop3A_428 = arith.constant 39120 : i32
      %parallel_loop3A_429 = tpu.memref_slice %arg6[%parallel_loop3A_428] : memref<41728xf32, #tpu.memory_space<vmem>> -> memref<1300xf32, #tpu.memory_space<vmem>>
      %parallel_loop3A_430 = tpu.vector_load_idx %parallel_loop3A_429[%parallel_loop3A_193] : memref<1300xf32, #tpu.memory_space<vmem>>[vector<16xi32>], vector<16xf32>,
      %parallel_loop3A_431 = arith.constant 40424 : i32
      %parallel_loop3A_432 = tpu.memref_slice %arg6[%parallel_loop3A_431] : memref<41728xf32, #tpu.memory_space<vmem>> -> memref<1300xf32, #tpu.memory_space<vmem>>
      %parallel_loop3A_433 = tpu.vector_load_idx %parallel_loop3A_432[%parallel_loop3A_193] : memref<1300xf32, #tpu.memory_space<vmem>>[vector<16xi32>], vector<16xf32>,
      %parallel_loop3A_434 = arith.constant 16 : i32
      %parallel_loop3A_435 = arith.muli %parallel_loop3A_434, %parallel_loop3A_186 : i32
      %parallel_loop3A_436 = arith.constant 24 : i32
      %parallel_loop3A_437 = arith.index_cast %parallel_loop3A_436 : i32 to index
      %parallel_loop3A_438 = arith.index_cast %parallel_loop3A_435 : i32 to index
      %parallel_loop3A_439 = tpu.vector_load %arg7[%parallel_loop3A_437, %parallel_loop3A_438] {strides = array<i32>} : memref<32x128xf32, #tpu.memory_space<vmem>>, vector<16xf32>,
      tpu.vector_store %arg7[%parallel_loop3A_437, %parallel_loop3A_438], %parallel_loop3A_412 {strides = array<i32>} : memref<32x128xf32, #tpu.memory_space<vmem>>, vector<16xf32>,
      %parallel_loop3A_440 = arith.constant 16 : i32
      %parallel_loop3A_441 = arith.muli %parallel_loop3A_440, %parallel_loop3A_186 : i32
      %parallel_loop3A_442 = arith.constant 25 : i32
      %parallel_loop3A_443 = arith.index_cast %parallel_loop3A_442 : i32 to index
      %parallel_loop3A_444 = arith.index_cast %parallel_loop3A_441 : i32 to index
      %parallel_loop3A_445 = tpu.vector_load %arg7[%parallel_loop3A_443, %parallel_loop3A_444] {strides = array<i32>} : memref<32x128xf32, #tpu.memory_space<vmem>>, vector<16xf32>,
      tpu.vector_store %arg7[%parallel_loop3A_443, %parallel_loop3A_444], %parallel_loop3A_415 {strides = array<i32>} : memref<32x128xf32, #tpu.memory_space<vmem>>, vector<16xf32>,
      %parallel_loop3A_446 = arith.constant 16 : i32
      %parallel_loop3A_447 = arith.muli %parallel_loop3A_446, %parallel_loop3A_186 : i32
      %parallel_loop3A_448 = arith.constant 26 : i32
      %parallel_loop3A_449 = arith.index_cast %parallel_loop3A_448 : i32 to index
      %parallel_loop3A_450 = arith.index_cast %parallel_loop3A_447 : i32 to index
      %parallel_loop3A_451 = tpu.vector_load %arg7[%parallel_loop3A_449, %parallel_loop3A_450] {strides = array<i32>} : memref<32x128xf32, #tpu.memory_space<vmem>>, vector<16xf32>,
      tpu.vector_store %arg7[%parallel_loop3A_449, %parallel_loop3A_450], %parallel_loop3A_418 {strides = array<i32>} : memref<32x128xf32, #tpu.memory_space<vmem>>, vector<16xf32>,
      %parallel_loop3A_452 = arith.constant 16 : i32
      %parallel_loop3A_453 = arith.muli %parallel_loop3A_452, %parallel_loop3A_186 : i32
      %parallel_loop3A_454 = arith.constant 27 : i32
      %parallel_loop3A_455 = arith.index_cast %parallel_loop3A_454 : i32 to index
      %parallel_loop3A_456 = arith.index_cast %parallel_loop3A_453 : i32 to index
      %parallel_loop3A_457 = tpu.vector_load %arg7[%parallel_loop3A_455, %parallel_loop3A_456] {strides = array<i32>} : memref<32x128xf32, #tpu.memory_space<vmem>>, vector<16xf32>,
      tpu.vector_store %arg7[%parallel_loop3A_455, %parallel_loop3A_456], %parallel_loop3A_421 {strides = array<i32>} : memref<32x128xf32, #tpu.memory_space<vmem>>, vector<16xf32>,
      %parallel_loop3A_458 = arith.constant 16 : i32
      %parallel_loop3A_459 = arith.muli %parallel_loop3A_458, %parallel_loop3A_186 : i32
      %parallel_loop3A_460 = arith.constant 28 : i32
      %parallel_loop3A_461 = arith.index_cast %parallel_loop3A_460 : i32 to index
      %parallel_loop3A_462 = arith.index_cast %parallel_loop3A_459 : i32 to index
      %parallel_loop3A_463 = tpu.vector_load %arg7[%parallel_loop3A_461, %parallel_loop3A_462] {strides = array<i32>} : memref<32x128xf32, #tpu.memory_space<vmem>>, vector<16xf32>,
      tpu.vector_store %arg7[%parallel_loop3A_461, %parallel_loop3A_462], %parallel_loop3A_424 {strides = array<i32>} : memref<32x128xf32, #tpu.memory_space<vmem>>, vector<16xf32>,
      %parallel_loop3A_464 = arith.constant 16 : i32
      %parallel_loop3A_465 = arith.muli %parallel_loop3A_464, %parallel_loop3A_186 : i32
      %parallel_loop3A_466 = arith.constant 29 : i32
      %parallel_loop3A_467 = arith.index_cast %parallel_loop3A_466 : i32 to index
      %parallel_loop3A_468 = arith.index_cast %parallel_loop3A_465 : i32 to index
      %parallel_loop3A_469 = tpu.vector_load %arg7[%parallel_loop3A_467, %parallel_loop3A_468] {strides = array<i32>} : memref<32x128xf32, #tpu.memory_space<vmem>>, vector<16xf32>,
      tpu.vector_store %arg7[%parallel_loop3A_467, %parallel_loop3A_468], %parallel_loop3A_427 {strides = array<i32>} : memref<32x128xf32, #tpu.memory_space<vmem>>, vector<16xf32>,
      %parallel_loop3A_470 = arith.constant 16 : i32
      %parallel_loop3A_471 = arith.muli %parallel_loop3A_470, %parallel_loop3A_186 : i32
      %parallel_loop3A_472 = arith.constant 30 : i32
      %parallel_loop3A_473 = arith.index_cast %parallel_loop3A_472 : i32 to index
      %parallel_loop3A_474 = arith.index_cast %parallel_loop3A_471 : i32 to index
      %parallel_loop3A_475 = tpu.vector_load %arg7[%parallel_loop3A_473, %parallel_loop3A_474] {strides = array<i32>} : memref<32x128xf32, #tpu.memory_space<vmem>>, vector<16xf32>,
      tpu.vector_store %arg7[%parallel_loop3A_473, %parallel_loop3A_474], %parallel_loop3A_430 {strides = array<i32>} : memref<32x128xf32, #tpu.memory_space<vmem>>, vector<16xf32>,
      %parallel_loop3A_476 = arith.constant 16 : i32
      %parallel_loop3A_477 = arith.muli %parallel_loop3A_476, %parallel_loop3A_186 : i32
      %parallel_loop3A_478 = arith.constant 31 : i32
      %parallel_loop3A_479 = arith.index_cast %parallel_loop3A_478 : i32 to index
      %parallel_loop3A_480 = arith.index_cast %parallel_loop3A_477 : i32 to index
      %parallel_loop3A_481 = tpu.vector_load %arg7[%parallel_loop3A_479, %parallel_loop3A_480] {strides = array<i32>} : memref<32x128xf32, #tpu.memory_space<vmem>>, vector<16xf32>,
      tpu.vector_store %arg7[%parallel_loop3A_479, %parallel_loop3A_480], %parallel_loop3A_433 {strides = array<i32>} : memref<32x128xf32, #tpu.memory_space<vmem>>, vector<16xf32>,
    } {sc.loop_unroll_factor = 4 : i64, sc.parallel_access}
    %jit3A_133 = arith.constant 128 : i32
    %div3A_134 = arith.divsi %mul3A_2, %jit3A_133 : i32
    %sign3A_135 = arith.constant 0 : i32
    %sign3A_136 = arith.cmpi sgt, %mul3A_2, %sign3A_135 : i32
    %sign3A_137 = arith.extui %sign3A_136 : i1 to i32
    %sign3A_138 = arith.constant 0 : i32
    %sign3A_139 = arith.cmpi slt, %mul3A_2, %sign3A_138 : i32
    %sign3A_140 = arith.extui %sign3A_139 : i1 to i32
    %sign3A_141 = arith.subi %sign3A_137, %sign3A_140 : i32
    %sign3A_142 = arith.constant 0 : i32
    %sign3A_143 = arith.cmpi sgt, %jit3A_133, %sign3A_142 : i32
    %sign3A_144 = arith.extui %sign3A_143 : i1 to i32
    %sign3A_145 = arith.constant 0 : i32
    %sign3A_146 = arith.cmpi slt, %jit3A_133, %sign3A_145 : i32
    %sign3A_147 = arith.extui %sign3A_146 : i1 to i32
    %sign3A_148 = arith.subi %sign3A_144, %sign3A_147 : i32
    %ne3A_149 = arith.cmpi ne, %sign3A_141, %sign3A_148 : i32
    %rem3A_150 = arith.remsi %mul3A_2, %jit3A_133 : i32
    %ne3A_151 = arith.constant 0 : i32
    %ne3A_152 = arith.cmpi ne, %rem3A_150, %ne3A_151 : i32
    %and3A_153 = arith.andi %ne3A_149, %ne3A_152 : i1
    %sub3A_154 = arith.constant 1 : i32
    %sub3A_155 = arith.subi %div3A_134, %sub3A_154 : i32
    %select_n3A_156 = arith.select %and3A_153, %sub3A_155, %div3A_134 : i32
    %jit3A_157 = arith.constant 128 : i32
    %eq3A_158 = arith.constant 0 : i32
    %eq3A_159 = arith.cmpi eq, %jit3A_157, %eq3A_158 : i32
    %jit3A_160 = arith.constant 1 : i32
    %select_n3A_161 = arith.select %eq3A_159, %jit3A_160, %jit3A_157 : i32
    %rem3A_162 = arith.remsi %mul3A_2, %select_n3A_161 : i32
    %ne3A_163 = arith.constant 0 : i32
    %ne3A_164 = arith.cmpi ne, %rem3A_162, %ne3A_163 : i32
    %lt3A_165 = arith.constant 0 : i32
    %lt3A_166 = arith.cmpi slt, %rem3A_162, %lt3A_165 : i32
    %lt3A_167 = arith.constant 0 : i32
    %lt3A_168 = arith.cmpi slt, %select_n3A_161, %lt3A_167 : i32
    %ne3A_169 = arith.xori %lt3A_166, %lt3A_168 : i1
    %and3A_170 = arith.andi %ne3A_169, %ne3A_164 : i1
    %add3A_171 = arith.addi %rem3A_162, %select_n3A_161 : i32
    %select_n3A_172 = arith.select %and3A_170, %add3A_171, %rem3A_162 : i32
    %mul3A_173 = arith.constant 128 : i32
    %mul3A_174 = arith.muli %select_n3A_172, %mul3A_173 : i32
    %dma_start3A_175 = arith.constant 0 : i32
    %dma_start3A_176 = tpu.memref_slice %arg4[%select_n3A_156, %dma_start3A_175, %mul3A_174] : memref<26x32x16384xf32, #tpu.memory_space<hbm>> -> memref<1x32x128xf32, #tpu.memory_space<hbm>>
    %dma_start3A_177 = tpu.memref_squeeze %dma_start3A_176 : memref<1x32x128xf32, #tpu.memory_space<hbm>> -> memref<32x128xf32, #tpu.memory_space<hbm>>
    %dma_start3A_178 = arith.constant 0 : i32
    %dma_start3A_179 = tpu.memref_slice %arg4[%select_n3A_156, %dma_start3A_178, %mul3A_174] : memref<26x32x16384xf32, #tpu.memory_space<hbm>> -> memref<1x32x128xf32, #tpu.memory_space<hbm>>
    %dma_start3A_180 = tpu.memref_squeeze %dma_start3A_179 : memref<1x32x128xf32, #tpu.memory_space<hbm>> -> memref<32x128xf32, #tpu.memory_space<hbm>>
    tpu.enqueue_dma source(%arg7 : memref<32x128xf32, #tpu.memory_space<vmem>>) target(%dma_start3A_180 : memref<32x128xf32, #tpu.memory_space<hbm>>) target_semaphore(%arg9 : memref<!tpu.dma_semaphore, #tpu.memory_space<semaphore_mem>>)
    %scan3A = arith.constant 0 : i32
    %scan3A_181 = arith.constant 0 : i32
    %scan3A_182 = arith.constant 52 : i32
    %scan3A_183 = arith.addi %scan3A_181, %scan3A_182 : i32
    %scan3A_184 = arith.constant 1 : i32
    scf.for %scan3A_186 = %scan3A_181 to %scan3A_183 step %scan3A_184  : i32 {
      %mul3A_187 = arith.constant 2 : i32
      %mul3A_188 = arith.muli %mul3A_187, %scan3A_186 : i32
      %add3A_189 = arith.addi %mul3A_2, %mul3A_188 : i32
      %add3A_190 = arith.constant 1 : i32
      %add3A_191 = arith.addi %mul3A_188, %add3A_190 : i32
      %lt3A_192 = arith.constant 104 : i32
      %lt3A_193 = arith.cmpi slt, %add3A_191, %lt3A_192 : i32
      %convert_element_type3A = arith.extui %lt3A_193 : i1 to i32
      %cond3A = arith.constant 0 : i32
      %cond3A_194 = arith.cmpi ne, %convert_element_type3A, %cond3A : i32
      scf.if %cond3A_194 {
        %add3A_303 = arith.constant 1 : i32
        %add3A_304 = arith.addi %add3A_189, %add3A_303 : i32
        %jit3A_305 = arith.constant 128 : i32
        %div3A_306 = arith.divsi %add3A_304, %jit3A_305 : i32
        %sign3A_307 = arith.constant 0 : i32
        %sign3A_308 = arith.cmpi sgt, %add3A_304, %sign3A_307 : i32
        %sign3A_309 = arith.extui %sign3A_308 : i1 to i32
        %sign3A_310 = arith.constant 0 : i32
        %sign3A_311 = arith.cmpi slt, %add3A_304, %sign3A_310 : i32
        %sign3A_312 = arith.extui %sign3A_311 : i1 to i32
        %sign3A_313 = arith.subi %sign3A_309, %sign3A_312 : i32
        %sign3A_314 = arith.constant 0 : i32
        %sign3A_315 = arith.cmpi sgt, %jit3A_305, %sign3A_314 : i32
        %sign3A_316 = arith.extui %sign3A_315 : i1 to i32
        %sign3A_317 = arith.constant 0 : i32
        %sign3A_318 = arith.cmpi slt, %jit3A_305, %sign3A_317 : i32
        %sign3A_319 = arith.extui %sign3A_318 : i1 to i32
        %sign3A_320 = arith.subi %sign3A_316, %sign3A_319 : i32
        %ne3A_321 = arith.cmpi ne, %sign3A_313, %sign3A_320 : i32
        %rem3A_322 = arith.remsi %add3A_304, %jit3A_305 : i32
        %ne3A_323 = arith.constant 0 : i32
        %ne3A_324 = arith.cmpi ne, %rem3A_322, %ne3A_323 : i32
        %and3A_325 = arith.andi %ne3A_321, %ne3A_324 : i1
        %sub3A_326 = arith.constant 1 : i32
        %sub3A_327 = arith.subi %div3A_306, %sub3A_326 : i32
        %select_n3A_328 = arith.select %and3A_325, %sub3A_327, %div3A_306 : i32
        %jit3A_329 = arith.constant 128 : i32
        %eq3A_330 = arith.constant 0 : i32
        %eq3A_331 = arith.cmpi eq, %jit3A_329, %eq3A_330 : i32
        %jit3A_332 = arith.constant 1 : i32
        %select_n3A_333 = arith.select %eq3A_331, %jit3A_332, %jit3A_329 : i32
        %rem3A_334 = arith.remsi %add3A_304, %select_n3A_333 : i32
        %ne3A_335 = arith.constant 0 : i32
        %ne3A_336 = arith.cmpi ne, %rem3A_334, %ne3A_335 : i32
        %lt3A_337 = arith.constant 0 : i32
        %lt3A_338 = arith.cmpi slt, %rem3A_334, %lt3A_337 : i32
        %lt3A_339 = arith.constant 0 : i32
        %lt3A_340 = arith.cmpi slt, %select_n3A_333, %lt3A_339 : i32
        %ne3A_341 = arith.xori %lt3A_338, %lt3A_340 : i1
        %and3A_342 = arith.andi %ne3A_341, %ne3A_336 : i1
        %add3A_343 = arith.addi %rem3A_334, %select_n3A_333 : i32
        %select_n3A_344 = arith.select %and3A_342, %add3A_343, %rem3A_334 : i32
        %mul3A_345 = arith.constant 128 : i32
        %mul3A_346 = arith.muli %select_n3A_344, %mul3A_345 : i32
        %sub3A_347 = arith.subi %select_n3A_328, %select_n3A : i32
        %mul3A_348 = arith.constant 16384 : i32
        %mul3A_349 = arith.muli %sub3A_347, %mul3A_348 : i32
        %add3A_350 = arith.addi %mul3A_349, %mul3A_346 : i32
        %mul3A_351 = arith.constant 50 : i32
        %mul3A_352 = arith.muli %select_n3A_328, %mul3A_351 : i32
        %parallel_loop3A_353 = arith.constant 0 : i32
        %parallel_loop3A_354 = arith.constant 8 : i32
        %parallel_loop3A_355 = arith.constant 1 : i32
        scf.for %parallel_loop3A_406 = %parallel_loop3A_353 to %parallel_loop3A_354 step %parallel_loop3A_355  : i32 {
          %parallel_loop3A_407 = arith.constant 16 : i32
          %parallel_loop3A_408 = arith.muli %parallel_loop3A_407, %parallel_loop3A_406 : i32
          %parallel_loop3A_409 = arith.addi %add3A_350, %parallel_loop3A_408 : i32
          %parallel_loop3A_410 = arith.index_cast %parallel_loop3A_409 : i32 to index
          %parallel_loop3A_411 = tpu.vector_load %arg5[%parallel_loop3A_410] {strides = array<i32>} : memref<32768xi32, #tpu.memory_space<vmem>>, vector<16xi32>,
          %parallel_loop3A_412 = vector.broadcast %mul3A_352 : i32 to vector<16xi32>
          %parallel_loop3A_413 = arith.addi %parallel_loop3A_411, %parallel_loop3A_412 : vector<16xi32>
          %parallel_loop3A_414 = arith.constant 0 : i32
          %parallel_loop3A_415 = tpu.memref_slice %arg6[%parallel_loop3A_414] : memref<41728xf32, #tpu.memory_space<vmem>> -> memref<1300xf32, #tpu.memory_space<vmem>>
          %parallel_loop3A_416 = tpu.vector_load_idx %parallel_loop3A_415[%parallel_loop3A_413] : memref<1300xf32, #tpu.memory_space<vmem>>[vector<16xi32>], vector<16xf32>,
          %parallel_loop3A_417 = arith.constant 1304 : i32
          %parallel_loop3A_418 = tpu.memref_slice %arg6[%parallel_loop3A_417] : memref<41728xf32, #tpu.memory_space<vmem>> -> memref<1300xf32, #tpu.memory_space<vmem>>
          %parallel_loop3A_419 = tpu.vector_load_idx %parallel_loop3A_418[%parallel_loop3A_413] : memref<1300xf32, #tpu.memory_space<vmem>>[vector<16xi32>], vector<16xf32>,
          %parallel_loop3A_420 = arith.constant 2608 : i32
          %parallel_loop3A_421 = tpu.memref_slice %arg6[%parallel_loop3A_420] : memref<41728xf32, #tpu.memory_space<vmem>> -> memref<1300xf32, #tpu.memory_space<vmem>>
          %parallel_loop3A_422 = tpu.vector_load_idx %parallel_loop3A_421[%parallel_loop3A_413] : memref<1300xf32, #tpu.memory_space<vmem>>[vector<16xi32>], vector<16xf32>,
          %parallel_loop3A_423 = arith.constant 3912 : i32
          %parallel_loop3A_424 = tpu.memref_slice %arg6[%parallel_loop3A_423] : memref<41728xf32, #tpu.memory_space<vmem>> -> memref<1300xf32, #tpu.memory_space<vmem>>
          %parallel_loop3A_425 = tpu.vector_load_idx %parallel_loop3A_424[%parallel_loop3A_413] : memref<1300xf32, #tpu.memory_space<vmem>>[vector<16xi32>], vector<16xf32>,
          %parallel_loop3A_426 = arith.constant 5216 : i32
          %parallel_loop3A_427 = tpu.memref_slice %arg6[%parallel_loop3A_426] : memref<41728xf32, #tpu.memory_space<vmem>> -> memref<1300xf32, #tpu.memory_space<vmem>>
          %parallel_loop3A_428 = tpu.vector_load_idx %parallel_loop3A_427[%parallel_loop3A_413] : memref<1300xf32, #tpu.memory_space<vmem>>[vector<16xi32>], vector<16xf32>,
          %parallel_loop3A_429 = arith.constant 6520 : i32
          %parallel_loop3A_430 = tpu.memref_slice %arg6[%parallel_loop3A_429] : memref<41728xf32, #tpu.memory_space<vmem>> -> memref<1300xf32, #tpu.memory_space<vmem>>
          %parallel_loop3A_431 = tpu.vector_load_idx %parallel_loop3A_430[%parallel_loop3A_413] : memref<1300xf32, #tpu.memory_space<vmem>>[vector<16xi32>], vector<16xf32>,
          %parallel_loop3A_432 = arith.constant 7824 : i32
          %parallel_loop3A_433 = tpu.memref_slice %arg6[%parallel_loop3A_432] : memref<41728xf32, #tpu.memory_space<vmem>> -> memref<1300xf32, #tpu.memory_space<vmem>>
          %parallel_loop3A_434 = tpu.vector_load_idx %parallel_loop3A_433[%parallel_loop3A_413] : memref<1300xf32, #tpu.memory_space<vmem>>[vector<16xi32>], vector<16xf32>,
          %parallel_loop3A_435 = arith.constant 9128 : i32
          %parallel_loop3A_436 = tpu.memref_slice %arg6[%parallel_loop3A_435] : memref<41728xf32, #tpu.memory_space<vmem>> -> memref<1300xf32, #tpu.memory_space<vmem>>
          %parallel_loop3A_437 = tpu.vector_load_idx %parallel_loop3A_436[%parallel_loop3A_413] : memref<1300xf32, #tpu.memory_space<vmem>>[vector<16xi32>], vector<16xf32>,
          %parallel_loop3A_438 = arith.constant 16 : i32
          %parallel_loop3A_439 = arith.muli %parallel_loop3A_438, %parallel_loop3A_406 : i32
          %parallel_loop3A_440 = arith.constant 0 : i32
          %parallel_loop3A_441 = arith.index_cast %parallel_loop3A_440 : i32 to index
          %parallel_loop3A_442 = arith.index_cast %parallel_loop3A_439 : i32 to index
          %parallel_loop3A_443 = tpu.vector_load %arg8[%parallel_loop3A_441, %parallel_loop3A_442] {strides = array<i32>} : memref<32x128xf32, #tpu.memory_space<vmem>>, vector<16xf32>,
          tpu.vector_store %arg8[%parallel_loop3A_441, %parallel_loop3A_442], %parallel_loop3A_416 {strides = array<i32>} : memref<32x128xf32, #tpu.memory_space<vmem>>, vector<16xf32>,
          %parallel_loop3A_444 = arith.constant 16 : i32
          %parallel_loop3A_445 = arith.muli %parallel_loop3A_444, %parallel_loop3A_406 : i32
          %parallel_loop3A_446 = arith.constant 1 : i32
          %parallel_loop3A_447 = arith.index_cast %parallel_loop3A_446 : i32 to index
          %parallel_loop3A_448 = arith.index_cast %parallel_loop3A_445 : i32 to index
          %parallel_loop3A_449 = tpu.vector_load %arg8[%parallel_loop3A_447, %parallel_loop3A_448] {strides = array<i32>} : memref<32x128xf32, #tpu.memory_space<vmem>>, vector<16xf32>,
          tpu.vector_store %arg8[%parallel_loop3A_447, %parallel_loop3A_448], %parallel_loop3A_419 {strides = array<i32>} : memref<32x128xf32, #tpu.memory_space<vmem>>, vector<16xf32>,
          %parallel_loop3A_450 = arith.constant 16 : i32
          %parallel_loop3A_451 = arith.muli %parallel_loop3A_450, %parallel_loop3A_406 : i32
          %parallel_loop3A_452 = arith.constant 2 : i32
          %parallel_loop3A_453 = arith.index_cast %parallel_loop3A_452 : i32 to index
          %parallel_loop3A_454 = arith.index_cast %parallel_loop3A_451 : i32 to index
          %parallel_loop3A_455 = tpu.vector_load %arg8[%parallel_loop3A_453, %parallel_loop3A_454] {strides = array<i32>} : memref<32x128xf32, #tpu.memory_space<vmem>>, vector<16xf32>,
          tpu.vector_store %arg8[%parallel_loop3A_453, %parallel_loop3A_454], %parallel_loop3A_422 {strides = array<i32>} : memref<32x128xf32, #tpu.memory_space<vmem>>, vector<16xf32>,
          %parallel_loop3A_456 = arith.constant 16 : i32
          %parallel_loop3A_457 = arith.muli %parallel_loop3A_456, %parallel_loop3A_406 : i32
          %parallel_loop3A_458 = arith.constant 3 : i32
          %parallel_loop3A_459 = arith.index_cast %parallel_loop3A_458 : i32 to index
          %parallel_loop3A_460 = arith.index_cast %parallel_loop3A_457 : i32 to index
          %parallel_loop3A_461 = tpu.vector_load %arg8[%parallel_loop3A_459, %parallel_loop3A_460] {strides = array<i32>} : memref<32x128xf32, #tpu.memory_space<vmem>>, vector<16xf32>,
          tpu.vector_store %arg8[%parallel_loop3A_459, %parallel_loop3A_460], %parallel_loop3A_425 {strides = array<i32>} : memref<32x128xf32, #tpu.memory_space<vmem>>, vector<16xf32>,
          %parallel_loop3A_462 = arith.constant 16 : i32
          %parallel_loop3A_463 = arith.muli %parallel_loop3A_462, %parallel_loop3A_406 : i32
          %parallel_loop3A_464 = arith.constant 4 : i32
          %parallel_loop3A_465 = arith.index_cast %parallel_loop3A_464 : i32 to index
          %parallel_loop3A_466 = arith.index_cast %parallel_loop3A_463 : i32 to index
          %parallel_loop3A_467 = tpu.vector_load %arg8[%parallel_loop3A_465, %parallel_loop3A_466] {strides = array<i32>} : memref<32x128xf32, #tpu.memory_space<vmem>>, vector<16xf32>,
          tpu.vector_store %arg8[%parallel_loop3A_465, %parallel_loop3A_466], %parallel_loop3A_428 {strides = array<i32>} : memref<32x128xf32, #tpu.memory_space<vmem>>, vector<16xf32>,
          %parallel_loop3A_468 = arith.constant 16 : i32
          %parallel_loop3A_469 = arith.muli %parallel_loop3A_468, %parallel_loop3A_406 : i32
          %parallel_loop3A_470 = arith.constant 5 : i32
          %parallel_loop3A_471 = arith.index_cast %parallel_loop3A_470 : i32 to index
          %parallel_loop3A_472 = arith.index_cast %parallel_loop3A_469 : i32 to index
          %parallel_loop3A_473 = tpu.vector_load %arg8[%parallel_loop3A_471, %parallel_loop3A_472] {strides = array<i32>} : memref<32x128xf32, #tpu.memory_space<vmem>>, vector<16xf32>,
          tpu.vector_store %arg8[%parallel_loop3A_471, %parallel_loop3A_472], %parallel_loop3A_431 {strides = array<i32>} : memref<32x128xf32, #tpu.memory_space<vmem>>, vector<16xf32>,
          %parallel_loop3A_474 = arith.constant 16 : i32
          %parallel_loop3A_475 = arith.muli %parallel_loop3A_474, %parallel_loop3A_406 : i32
          %parallel_loop3A_476 = arith.constant 6 : i32
          %parallel_loop3A_477 = arith.index_cast %parallel_loop3A_476 : i32 to index
          %parallel_loop3A_478 = arith.index_cast %parallel_loop3A_475 : i32 to index
          %parallel_loop3A_479 = tpu.vector_load %arg8[%parallel_loop3A_477, %parallel_loop3A_478] {strides = array<i32>} : memref<32x128xf32, #tpu.memory_space<vmem>>, vector<16xf32>,
          tpu.vector_store %arg8[%parallel_loop3A_477, %parallel_loop3A_478], %parallel_loop3A_434 {strides = array<i32>} : memref<32x128xf32, #tpu.memory_space<vmem>>, vector<16xf32>,
          %parallel_loop3A_480 = arith.constant 16 : i32
          %parallel_loop3A_481 = arith.muli %parallel_loop3A_480, %parallel_loop3A_406 : i32
          %parallel_loop3A_482 = arith.constant 7 : i32
          %parallel_loop3A_483 = arith.index_cast %parallel_loop3A_482 : i32 to index
          %parallel_loop3A_484 = arith.index_cast %parallel_loop3A_481 : i32 to index
          %parallel_loop3A_485 = tpu.vector_load %arg8[%parallel_loop3A_483, %parallel_loop3A_484] {strides = array<i32>} : memref<32x128xf32, #tpu.memory_space<vmem>>, vector<16xf32>,
          tpu.vector_store %arg8[%parallel_loop3A_483, %parallel_loop3A_484], %parallel_loop3A_437 {strides = array<i32>} : memref<32x128xf32, #tpu.memory_space<vmem>>, vector<16xf32>,
          %parallel_loop3A_486 = arith.constant 10432 : i32
          %parallel_loop3A_487 = tpu.memref_slice %arg6[%parallel_loop3A_486] : memref<41728xf32, #tpu.memory_space<vmem>> -> memref<1300xf32, #tpu.memory_space<vmem>>
          %parallel_loop3A_488 = tpu.vector_load_idx %parallel_loop3A_487[%parallel_loop3A_413] : memref<1300xf32, #tpu.memory_space<vmem>>[vector<16xi32>], vector<16xf32>,
          %parallel_loop3A_489 = arith.constant 11736 : i32
          %parallel_loop3A_490 = tpu.memref_slice %arg6[%parallel_loop3A_489] : memref<41728xf32, #tpu.memory_space<vmem>> -> memref<1300xf32, #tpu.memory_space<vmem>>
          %parallel_loop3A_491 = tpu.vector_load_idx %parallel_loop3A_490[%parallel_loop3A_413] : memref<1300xf32, #tpu.memory_space<vmem>>[vector<16xi32>], vector<16xf32>,
          %parallel_loop3A_492 = arith.constant 13040 : i32
          %parallel_loop3A_493 = tpu.memref_slice %arg6[%parallel_loop3A_492] : memref<41728xf32, #tpu.memory_space<vmem>> -> memref<1300xf32, #tpu.memory_space<vmem>>
          %parallel_loop3A_494 = tpu.vector_load_idx %parallel_loop3A_493[%parallel_loop3A_413] : memref<1300xf32, #tpu.memory_space<vmem>>[vector<16xi32>], vector<16xf32>,
          %parallel_loop3A_495 = arith.constant 14344 : i32
          %parallel_loop3A_496 = tpu.memref_slice %arg6[%parallel_loop3A_495] : memref<41728xf32, #tpu.memory_space<vmem>> -> memref<1300xf32, #tpu.memory_space<vmem>>
          %parallel_loop3A_497 = tpu.vector_load_idx %parallel_loop3A_496[%parallel_loop3A_413] : memref<1300xf32, #tpu.memory_space<vmem>>[vector<16xi32>], vector<16xf32>,
          %parallel_loop3A_498 = arith.constant 15648 : i32
          %parallel_loop3A_499 = tpu.memref_slice %arg6[%parallel_loop3A_498] : memref<41728xf32, #tpu.memory_space<vmem>> -> memref<1300xf32, #tpu.memory_space<vmem>>
          %parallel_loop3A_500 = tpu.vector_load_idx %parallel_loop3A_499[%parallel_loop3A_413] : memref<1300xf32, #tpu.memory_space<vmem>>[vector<16xi32>], vector<16xf32>,
          %parallel_loop3A_501 = arith.constant 16952 : i32
          %parallel_loop3A_502 = tpu.memref_slice %arg6[%parallel_loop3A_501] : memref<41728xf32, #tpu.memory_space<vmem>> -> memref<1300xf32, #tpu.memory_space<vmem>>
          %parallel_loop3A_503 = tpu.vector_load_idx %parallel_loop3A_502[%parallel_loop3A_413] : memref<1300xf32, #tpu.memory_space<vmem>>[vector<16xi32>], vector<16xf32>,
          %parallel_loop3A_504 = arith.constant 18256 : i32
          %parallel_loop3A_505 = tpu.memref_slice %arg6[%parallel_loop3A_504] : memref<41728xf32, #tpu.memory_space<vmem>> -> memref<1300xf32, #tpu.memory_space<vmem>>
          %parallel_loop3A_506 = tpu.vector_load_idx %parallel_loop3A_505[%parallel_loop3A_413] : memref<1300xf32, #tpu.memory_space<vmem>>[vector<16xi32>], vector<16xf32>,
          %parallel_loop3A_507 = arith.constant 19560 : i32
          %parallel_loop3A_508 = tpu.memref_slice %arg6[%parallel_loop3A_507] : memref<41728xf32, #tpu.memory_space<vmem>> -> memref<1300xf32, #tpu.memory_space<vmem>>
          %parallel_loop3A_509 = tpu.vector_load_idx %parallel_loop3A_508[%parallel_loop3A_413] : memref<1300xf32, #tpu.memory_space<vmem>>[vector<16xi32>], vector<16xf32>,
          %parallel_loop3A_510 = arith.constant 16 : i32
          %parallel_loop3A_511 = arith.muli %parallel_loop3A_510, %parallel_loop3A_406 : i32
          %parallel_loop3A_512 = arith.constant 8 : i32
          %parallel_loop3A_513 = arith.index_cast %parallel_loop3A_512 : i32 to index
          %parallel_loop3A_514 = arith.index_cast %parallel_loop3A_511 : i32 to index
          %parallel_loop3A_515 = tpu.vector_load %arg8[%parallel_loop3A_513, %parallel_loop3A_514] {strides = array<i32>} : memref<32x128xf32, #tpu.memory_space<vmem>>, vector<16xf32>,
          tpu.vector_store %arg8[%parallel_loop3A_513, %parallel_loop3A_514], %parallel_loop3A_488 {strides = array<i32>} : memref<32x128xf32, #tpu.memory_space<vmem>>, vector<16xf32>,
          %parallel_loop3A_516 = arith.constant 16 : i32
          %parallel_loop3A_517 = arith.muli %parallel_loop3A_516, %parallel_loop3A_406 : i32
          %parallel_loop3A_518 = arith.constant 9 : i32
          %parallel_loop3A_519 = arith.index_cast %parallel_loop3A_518 : i32 to index
          %parallel_loop3A_520 = arith.index_cast %parallel_loop3A_517 : i32 to index
          %parallel_loop3A_521 = tpu.vector_load %arg8[%parallel_loop3A_519, %parallel_loop3A_520] {strides = array<i32>} : memref<32x128xf32, #tpu.memory_space<vmem>>, vector<16xf32>,
          tpu.vector_store %arg8[%parallel_loop3A_519, %parallel_loop3A_520], %parallel_loop3A_491 {strides = array<i32>} : memref<32x128xf32, #tpu.memory_space<vmem>>, vector<16xf32>,
          %parallel_loop3A_522 = arith.constant 16 : i32
          %parallel_loop3A_523 = arith.muli %parallel_loop3A_522, %parallel_loop3A_406 : i32
          %parallel_loop3A_524 = arith.constant 10 : i32
          %parallel_loop3A_525 = arith.index_cast %parallel_loop3A_524 : i32 to index
          %parallel_loop3A_526 = arith.index_cast %parallel_loop3A_523 : i32 to index
          %parallel_loop3A_527 = tpu.vector_load %arg8[%parallel_loop3A_525, %parallel_loop3A_526] {strides = array<i32>} : memref<32x128xf32, #tpu.memory_space<vmem>>, vector<16xf32>,
          tpu.vector_store %arg8[%parallel_loop3A_525, %parallel_loop3A_526], %parallel_loop3A_494 {strides = array<i32>} : memref<32x128xf32, #tpu.memory_space<vmem>>, vector<16xf32>,
          %parallel_loop3A_528 = arith.constant 16 : i32
          %parallel_loop3A_529 = arith.muli %parallel_loop3A_528, %parallel_loop3A_406 : i32
          %parallel_loop3A_530 = arith.constant 11 : i32
          %parallel_loop3A_531 = arith.index_cast %parallel_loop3A_530 : i32 to index
          %parallel_loop3A_532 = arith.index_cast %parallel_loop3A_529 : i32 to index
          %parallel_loop3A_533 = tpu.vector_load %arg8[%parallel_loop3A_531, %parallel_loop3A_532] {strides = array<i32>} : memref<32x128xf32, #tpu.memory_space<vmem>>, vector<16xf32>,
          tpu.vector_store %arg8[%parallel_loop3A_531, %parallel_loop3A_532], %parallel_loop3A_497 {strides = array<i32>} : memref<32x128xf32, #tpu.memory_space<vmem>>, vector<16xf32>,
          %parallel_loop3A_534 = arith.constant 16 : i32
          %parallel_loop3A_535 = arith.muli %parallel_loop3A_534, %parallel_loop3A_406 : i32
          %parallel_loop3A_536 = arith.constant 12 : i32
          %parallel_loop3A_537 = arith.index_cast %parallel_loop3A_536 : i32 to index
          %parallel_loop3A_538 = arith.index_cast %parallel_loop3A_535 : i32 to index
          %parallel_loop3A_539 = tpu.vector_load %arg8[%parallel_loop3A_537, %parallel_loop3A_538] {strides = array<i32>} : memref<32x128xf32, #tpu.memory_space<vmem>>, vector<16xf32>,
          tpu.vector_store %arg8[%parallel_loop3A_537, %parallel_loop3A_538], %parallel_loop3A_500 {strides = array<i32>} : memref<32x128xf32, #tpu.memory_space<vmem>>, vector<16xf32>,
          %parallel_loop3A_540 = arith.constant 16 : i32
          %parallel_loop3A_541 = arith.muli %parallel_loop3A_540, %parallel_loop3A_406 : i32
          %parallel_loop3A_542 = arith.constant 13 : i32
          %parallel_loop3A_543 = arith.index_cast %parallel_loop3A_542 : i32 to index
          %parallel_loop3A_544 = arith.index_cast %parallel_loop3A_541 : i32 to index
          %parallel_loop3A_545 = tpu.vector_load %arg8[%parallel_loop3A_543, %parallel_loop3A_544] {strides = array<i32>} : memref<32x128xf32, #tpu.memory_space<vmem>>, vector<16xf32>,
          tpu.vector_store %arg8[%parallel_loop3A_543, %parallel_loop3A_544], %parallel_loop3A_503 {strides = array<i32>} : memref<32x128xf32, #tpu.memory_space<vmem>>, vector<16xf32>,
          %parallel_loop3A_546 = arith.constant 16 : i32
          %parallel_loop3A_547 = arith.muli %parallel_loop3A_546, %parallel_loop3A_406 : i32
          %parallel_loop3A_548 = arith.constant 14 : i32
          %parallel_loop3A_549 = arith.index_cast %parallel_loop3A_548 : i32 to index
          %parallel_loop3A_550 = arith.index_cast %parallel_loop3A_547 : i32 to index
          %parallel_loop3A_551 = tpu.vector_load %arg8[%parallel_loop3A_549, %parallel_loop3A_550] {strides = array<i32>} : memref<32x128xf32, #tpu.memory_space<vmem>>, vector<16xf32>,
          tpu.vector_store %arg8[%parallel_loop3A_549, %parallel_loop3A_550], %parallel_loop3A_506 {strides = array<i32>} : memref<32x128xf32, #tpu.memory_space<vmem>>, vector<16xf32>,
          %parallel_loop3A_552 = arith.constant 16 : i32
          %parallel_loop3A_553 = arith.muli %parallel_loop3A_552, %parallel_loop3A_406 : i32
          %parallel_loop3A_554 = arith.constant 15 : i32
          %parallel_loop3A_555 = arith.index_cast %parallel_loop3A_554 : i32 to index
          %parallel_loop3A_556 = arith.index_cast %parallel_loop3A_553 : i32 to index
          %parallel_loop3A_557 = tpu.vector_load %arg8[%parallel_loop3A_555, %parallel_loop3A_556] {strides = array<i32>} : memref<32x128xf32, #tpu.memory_space<vmem>>, vector<16xf32>,
          tpu.vector_store %arg8[%parallel_loop3A_555, %parallel_loop3A_556], %parallel_loop3A_509 {strides = array<i32>} : memref<32x128xf32, #tpu.memory_space<vmem>>, vector<16xf32>,
          %parallel_loop3A_558 = arith.constant 20864 : i32
          %parallel_loop3A_559 = tpu.memref_slice %arg6[%parallel_loop3A_558] : memref<41728xf32, #tpu.memory_space<vmem>> -> memref<1300xf32, #tpu.memory_space<vmem>>
          %parallel_loop3A_560 = tpu.vector_load_idx %parallel_loop3A_559[%parallel_loop3A_413] : memref<1300xf32, #tpu.memory_space<vmem>>[vector<16xi32>], vector<16xf32>,
          %parallel_loop3A_561 = arith.constant 22168 : i32
          %parallel_loop3A_562 = tpu.memref_slice %arg6[%parallel_loop3A_561] : memref<41728xf32, #tpu.memory_space<vmem>> -> memref<1300xf32, #tpu.memory_space<vmem>>
          %parallel_loop3A_563 = tpu.vector_load_idx %parallel_loop3A_562[%parallel_loop3A_413] : memref<1300xf32, #tpu.memory_space<vmem>>[vector<16xi32>], vector<16xf32>,
          %parallel_loop3A_564 = arith.constant 23472 : i32
          %parallel_loop3A_565 = tpu.memref_slice %arg6[%parallel_loop3A_564] : memref<41728xf32, #tpu.memory_space<vmem>> -> memref<1300xf32, #tpu.memory_space<vmem>>
          %parallel_loop3A_566 = tpu.vector_load_idx %parallel_loop3A_565[%parallel_loop3A_413] : memref<1300xf32, #tpu.memory_space<vmem>>[vector<16xi32>], vector<16xf32>,
          %parallel_loop3A_567 = arith.constant 24776 : i32
          %parallel_loop3A_568 = tpu.memref_slice %arg6[%parallel_loop3A_567] : memref<41728xf32, #tpu.memory_space<vmem>> -> memref<1300xf32, #tpu.memory_space<vmem>>
          %parallel_loop3A_569 = tpu.vector_load_idx %parallel_loop3A_568[%parallel_loop3A_413] : memref<1300xf32, #tpu.memory_space<vmem>>[vector<16xi32>], vector<16xf32>,
          %parallel_loop3A_570 = arith.constant 26080 : i32
          %parallel_loop3A_571 = tpu.memref_slice %arg6[%parallel_loop3A_570] : memref<41728xf32, #tpu.memory_space<vmem>> -> memref<1300xf32, #tpu.memory_space<vmem>>
          %parallel_loop3A_572 = tpu.vector_load_idx %parallel_loop3A_571[%parallel_loop3A_413] : memref<1300xf32, #tpu.memory_space<vmem>>[vector<16xi32>], vector<16xf32>,
          %parallel_loop3A_573 = arith.constant 27384 : i32
          %parallel_loop3A_574 = tpu.memref_slice %arg6[%parallel_loop3A_573] : memref<41728xf32, #tpu.memory_space<vmem>> -> memref<1300xf32, #tpu.memory_space<vmem>>
          %parallel_loop3A_575 = tpu.vector_load_idx %parallel_loop3A_574[%parallel_loop3A_413] : memref<1300xf32, #tpu.memory_space<vmem>>[vector<16xi32>], vector<16xf32>,
          %parallel_loop3A_576 = arith.constant 28688 : i32
          %parallel_loop3A_577 = tpu.memref_slice %arg6[%parallel_loop3A_576] : memref<41728xf32, #tpu.memory_space<vmem>> -> memref<1300xf32, #tpu.memory_space<vmem>>
          %parallel_loop3A_578 = tpu.vector_load_idx %parallel_loop3A_577[%parallel_loop3A_413] : memref<1300xf32, #tpu.memory_space<vmem>>[vector<16xi32>], vector<16xf32>,
          %parallel_loop3A_579 = arith.constant 29992 : i32
          %parallel_loop3A_580 = tpu.memref_slice %arg6[%parallel_loop3A_579] : memref<41728xf32, #tpu.memory_space<vmem>> -> memref<1300xf32, #tpu.memory_space<vmem>>
          %parallel_loop3A_581 = tpu.vector_load_idx %parallel_loop3A_580[%parallel_loop3A_413] : memref<1300xf32, #tpu.memory_space<vmem>>[vector<16xi32>], vector<16xf32>,
          %parallel_loop3A_582 = arith.constant 16 : i32
          %parallel_loop3A_583 = arith.muli %parallel_loop3A_582, %parallel_loop3A_406 : i32
          %parallel_loop3A_584 = arith.constant 16 : i32
          %parallel_loop3A_585 = arith.index_cast %parallel_loop3A_584 : i32 to index
          %parallel_loop3A_586 = arith.index_cast %parallel_loop3A_583 : i32 to index
          %parallel_loop3A_587 = tpu.vector_load %arg8[%parallel_loop3A_585, %parallel_loop3A_586] {strides = array<i32>} : memref<32x128xf32, #tpu.memory_space<vmem>>, vector<16xf32>,
          tpu.vector_store %arg8[%parallel_loop3A_585, %parallel_loop3A_586], %parallel_loop3A_560 {strides = array<i32>} : memref<32x128xf32, #tpu.memory_space<vmem>>, vector<16xf32>,
          %parallel_loop3A_588 = arith.constant 16 : i32
          %parallel_loop3A_589 = arith.muli %parallel_loop3A_588, %parallel_loop3A_406 : i32
          %parallel_loop3A_590 = arith.constant 17 : i32
          %parallel_loop3A_591 = arith.index_cast %parallel_loop3A_590 : i32 to index
          %parallel_loop3A_592 = arith.index_cast %parallel_loop3A_589 : i32 to index
          %parallel_loop3A_593 = tpu.vector_load %arg8[%parallel_loop3A_591, %parallel_loop3A_592] {strides = array<i32>} : memref<32x128xf32, #tpu.memory_space<vmem>>, vector<16xf32>,
          tpu.vector_store %arg8[%parallel_loop3A_591, %parallel_loop3A_592], %parallel_loop3A_563 {strides = array<i32>} : memref<32x128xf32, #tpu.memory_space<vmem>>, vector<16xf32>,
          %parallel_loop3A_594 = arith.constant 16 : i32
          %parallel_loop3A_595 = arith.muli %parallel_loop3A_594, %parallel_loop3A_406 : i32
          %parallel_loop3A_596 = arith.constant 18 : i32
          %parallel_loop3A_597 = arith.index_cast %parallel_loop3A_596 : i32 to index
          %parallel_loop3A_598 = arith.index_cast %parallel_loop3A_595 : i32 to index
          %parallel_loop3A_599 = tpu.vector_load %arg8[%parallel_loop3A_597, %parallel_loop3A_598] {strides = array<i32>} : memref<32x128xf32, #tpu.memory_space<vmem>>, vector<16xf32>,
          tpu.vector_store %arg8[%parallel_loop3A_597, %parallel_loop3A_598], %parallel_loop3A_566 {strides = array<i32>} : memref<32x128xf32, #tpu.memory_space<vmem>>, vector<16xf32>,
          %parallel_loop3A_600 = arith.constant 16 : i32
          %parallel_loop3A_601 = arith.muli %parallel_loop3A_600, %parallel_loop3A_406 : i32
          %parallel_loop3A_602 = arith.constant 19 : i32
          %parallel_loop3A_603 = arith.index_cast %parallel_loop3A_602 : i32 to index
          %parallel_loop3A_604 = arith.index_cast %parallel_loop3A_601 : i32 to index
          %parallel_loop3A_605 = tpu.vector_load %arg8[%parallel_loop3A_603, %parallel_loop3A_604] {strides = array<i32>} : memref<32x128xf32, #tpu.memory_space<vmem>>, vector<16xf32>,
          tpu.vector_store %arg8[%parallel_loop3A_603, %parallel_loop3A_604], %parallel_loop3A_569 {strides = array<i32>} : memref<32x128xf32, #tpu.memory_space<vmem>>, vector<16xf32>,
          %parallel_loop3A_606 = arith.constant 16 : i32
          %parallel_loop3A_607 = arith.muli %parallel_loop3A_606, %parallel_loop3A_406 : i32
          %parallel_loop3A_608 = arith.constant 20 : i32
          %parallel_loop3A_609 = arith.index_cast %parallel_loop3A_608 : i32 to index
          %parallel_loop3A_610 = arith.index_cast %parallel_loop3A_607 : i32 to index
          %parallel_loop3A_611 = tpu.vector_load %arg8[%parallel_loop3A_609, %parallel_loop3A_610] {strides = array<i32>} : memref<32x128xf32, #tpu.memory_space<vmem>>, vector<16xf32>,
          tpu.vector_store %arg8[%parallel_loop3A_609, %parallel_loop3A_610], %parallel_loop3A_572 {strides = array<i32>} : memref<32x128xf32, #tpu.memory_space<vmem>>, vector<16xf32>,
          %parallel_loop3A_612 = arith.constant 16 : i32
          %parallel_loop3A_613 = arith.muli %parallel_loop3A_612, %parallel_loop3A_406 : i32
          %parallel_loop3A_614 = arith.constant 21 : i32
          %parallel_loop3A_615 = arith.index_cast %parallel_loop3A_614 : i32 to index
          %parallel_loop3A_616 = arith.index_cast %parallel_loop3A_613 : i32 to index
          %parallel_loop3A_617 = tpu.vector_load %arg8[%parallel_loop3A_615, %parallel_loop3A_616] {strides = array<i32>} : memref<32x128xf32, #tpu.memory_space<vmem>>, vector<16xf32>,
          tpu.vector_store %arg8[%parallel_loop3A_615, %parallel_loop3A_616], %parallel_loop3A_575 {strides = array<i32>} : memref<32x128xf32, #tpu.memory_space<vmem>>, vector<16xf32>,
          %parallel_loop3A_618 = arith.constant 16 : i32
          %parallel_loop3A_619 = arith.muli %parallel_loop3A_618, %parallel_loop3A_406 : i32
          %parallel_loop3A_620 = arith.constant 22 : i32
          %parallel_loop3A_621 = arith.index_cast %parallel_loop3A_620 : i32 to index
          %parallel_loop3A_622 = arith.index_cast %parallel_loop3A_619 : i32 to index
          %parallel_loop3A_623 = tpu.vector_load %arg8[%parallel_loop3A_621, %parallel_loop3A_622] {strides = array<i32>} : memref<32x128xf32, #tpu.memory_space<vmem>>, vector<16xf32>,
          tpu.vector_store %arg8[%parallel_loop3A_621, %parallel_loop3A_622], %parallel_loop3A_578 {strides = array<i32>} : memref<32x128xf32, #tpu.memory_space<vmem>>, vector<16xf32>,
          %parallel_loop3A_624 = arith.constant 16 : i32
          %parallel_loop3A_625 = arith.muli %parallel_loop3A_624, %parallel_loop3A_406 : i32
          %parallel_loop3A_626 = arith.constant 23 : i32
          %parallel_loop3A_627 = arith.index_cast %parallel_loop3A_626 : i32 to index
          %parallel_loop3A_628 = arith.index_cast %parallel_loop3A_625 : i32 to index
          %parallel_loop3A_629 = tpu.vector_load %arg8[%parallel_loop3A_627, %parallel_loop3A_628] {strides = array<i32>} : memref<32x128xf32, #tpu.memory_space<vmem>>, vector<16xf32>,
          tpu.vector_store %arg8[%parallel_loop3A_627, %parallel_loop3A_628], %parallel_loop3A_581 {strides = array<i32>} : memref<32x128xf32, #tpu.memory_space<vmem>>, vector<16xf32>,
          %parallel_loop3A_630 = arith.constant 31296 : i32
          %parallel_loop3A_631 = tpu.memref_slice %arg6[%parallel_loop3A_630] : memref<41728xf32, #tpu.memory_space<vmem>> -> memref<1300xf32, #tpu.memory_space<vmem>>
          %parallel_loop3A_632 = tpu.vector_load_idx %parallel_loop3A_631[%parallel_loop3A_413] : memref<1300xf32, #tpu.memory_space<vmem>>[vector<16xi32>], vector<16xf32>,
          %parallel_loop3A_633 = arith.constant 32600 : i32
          %parallel_loop3A_634 = tpu.memref_slice %arg6[%parallel_loop3A_633] : memref<41728xf32, #tpu.memory_space<vmem>> -> memref<1300xf32, #tpu.memory_space<vmem>>
          %parallel_loop3A_635 = tpu.vector_load_idx %parallel_loop3A_634[%parallel_loop3A_413] : memref<1300xf32, #tpu.memory_space<vmem>>[vector<16xi32>], vector<16xf32>,
          %parallel_loop3A_636 = arith.constant 33904 : i32
          %parallel_loop3A_637 = tpu.memref_slice %arg6[%parallel_loop3A_636] : memref<41728xf32, #tpu.memory_space<vmem>> -> memref<1300xf32, #tpu.memory_space<vmem>>
          %parallel_loop3A_638 = tpu.vector_load_idx %parallel_loop3A_637[%parallel_loop3A_413] : memref<1300xf32, #tpu.memory_space<vmem>>[vector<16xi32>], vector<16xf32>,
          %parallel_loop3A_639 = arith.constant 35208 : i32
          %parallel_loop3A_640 = tpu.memref_slice %arg6[%parallel_loop3A_639] : memref<41728xf32, #tpu.memory_space<vmem>> -> memref<1300xf32, #tpu.memory_space<vmem>>
          %parallel_loop3A_641 = tpu.vector_load_idx %parallel_loop3A_640[%parallel_loop3A_413] : memref<1300xf32, #tpu.memory_space<vmem>>[vector<16xi32>], vector<16xf32>,
          %parallel_loop3A_642 = arith.constant 36512 : i32
          %parallel_loop3A_643 = tpu.memref_slice %arg6[%parallel_loop3A_642] : memref<41728xf32, #tpu.memory_space<vmem>> -> memref<1300xf32, #tpu.memory_space<vmem>>
          %parallel_loop3A_644 = tpu.vector_load_idx %parallel_loop3A_643[%parallel_loop3A_413] : memref<1300xf32, #tpu.memory_space<vmem>>[vector<16xi32>], vector<16xf32>,
          %parallel_loop3A_645 = arith.constant 37816 : i32
          %parallel_loop3A_646 = tpu.memref_slice %arg6[%parallel_loop3A_645] : memref<41728xf32, #tpu.memory_space<vmem>> -> memref<1300xf32, #tpu.memory_space<vmem>>
          %parallel_loop3A_647 = tpu.vector_load_idx %parallel_loop3A_646[%parallel_loop3A_413] : memref<1300xf32, #tpu.memory_space<vmem>>[vector<16xi32>], vector<16xf32>,
          %parallel_loop3A_648 = arith.constant 39120 : i32
          %parallel_loop3A_649 = tpu.memref_slice %arg6[%parallel_loop3A_648] : memref<41728xf32, #tpu.memory_space<vmem>> -> memref<1300xf32, #tpu.memory_space<vmem>>
          %parallel_loop3A_650 = tpu.vector_load_idx %parallel_loop3A_649[%parallel_loop3A_413] : memref<1300xf32, #tpu.memory_space<vmem>>[vector<16xi32>], vector<16xf32>,
          %parallel_loop3A_651 = arith.constant 40424 : i32
          %parallel_loop3A_652 = tpu.memref_slice %arg6[%parallel_loop3A_651] : memref<41728xf32, #tpu.memory_space<vmem>> -> memref<1300xf32, #tpu.memory_space<vmem>>
          %parallel_loop3A_653 = tpu.vector_load_idx %parallel_loop3A_652[%parallel_loop3A_413] : memref<1300xf32, #tpu.memory_space<vmem>>[vector<16xi32>], vector<16xf32>,
          %parallel_loop3A_654 = arith.constant 16 : i32
          %parallel_loop3A_655 = arith.muli %parallel_loop3A_654, %parallel_loop3A_406 : i32
          %parallel_loop3A_656 = arith.constant 24 : i32
          %parallel_loop3A_657 = arith.index_cast %parallel_loop3A_656 : i32 to index
          %parallel_loop3A_658 = arith.index_cast %parallel_loop3A_655 : i32 to index
          %parallel_loop3A_659 = tpu.vector_load %arg8[%parallel_loop3A_657, %parallel_loop3A_658] {strides = array<i32>} : memref<32x128xf32, #tpu.memory_space<vmem>>, vector<16xf32>,
          tpu.vector_store %arg8[%parallel_loop3A_657, %parallel_loop3A_658], %parallel_loop3A_632 {strides = array<i32>} : memref<32x128xf32, #tpu.memory_space<vmem>>, vector<16xf32>,
          %parallel_loop3A_660 = arith.constant 16 : i32
          %parallel_loop3A_661 = arith.muli %parallel_loop3A_660, %parallel_loop3A_406 : i32
          %parallel_loop3A_662 = arith.constant 25 : i32
          %parallel_loop3A_663 = arith.index_cast %parallel_loop3A_662 : i32 to index
          %parallel_loop3A_664 = arith.index_cast %parallel_loop3A_661 : i32 to index
          %parallel_loop3A_665 = tpu.vector_load %arg8[%parallel_loop3A_663, %parallel_loop3A_664] {strides = array<i32>} : memref<32x128xf32, #tpu.memory_space<vmem>>, vector<16xf32>,
          tpu.vector_store %arg8[%parallel_loop3A_663, %parallel_loop3A_664], %parallel_loop3A_635 {strides = array<i32>} : memref<32x128xf32, #tpu.memory_space<vmem>>, vector<16xf32>,
          %parallel_loop3A_666 = arith.constant 16 : i32
          %parallel_loop3A_667 = arith.muli %parallel_loop3A_666, %parallel_loop3A_406 : i32
          %parallel_loop3A_668 = arith.constant 26 : i32
          %parallel_loop3A_669 = arith.index_cast %parallel_loop3A_668 : i32 to index
          %parallel_loop3A_670 = arith.index_cast %parallel_loop3A_667 : i32 to index
          %parallel_loop3A_671 = tpu.vector_load %arg8[%parallel_loop3A_669, %parallel_loop3A_670] {strides = array<i32>} : memref<32x128xf32, #tpu.memory_space<vmem>>, vector<16xf32>,
          tpu.vector_store %arg8[%parallel_loop3A_669, %parallel_loop3A_670], %parallel_loop3A_638 {strides = array<i32>} : memref<32x128xf32, #tpu.memory_space<vmem>>, vector<16xf32>,
          %parallel_loop3A_672 = arith.constant 16 : i32
          %parallel_loop3A_673 = arith.muli %parallel_loop3A_672, %parallel_loop3A_406 : i32
          %parallel_loop3A_674 = arith.constant 27 : i32
          %parallel_loop3A_675 = arith.index_cast %parallel_loop3A_674 : i32 to index
          %parallel_loop3A_676 = arith.index_cast %parallel_loop3A_673 : i32 to index
          %parallel_loop3A_677 = tpu.vector_load %arg8[%parallel_loop3A_675, %parallel_loop3A_676] {strides = array<i32>} : memref<32x128xf32, #tpu.memory_space<vmem>>, vector<16xf32>,
          tpu.vector_store %arg8[%parallel_loop3A_675, %parallel_loop3A_676], %parallel_loop3A_641 {strides = array<i32>} : memref<32x128xf32, #tpu.memory_space<vmem>>, vector<16xf32>,
          %parallel_loop3A_678 = arith.constant 16 : i32
          %parallel_loop3A_679 = arith.muli %parallel_loop3A_678, %parallel_loop3A_406 : i32
          %parallel_loop3A_680 = arith.constant 28 : i32
          %parallel_loop3A_681 = arith.index_cast %parallel_loop3A_680 : i32 to index
          %parallel_loop3A_682 = arith.index_cast %parallel_loop3A_679 : i32 to index
          %parallel_loop3A_683 = tpu.vector_load %arg8[%parallel_loop3A_681, %parallel_loop3A_682] {strides = array<i32>} : memref<32x128xf32, #tpu.memory_space<vmem>>, vector<16xf32>,
          tpu.vector_store %arg8[%parallel_loop3A_681, %parallel_loop3A_682], %parallel_loop3A_644 {strides = array<i32>} : memref<32x128xf32, #tpu.memory_space<vmem>>, vector<16xf32>,
          %parallel_loop3A_684 = arith.constant 16 : i32
          %parallel_loop3A_685 = arith.muli %parallel_loop3A_684, %parallel_loop3A_406 : i32
          %parallel_loop3A_686 = arith.constant 29 : i32
          %parallel_loop3A_687 = arith.index_cast %parallel_loop3A_686 : i32 to index
          %parallel_loop3A_688 = arith.index_cast %parallel_loop3A_685 : i32 to index
          %parallel_loop3A_689 = tpu.vector_load %arg8[%parallel_loop3A_687, %parallel_loop3A_688] {strides = array<i32>} : memref<32x128xf32, #tpu.memory_space<vmem>>, vector<16xf32>,
          tpu.vector_store %arg8[%parallel_loop3A_687, %parallel_loop3A_688], %parallel_loop3A_647 {strides = array<i32>} : memref<32x128xf32, #tpu.memory_space<vmem>>, vector<16xf32>,
          %parallel_loop3A_690 = arith.constant 16 : i32
          %parallel_loop3A_691 = arith.muli %parallel_loop3A_690, %parallel_loop3A_406 : i32
          %parallel_loop3A_692 = arith.constant 30 : i32
          %parallel_loop3A_693 = arith.index_cast %parallel_loop3A_692 : i32 to index
          %parallel_loop3A_694 = arith.index_cast %parallel_loop3A_691 : i32 to index
          %parallel_loop3A_695 = tpu.vector_load %arg8[%parallel_loop3A_693, %parallel_loop3A_694] {strides = array<i32>} : memref<32x128xf32, #tpu.memory_space<vmem>>, vector<16xf32>,
          tpu.vector_store %arg8[%parallel_loop3A_693, %parallel_loop3A_694], %parallel_loop3A_650 {strides = array<i32>} : memref<32x128xf32, #tpu.memory_space<vmem>>, vector<16xf32>,
          %parallel_loop3A_696 = arith.constant 16 : i32
          %parallel_loop3A_697 = arith.muli %parallel_loop3A_696, %parallel_loop3A_406 : i32
          %parallel_loop3A_698 = arith.constant 31 : i32
          %parallel_loop3A_699 = arith.index_cast %parallel_loop3A_698 : i32 to index
          %parallel_loop3A_700 = arith.index_cast %parallel_loop3A_697 : i32 to index
          %parallel_loop3A_701 = tpu.vector_load %arg8[%parallel_loop3A_699, %parallel_loop3A_700] {strides = array<i32>} : memref<32x128xf32, #tpu.memory_space<vmem>>, vector<16xf32>,
          tpu.vector_store %arg8[%parallel_loop3A_699, %parallel_loop3A_700], %parallel_loop3A_653 {strides = array<i32>} : memref<32x128xf32, #tpu.memory_space<vmem>>, vector<16xf32>,
        } {sc.loop_unroll_factor = 4 : i64, sc.parallel_access}
        %add3A_356 = arith.constant 1 : i32
        %add3A_357 = arith.addi %add3A_189, %add3A_356 : i32
        %jit3A_358 = arith.constant 128 : i32
        %div3A_359 = arith.divsi %add3A_357, %jit3A_358 : i32
        %sign3A_360 = arith.constant 0 : i32
        %sign3A_361 = arith.cmpi sgt, %add3A_357, %sign3A_360 : i32
        %sign3A_362 = arith.extui %sign3A_361 : i1 to i32
        %sign3A_363 = arith.constant 0 : i32
        %sign3A_364 = arith.cmpi slt, %add3A_357, %sign3A_363 : i32
        %sign3A_365 = arith.extui %sign3A_364 : i1 to i32
        %sign3A_366 = arith.subi %sign3A_362, %sign3A_365 : i32
        %sign3A_367 = arith.constant 0 : i32
        %sign3A_368 = arith.cmpi sgt, %jit3A_358, %sign3A_367 : i32
        %sign3A_369 = arith.extui %sign3A_368 : i1 to i32
        %sign3A_370 = arith.constant 0 : i32
        %sign3A_371 = arith.cmpi slt, %jit3A_358, %sign3A_370 : i32
        %sign3A_372 = arith.extui %sign3A_371 : i1 to i32
        %sign3A_373 = arith.subi %sign3A_369, %sign3A_372 : i32
        %ne3A_374 = arith.cmpi ne, %sign3A_366, %sign3A_373 : i32
        %rem3A_375 = arith.remsi %add3A_357, %jit3A_358 : i32
        %ne3A_376 = arith.constant 0 : i32
        %ne3A_377 = arith.cmpi ne, %rem3A_375, %ne3A_376 : i32
        %and3A_378 = arith.andi %ne3A_374, %ne3A_377 : i1
        %sub3A_379 = arith.constant 1 : i32
        %sub3A_380 = arith.subi %div3A_359, %sub3A_379 : i32
        %select_n3A_381 = arith.select %and3A_378, %sub3A_380, %div3A_359 : i32
        %jit3A_382 = arith.constant 128 : i32
        %eq3A_383 = arith.constant 0 : i32
        %eq3A_384 = arith.cmpi eq, %jit3A_382, %eq3A_383 : i32
        %jit3A_385 = arith.constant 1 : i32
        %select_n3A_386 = arith.select %eq3A_384, %jit3A_385, %jit3A_382 : i32
        %rem3A_387 = arith.remsi %add3A_357, %select_n3A_386 : i32
        %ne3A_388 = arith.constant 0 : i32
        %ne3A_389 = arith.cmpi ne, %rem3A_387, %ne3A_388 : i32
        %lt3A_390 = arith.constant 0 : i32
        %lt3A_391 = arith.cmpi slt, %rem3A_387, %lt3A_390 : i32
        %lt3A_392 = arith.constant 0 : i32
        %lt3A_393 = arith.cmpi slt, %select_n3A_386, %lt3A_392 : i32
        %ne3A_394 = arith.xori %lt3A_391, %lt3A_393 : i1
        %and3A_395 = arith.andi %ne3A_394, %ne3A_389 : i1
        %add3A_396 = arith.addi %rem3A_387, %select_n3A_386 : i32
        %select_n3A_397 = arith.select %and3A_395, %add3A_396, %rem3A_387 : i32
        %mul3A_398 = arith.constant 128 : i32
        %mul3A_399 = arith.muli %select_n3A_397, %mul3A_398 : i32
        %dma_start3A_400 = arith.constant 0 : i32
        %dma_start3A_401 = tpu.memref_slice %arg4[%select_n3A_381, %dma_start3A_400, %mul3A_399] : memref<26x32x16384xf32, #tpu.memory_space<hbm>> -> memref<1x32x128xf32, #tpu.memory_space<hbm>>
        %dma_start3A_402 = tpu.memref_squeeze %dma_start3A_401 : memref<1x32x128xf32, #tpu.memory_space<hbm>> -> memref<32x128xf32, #tpu.memory_space<hbm>>
        %dma_start3A_403 = arith.constant 0 : i32
        %dma_start3A_404 = tpu.memref_slice %arg4[%select_n3A_381, %dma_start3A_403, %mul3A_399] : memref<26x32x16384xf32, #tpu.memory_space<hbm>> -> memref<1x32x128xf32, #tpu.memory_space<hbm>>
        %dma_start3A_405 = tpu.memref_squeeze %dma_start3A_404 : memref<1x32x128xf32, #tpu.memory_space<hbm>> -> memref<32x128xf32, #tpu.memory_space<hbm>>
        tpu.enqueue_dma source(%arg8 : memref<32x128xf32, #tpu.memory_space<vmem>>) target(%dma_start3A_405 : memref<32x128xf32, #tpu.memory_space<hbm>>) target_semaphore(%arg10 : memref<!tpu.dma_semaphore, #tpu.memory_space<semaphore_mem>>)
      } else {
      }
      %jit3A_195 = arith.constant 128 : i32
      %div3A_196 = arith.divsi %add3A_189, %jit3A_195 : i32
      %sign3A_197 = arith.constant 0 : i32
      %sign3A_198 = arith.cmpi sgt, %add3A_189, %sign3A_197 : i32
      %sign3A_199 = arith.extui %sign3A_198 : i1 to i32
      %sign3A_200 = arith.constant 0 : i32
      %sign3A_201 = arith.cmpi slt, %add3A_189, %sign3A_200 : i32
      %sign3A_202 = arith.extui %sign3A_201 : i1 to i32
      %sign3A_203 = arith.subi %sign3A_199, %sign3A_202 : i32
      %sign3A_204 = arith.constant 0 : i32
      %sign3A_205 = arith.cmpi sgt, %jit3A_195, %sign3A_204 : i32
      %sign3A_206 = arith.extui %sign3A_205 : i1 to i32
      %sign3A_207 = arith.constant 0 : i32
      %sign3A_208 = arith.cmpi slt, %jit3A_195, %sign3A_207 : i32
      %sign3A_209 = arith.extui %sign3A_208 : i1 to i32
      %sign3A_210 = arith.subi %sign3A_206, %sign3A_209 : i32
      %ne3A_211 = arith.cmpi ne, %sign3A_203, %sign3A_210 : i32
      %rem3A_212 = arith.remsi %add3A_189, %jit3A_195 : i32
      %ne3A_213 = arith.constant 0 : i32
      %ne3A_214 = arith.cmpi ne, %rem3A_212, %ne3A_213 : i32
      %and3A_215 = arith.andi %ne3A_211, %ne3A_214 : i1
      %sub3A_216 = arith.constant 1 : i32
      %sub3A_217 = arith.subi %div3A_196, %sub3A_216 : i32
      %select_n3A_218 = arith.select %and3A_215, %sub3A_217, %div3A_196 : i32
      %jit3A_219 = arith.constant 128 : i32
      %eq3A_220 = arith.constant 0 : i32
      %eq3A_221 = arith.cmpi eq, %jit3A_219, %eq3A_220 : i32
      %jit3A_222 = arith.constant 1 : i32
      %select_n3A_223 = arith.select %eq3A_221, %jit3A_222, %jit3A_219 : i32
      %rem3A_224 = arith.remsi %add3A_189, %select_n3A_223 : i32
      %ne3A_225 = arith.constant 0 : i32
      %ne3A_226 = arith.cmpi ne, %rem3A_224, %ne3A_225 : i32
      %lt3A_227 = arith.constant 0 : i32
      %lt3A_228 = arith.cmpi slt, %rem3A_224, %lt3A_227 : i32
      %lt3A_229 = arith.constant 0 : i32
      %lt3A_230 = arith.cmpi slt, %select_n3A_223, %lt3A_229 : i32
      %ne3A_231 = arith.xori %lt3A_228, %lt3A_230 : i1
      %and3A_232 = arith.andi %ne3A_231, %ne3A_226 : i1
      %add3A_233 = arith.addi %rem3A_224, %select_n3A_223 : i32
      %select_n3A_234 = arith.select %and3A_232, %add3A_233, %rem3A_224 : i32
      %mul3A_235 = arith.constant 128 : i32
      %mul3A_236 = arith.muli %select_n3A_234, %mul3A_235 : i32
      %dma_wait3A_237 = arith.constant 0 : i32
      %dma_wait3A_238 = tpu.memref_slice %arg4[%select_n3A_218, %dma_wait3A_237, %mul3A_236] : memref<26x32x16384xf32, #tpu.memory_space<hbm>> -> memref<1x32x128xf32, #tpu.memory_space<hbm>>
      %dma_wait3A_239 = tpu.memref_squeeze %dma_wait3A_238 : memref<1x32x128xf32, #tpu.memory_space<hbm>> -> memref<32x128xf32, #tpu.memory_space<hbm>>
      %dma_wait3A_240 = arith.constant 0 : i32
      %dma_wait3A_241 = tpu.memref_slice %arg4[%select_n3A_218, %dma_wait3A_240, %mul3A_236] : memref<26x32x16384xf32, #tpu.memory_space<hbm>> -> memref<1x32x128xf32, #tpu.memory_space<hbm>>
      %dma_wait3A_242 = tpu.memref_squeeze %dma_wait3A_241 : memref<1x32x128xf32, #tpu.memory_space<hbm>> -> memref<32x128xf32, #tpu.memory_space<hbm>>
      tpu.wait_dma2 semaphore(%arg9 : memref<!tpu.dma_semaphore, #tpu.memory_space<semaphore_mem>>) src(%arg7 : memref<32x128xf32, #tpu.memory_space<vmem>>) dst(%dma_wait3A_242 : memref<32x128xf32, #tpu.memory_space<hbm>>)
      %mul3A_243 = arith.constant 2 : i32
      %mul3A_244 = arith.muli %mul3A_243, %scan3A_186 : i32
      %add3A_245 = arith.constant 1 : i32
      %add3A_246 = arith.addi %mul3A_244, %add3A_245 : i32
      %add3A_247 = arith.addi %mul3A_2, %add3A_246 : i32
      %add3A_248 = arith.constant 1 : i32
      %add3A_249 = arith.addi %add3A_246, %add3A_248 : i32
      %lt3A_250 = arith.constant 104 : i32
      %lt3A_251 = arith.cmpi slt, %add3A_249, %lt3A_250 : i32
      %convert_element_type3A_252 = arith.extui %lt3A_251 : i1 to i32
      %cond3A_253 = arith.constant 0 : i32
      %cond3A_254 = arith.cmpi ne, %convert_element_type3A_252, %cond3A_253 : i32
      scf.if %cond3A_254 {
        %add3A_303 = arith.constant 1 : i32
        %add3A_304 = arith.addi %add3A_247, %add3A_303 : i32
        %jit3A_305 = arith.constant 128 : i32
        %div3A_306 = arith.divsi %add3A_304, %jit3A_305 : i32
        %sign3A_307 = arith.constant 0 : i32
        %sign3A_308 = arith.cmpi sgt, %add3A_304, %sign3A_307 : i32
        %sign3A_309 = arith.extui %sign3A_308 : i1 to i32
        %sign3A_310 = arith.constant 0 : i32
        %sign3A_311 = arith.cmpi slt, %add3A_304, %sign3A_310 : i32
        %sign3A_312 = arith.extui %sign3A_311 : i1 to i32
        %sign3A_313 = arith.subi %sign3A_309, %sign3A_312 : i32
        %sign3A_314 = arith.constant 0 : i32
        %sign3A_315 = arith.cmpi sgt, %jit3A_305, %sign3A_314 : i32
        %sign3A_316 = arith.extui %sign3A_315 : i1 to i32
        %sign3A_317 = arith.constant 0 : i32
        %sign3A_318 = arith.cmpi slt, %jit3A_305, %sign3A_317 : i32
        %sign3A_319 = arith.extui %sign3A_318 : i1 to i32
        %sign3A_320 = arith.subi %sign3A_316, %sign3A_319 : i32
        %ne3A_321 = arith.cmpi ne, %sign3A_313, %sign3A_320 : i32
        %rem3A_322 = arith.remsi %add3A_304, %jit3A_305 : i32
        %ne3A_323 = arith.constant 0 : i32
        %ne3A_324 = arith.cmpi ne, %rem3A_322, %ne3A_323 : i32
        %and3A_325 = arith.andi %ne3A_321, %ne3A_324 : i1
        %sub3A_326 = arith.constant 1 : i32
        %sub3A_327 = arith.subi %div3A_306, %sub3A_326 : i32
        %select_n3A_328 = arith.select %and3A_325, %sub3A_327, %div3A_306 : i32
        %jit3A_329 = arith.constant 128 : i32
        %eq3A_330 = arith.constant 0 : i32
        %eq3A_331 = arith.cmpi eq, %jit3A_329, %eq3A_330 : i32
        %jit3A_332 = arith.constant 1 : i32
        %select_n3A_333 = arith.select %eq3A_331, %jit3A_332, %jit3A_329 : i32
        %rem3A_334 = arith.remsi %add3A_304, %select_n3A_333 : i32
        %ne3A_335 = arith.constant 0 : i32
        %ne3A_336 = arith.cmpi ne, %rem3A_334, %ne3A_335 : i32
        %lt3A_337 = arith.constant 0 : i32
        %lt3A_338 = arith.cmpi slt, %rem3A_334, %lt3A_337 : i32
        %lt3A_339 = arith.constant 0 : i32
        %lt3A_340 = arith.cmpi slt, %select_n3A_333, %lt3A_339 : i32
        %ne3A_341 = arith.xori %lt3A_338, %lt3A_340 : i1
        %and3A_342 = arith.andi %ne3A_341, %ne3A_336 : i1
        %add3A_343 = arith.addi %rem3A_334, %select_n3A_333 : i32
        %select_n3A_344 = arith.select %and3A_342, %add3A_343, %rem3A_334 : i32
        %mul3A_345 = arith.constant 128 : i32
        %mul3A_346 = arith.muli %select_n3A_344, %mul3A_345 : i32
        %sub3A_347 = arith.subi %select_n3A_328, %select_n3A : i32
        %mul3A_348 = arith.constant 16384 : i32
        %mul3A_349 = arith.muli %sub3A_347, %mul3A_348 : i32
        %add3A_350 = arith.addi %mul3A_349, %mul3A_346 : i32
        %mul3A_351 = arith.constant 50 : i32
        %mul3A_352 = arith.muli %select_n3A_328, %mul3A_351 : i32
        %parallel_loop3A_353 = arith.constant 0 : i32
        %parallel_loop3A_354 = arith.constant 8 : i32
        %parallel_loop3A_355 = arith.constant 1 : i32
        scf.for %parallel_loop3A_406 = %parallel_loop3A_353 to %parallel_loop3A_354 step %parallel_loop3A_355  : i32 {
          %parallel_loop3A_407 = arith.constant 16 : i32
          %parallel_loop3A_408 = arith.muli %parallel_loop3A_407, %parallel_loop3A_406 : i32
          %parallel_loop3A_409 = arith.addi %add3A_350, %parallel_loop3A_408 : i32
          %parallel_loop3A_410 = arith.index_cast %parallel_loop3A_409 : i32 to index
          %parallel_loop3A_411 = tpu.vector_load %arg5[%parallel_loop3A_410] {strides = array<i32>} : memref<32768xi32, #tpu.memory_space<vmem>>, vector<16xi32>,
          %parallel_loop3A_412 = vector.broadcast %mul3A_352 : i32 to vector<16xi32>
          %parallel_loop3A_413 = arith.addi %parallel_loop3A_411, %parallel_loop3A_412 : vector<16xi32>
          %parallel_loop3A_414 = arith.constant 0 : i32
          %parallel_loop3A_415 = tpu.memref_slice %arg6[%parallel_loop3A_414] : memref<41728xf32, #tpu.memory_space<vmem>> -> memref<1300xf32, #tpu.memory_space<vmem>>
          %parallel_loop3A_416 = tpu.vector_load_idx %parallel_loop3A_415[%parallel_loop3A_413] : memref<1300xf32, #tpu.memory_space<vmem>>[vector<16xi32>], vector<16xf32>,
          %parallel_loop3A_417 = arith.constant 1304 : i32
          %parallel_loop3A_418 = tpu.memref_slice %arg6[%parallel_loop3A_417] : memref<41728xf32, #tpu.memory_space<vmem>> -> memref<1300xf32, #tpu.memory_space<vmem>>
          %parallel_loop3A_419 = tpu.vector_load_idx %parallel_loop3A_418[%parallel_loop3A_413] : memref<1300xf32, #tpu.memory_space<vmem>>[vector<16xi32>], vector<16xf32>,
          %parallel_loop3A_420 = arith.constant 2608 : i32
          %parallel_loop3A_421 = tpu.memref_slice %arg6[%parallel_loop3A_420] : memref<41728xf32, #tpu.memory_space<vmem>> -> memref<1300xf32, #tpu.memory_space<vmem>>
          %parallel_loop3A_422 = tpu.vector_load_idx %parallel_loop3A_421[%parallel_loop3A_413] : memref<1300xf32, #tpu.memory_space<vmem>>[vector<16xi32>], vector<16xf32>,
          %parallel_loop3A_423 = arith.constant 3912 : i32
          %parallel_loop3A_424 = tpu.memref_slice %arg6[%parallel_loop3A_423] : memref<41728xf32, #tpu.memory_space<vmem>> -> memref<1300xf32, #tpu.memory_space<vmem>>
          %parallel_loop3A_425 = tpu.vector_load_idx %parallel_loop3A_424[%parallel_loop3A_413] : memref<1300xf32, #tpu.memory_space<vmem>>[vector<16xi32>], vector<16xf32>,
          %parallel_loop3A_426 = arith.constant 5216 : i32
          %parallel_loop3A_427 = tpu.memref_slice %arg6[%parallel_loop3A_426] : memref<41728xf32, #tpu.memory_space<vmem>> -> memref<1300xf32, #tpu.memory_space<vmem>>
          %parallel_loop3A_428 = tpu.vector_load_idx %parallel_loop3A_427[%parallel_loop3A_413] : memref<1300xf32, #tpu.memory_space<vmem>>[vector<16xi32>], vector<16xf32>,
          %parallel_loop3A_429 = arith.constant 6520 : i32
          %parallel_loop3A_430 = tpu.memref_slice %arg6[%parallel_loop3A_429] : memref<41728xf32, #tpu.memory_space<vmem>> -> memref<1300xf32, #tpu.memory_space<vmem>>
          %parallel_loop3A_431 = tpu.vector_load_idx %parallel_loop3A_430[%parallel_loop3A_413] : memref<1300xf32, #tpu.memory_space<vmem>>[vector<16xi32>], vector<16xf32>,
          %parallel_loop3A_432 = arith.constant 7824 : i32
          %parallel_loop3A_433 = tpu.memref_slice %arg6[%parallel_loop3A_432] : memref<41728xf32, #tpu.memory_space<vmem>> -> memref<1300xf32, #tpu.memory_space<vmem>>
          %parallel_loop3A_434 = tpu.vector_load_idx %parallel_loop3A_433[%parallel_loop3A_413] : memref<1300xf32, #tpu.memory_space<vmem>>[vector<16xi32>], vector<16xf32>,
          %parallel_loop3A_435 = arith.constant 9128 : i32
          %parallel_loop3A_436 = tpu.memref_slice %arg6[%parallel_loop3A_435] : memref<41728xf32, #tpu.memory_space<vmem>> -> memref<1300xf32, #tpu.memory_space<vmem>>
          %parallel_loop3A_437 = tpu.vector_load_idx %parallel_loop3A_436[%parallel_loop3A_413] : memref<1300xf32, #tpu.memory_space<vmem>>[vector<16xi32>], vector<16xf32>,
          %parallel_loop3A_438 = arith.constant 16 : i32
          %parallel_loop3A_439 = arith.muli %parallel_loop3A_438, %parallel_loop3A_406 : i32
          %parallel_loop3A_440 = arith.constant 0 : i32
          %parallel_loop3A_441 = arith.index_cast %parallel_loop3A_440 : i32 to index
          %parallel_loop3A_442 = arith.index_cast %parallel_loop3A_439 : i32 to index
          %parallel_loop3A_443 = tpu.vector_load %arg7[%parallel_loop3A_441, %parallel_loop3A_442] {strides = array<i32>} : memref<32x128xf32, #tpu.memory_space<vmem>>, vector<16xf32>,
          tpu.vector_store %arg7[%parallel_loop3A_441, %parallel_loop3A_442], %parallel_loop3A_416 {strides = array<i32>} : memref<32x128xf32, #tpu.memory_space<vmem>>, vector<16xf32>,
          %parallel_loop3A_444 = arith.constant 16 : i32
          %parallel_loop3A_445 = arith.muli %parallel_loop3A_444, %parallel_loop3A_406 : i32
          %parallel_loop3A_446 = arith.constant 1 : i32
          %parallel_loop3A_447 = arith.index_cast %parallel_loop3A_446 : i32 to index
          %parallel_loop3A_448 = arith.index_cast %parallel_loop3A_445 : i32 to index
          %parallel_loop3A_449 = tpu.vector_load %arg7[%parallel_loop3A_447, %parallel_loop3A_448] {strides = array<i32>} : memref<32x128xf32, #tpu.memory_space<vmem>>, vector<16xf32>,
          tpu.vector_store %arg7[%parallel_loop3A_447, %parallel_loop3A_448], %parallel_loop3A_419 {strides = array<i32>} : memref<32x128xf32, #tpu.memory_space<vmem>>, vector<16xf32>,
          %parallel_loop3A_450 = arith.constant 16 : i32
          %parallel_loop3A_451 = arith.muli %parallel_loop3A_450, %parallel_loop3A_406 : i32
          %parallel_loop3A_452 = arith.constant 2 : i32
          %parallel_loop3A_453 = arith.index_cast %parallel_loop3A_452 : i32 to index
          %parallel_loop3A_454 = arith.index_cast %parallel_loop3A_451 : i32 to index
          %parallel_loop3A_455 = tpu.vector_load %arg7[%parallel_loop3A_453, %parallel_loop3A_454] {strides = array<i32>} : memref<32x128xf32, #tpu.memory_space<vmem>>, vector<16xf32>,
          tpu.vector_store %arg7[%parallel_loop3A_453, %parallel_loop3A_454], %parallel_loop3A_422 {strides = array<i32>} : memref<32x128xf32, #tpu.memory_space<vmem>>, vector<16xf32>,
          %parallel_loop3A_456 = arith.constant 16 : i32
          %parallel_loop3A_457 = arith.muli %parallel_loop3A_456, %parallel_loop3A_406 : i32
          %parallel_loop3A_458 = arith.constant 3 : i32
          %parallel_loop3A_459 = arith.index_cast %parallel_loop3A_458 : i32 to index
          %parallel_loop3A_460 = arith.index_cast %parallel_loop3A_457 : i32 to index
          %parallel_loop3A_461 = tpu.vector_load %arg7[%parallel_loop3A_459, %parallel_loop3A_460] {strides = array<i32>} : memref<32x128xf32, #tpu.memory_space<vmem>>, vector<16xf32>,
          tpu.vector_store %arg7[%parallel_loop3A_459, %parallel_loop3A_460], %parallel_loop3A_425 {strides = array<i32>} : memref<32x128xf32, #tpu.memory_space<vmem>>, vector<16xf32>,
          %parallel_loop3A_462 = arith.constant 16 : i32
          %parallel_loop3A_463 = arith.muli %parallel_loop3A_462, %parallel_loop3A_406 : i32
          %parallel_loop3A_464 = arith.constant 4 : i32
          %parallel_loop3A_465 = arith.index_cast %parallel_loop3A_464 : i32 to index
          %parallel_loop3A_466 = arith.index_cast %parallel_loop3A_463 : i32 to index
          %parallel_loop3A_467 = tpu.vector_load %arg7[%parallel_loop3A_465, %parallel_loop3A_466] {strides = array<i32>} : memref<32x128xf32, #tpu.memory_space<vmem>>, vector<16xf32>,
          tpu.vector_store %arg7[%parallel_loop3A_465, %parallel_loop3A_466], %parallel_loop3A_428 {strides = array<i32>} : memref<32x128xf32, #tpu.memory_space<vmem>>, vector<16xf32>,
          %parallel_loop3A_468 = arith.constant 16 : i32
          %parallel_loop3A_469 = arith.muli %parallel_loop3A_468, %parallel_loop3A_406 : i32
          %parallel_loop3A_470 = arith.constant 5 : i32
          %parallel_loop3A_471 = arith.index_cast %parallel_loop3A_470 : i32 to index
          %parallel_loop3A_472 = arith.index_cast %parallel_loop3A_469 : i32 to index
          %parallel_loop3A_473 = tpu.vector_load %arg7[%parallel_loop3A_471, %parallel_loop3A_472] {strides = array<i32>} : memref<32x128xf32, #tpu.memory_space<vmem>>, vector<16xf32>,
          tpu.vector_store %arg7[%parallel_loop3A_471, %parallel_loop3A_472], %parallel_loop3A_431 {strides = array<i32>} : memref<32x128xf32, #tpu.memory_space<vmem>>, vector<16xf32>,
          %parallel_loop3A_474 = arith.constant 16 : i32
          %parallel_loop3A_475 = arith.muli %parallel_loop3A_474, %parallel_loop3A_406 : i32
          %parallel_loop3A_476 = arith.constant 6 : i32
          %parallel_loop3A_477 = arith.index_cast %parallel_loop3A_476 : i32 to index
          %parallel_loop3A_478 = arith.index_cast %parallel_loop3A_475 : i32 to index
          %parallel_loop3A_479 = tpu.vector_load %arg7[%parallel_loop3A_477, %parallel_loop3A_478] {strides = array<i32>} : memref<32x128xf32, #tpu.memory_space<vmem>>, vector<16xf32>,
          tpu.vector_store %arg7[%parallel_loop3A_477, %parallel_loop3A_478], %parallel_loop3A_434 {strides = array<i32>} : memref<32x128xf32, #tpu.memory_space<vmem>>, vector<16xf32>,
          %parallel_loop3A_480 = arith.constant 16 : i32
          %parallel_loop3A_481 = arith.muli %parallel_loop3A_480, %parallel_loop3A_406 : i32
          %parallel_loop3A_482 = arith.constant 7 : i32
          %parallel_loop3A_483 = arith.index_cast %parallel_loop3A_482 : i32 to index
          %parallel_loop3A_484 = arith.index_cast %parallel_loop3A_481 : i32 to index
          %parallel_loop3A_485 = tpu.vector_load %arg7[%parallel_loop3A_483, %parallel_loop3A_484] {strides = array<i32>} : memref<32x128xf32, #tpu.memory_space<vmem>>, vector<16xf32>,
          tpu.vector_store %arg7[%parallel_loop3A_483, %parallel_loop3A_484], %parallel_loop3A_437 {strides = array<i32>} : memref<32x128xf32, #tpu.memory_space<vmem>>, vector<16xf32>,
          %parallel_loop3A_486 = arith.constant 10432 : i32
          %parallel_loop3A_487 = tpu.memref_slice %arg6[%parallel_loop3A_486] : memref<41728xf32, #tpu.memory_space<vmem>> -> memref<1300xf32, #tpu.memory_space<vmem>>
          %parallel_loop3A_488 = tpu.vector_load_idx %parallel_loop3A_487[%parallel_loop3A_413] : memref<1300xf32, #tpu.memory_space<vmem>>[vector<16xi32>], vector<16xf32>,
          %parallel_loop3A_489 = arith.constant 11736 : i32
          %parallel_loop3A_490 = tpu.memref_slice %arg6[%parallel_loop3A_489] : memref<41728xf32, #tpu.memory_space<vmem>> -> memref<1300xf32, #tpu.memory_space<vmem>>
          %parallel_loop3A_491 = tpu.vector_load_idx %parallel_loop3A_490[%parallel_loop3A_413] : memref<1300xf32, #tpu.memory_space<vmem>>[vector<16xi32>], vector<16xf32>,
          %parallel_loop3A_492 = arith.constant 13040 : i32
          %parallel_loop3A_493 = tpu.memref_slice %arg6[%parallel_loop3A_492] : memref<41728xf32, #tpu.memory_space<vmem>> -> memref<1300xf32, #tpu.memory_space<vmem>>
          %parallel_loop3A_494 = tpu.vector_load_idx %parallel_loop3A_493[%parallel_loop3A_413] : memref<1300xf32, #tpu.memory_space<vmem>>[vector<16xi32>], vector<16xf32>,
          %parallel_loop3A_495 = arith.constant 14344 : i32
          %parallel_loop3A_496 = tpu.memref_slice %arg6[%parallel_loop3A_495] : memref<41728xf32, #tpu.memory_space<vmem>> -> memref<1300xf32, #tpu.memory_space<vmem>>
          %parallel_loop3A_497 = tpu.vector_load_idx %parallel_loop3A_496[%parallel_loop3A_413] : memref<1300xf32, #tpu.memory_space<vmem>>[vector<16xi32>], vector<16xf32>,
          %parallel_loop3A_498 = arith.constant 15648 : i32
          %parallel_loop3A_499 = tpu.memref_slice %arg6[%parallel_loop3A_498] : memref<41728xf32, #tpu.memory_space<vmem>> -> memref<1300xf32, #tpu.memory_space<vmem>>
          %parallel_loop3A_500 = tpu.vector_load_idx %parallel_loop3A_499[%parallel_loop3A_413] : memref<1300xf32, #tpu.memory_space<vmem>>[vector<16xi32>], vector<16xf32>,
          %parallel_loop3A_501 = arith.constant 16952 : i32
          %parallel_loop3A_502 = tpu.memref_slice %arg6[%parallel_loop3A_501] : memref<41728xf32, #tpu.memory_space<vmem>> -> memref<1300xf32, #tpu.memory_space<vmem>>
          %parallel_loop3A_503 = tpu.vector_load_idx %parallel_loop3A_502[%parallel_loop3A_413] : memref<1300xf32, #tpu.memory_space<vmem>>[vector<16xi32>], vector<16xf32>,
          %parallel_loop3A_504 = arith.constant 18256 : i32
          %parallel_loop3A_505 = tpu.memref_slice %arg6[%parallel_loop3A_504] : memref<41728xf32, #tpu.memory_space<vmem>> -> memref<1300xf32, #tpu.memory_space<vmem>>
          %parallel_loop3A_506 = tpu.vector_load_idx %parallel_loop3A_505[%parallel_loop3A_413] : memref<1300xf32, #tpu.memory_space<vmem>>[vector<16xi32>], vector<16xf32>,
          %parallel_loop3A_507 = arith.constant 19560 : i32
          %parallel_loop3A_508 = tpu.memref_slice %arg6[%parallel_loop3A_507] : memref<41728xf32, #tpu.memory_space<vmem>> -> memref<1300xf32, #tpu.memory_space<vmem>>
          %parallel_loop3A_509 = tpu.vector_load_idx %parallel_loop3A_508[%parallel_loop3A_413] : memref<1300xf32, #tpu.memory_space<vmem>>[vector<16xi32>], vector<16xf32>,
          %parallel_loop3A_510 = arith.constant 16 : i32
          %parallel_loop3A_511 = arith.muli %parallel_loop3A_510, %parallel_loop3A_406 : i32
          %parallel_loop3A_512 = arith.constant 8 : i32
          %parallel_loop3A_513 = arith.index_cast %parallel_loop3A_512 : i32 to index
          %parallel_loop3A_514 = arith.index_cast %parallel_loop3A_511 : i32 to index
          %parallel_loop3A_515 = tpu.vector_load %arg7[%parallel_loop3A_513, %parallel_loop3A_514] {strides = array<i32>} : memref<32x128xf32, #tpu.memory_space<vmem>>, vector<16xf32>,
          tpu.vector_store %arg7[%parallel_loop3A_513, %parallel_loop3A_514], %parallel_loop3A_488 {strides = array<i32>} : memref<32x128xf32, #tpu.memory_space<vmem>>, vector<16xf32>,
          %parallel_loop3A_516 = arith.constant 16 : i32
          %parallel_loop3A_517 = arith.muli %parallel_loop3A_516, %parallel_loop3A_406 : i32
          %parallel_loop3A_518 = arith.constant 9 : i32
          %parallel_loop3A_519 = arith.index_cast %parallel_loop3A_518 : i32 to index
          %parallel_loop3A_520 = arith.index_cast %parallel_loop3A_517 : i32 to index
          %parallel_loop3A_521 = tpu.vector_load %arg7[%parallel_loop3A_519, %parallel_loop3A_520] {strides = array<i32>} : memref<32x128xf32, #tpu.memory_space<vmem>>, vector<16xf32>,
          tpu.vector_store %arg7[%parallel_loop3A_519, %parallel_loop3A_520], %parallel_loop3A_491 {strides = array<i32>} : memref<32x128xf32, #tpu.memory_space<vmem>>, vector<16xf32>,
          %parallel_loop3A_522 = arith.constant 16 : i32
          %parallel_loop3A_523 = arith.muli %parallel_loop3A_522, %parallel_loop3A_406 : i32
          %parallel_loop3A_524 = arith.constant 10 : i32
          %parallel_loop3A_525 = arith.index_cast %parallel_loop3A_524 : i32 to index
          %parallel_loop3A_526 = arith.index_cast %parallel_loop3A_523 : i32 to index
          %parallel_loop3A_527 = tpu.vector_load %arg7[%parallel_loop3A_525, %parallel_loop3A_526] {strides = array<i32>} : memref<32x128xf32, #tpu.memory_space<vmem>>, vector<16xf32>,
          tpu.vector_store %arg7[%parallel_loop3A_525, %parallel_loop3A_526], %parallel_loop3A_494 {strides = array<i32>} : memref<32x128xf32, #tpu.memory_space<vmem>>, vector<16xf32>,
          %parallel_loop3A_528 = arith.constant 16 : i32
          %parallel_loop3A_529 = arith.muli %parallel_loop3A_528, %parallel_loop3A_406 : i32
          %parallel_loop3A_530 = arith.constant 11 : i32
          %parallel_loop3A_531 = arith.index_cast %parallel_loop3A_530 : i32 to index
          %parallel_loop3A_532 = arith.index_cast %parallel_loop3A_529 : i32 to index
          %parallel_loop3A_533 = tpu.vector_load %arg7[%parallel_loop3A_531, %parallel_loop3A_532] {strides = array<i32>} : memref<32x128xf32, #tpu.memory_space<vmem>>, vector<16xf32>,
          tpu.vector_store %arg7[%parallel_loop3A_531, %parallel_loop3A_532], %parallel_loop3A_497 {strides = array<i32>} : memref<32x128xf32, #tpu.memory_space<vmem>>, vector<16xf32>,
          %parallel_loop3A_534 = arith.constant 16 : i32
          %parallel_loop3A_535 = arith.muli %parallel_loop3A_534, %parallel_loop3A_406 : i32
          %parallel_loop3A_536 = arith.constant 12 : i32
          %parallel_loop3A_537 = arith.index_cast %parallel_loop3A_536 : i32 to index
          %parallel_loop3A_538 = arith.index_cast %parallel_loop3A_535 : i32 to index
          %parallel_loop3A_539 = tpu.vector_load %arg7[%parallel_loop3A_537, %parallel_loop3A_538] {strides = array<i32>} : memref<32x128xf32, #tpu.memory_space<vmem>>, vector<16xf32>,
          tpu.vector_store %arg7[%parallel_loop3A_537, %parallel_loop3A_538], %parallel_loop3A_500 {strides = array<i32>} : memref<32x128xf32, #tpu.memory_space<vmem>>, vector<16xf32>,
          %parallel_loop3A_540 = arith.constant 16 : i32
          %parallel_loop3A_541 = arith.muli %parallel_loop3A_540, %parallel_loop3A_406 : i32
          %parallel_loop3A_542 = arith.constant 13 : i32
          %parallel_loop3A_543 = arith.index_cast %parallel_loop3A_542 : i32 to index
          %parallel_loop3A_544 = arith.index_cast %parallel_loop3A_541 : i32 to index
          %parallel_loop3A_545 = tpu.vector_load %arg7[%parallel_loop3A_543, %parallel_loop3A_544] {strides = array<i32>} : memref<32x128xf32, #tpu.memory_space<vmem>>, vector<16xf32>,
          tpu.vector_store %arg7[%parallel_loop3A_543, %parallel_loop3A_544], %parallel_loop3A_503 {strides = array<i32>} : memref<32x128xf32, #tpu.memory_space<vmem>>, vector<16xf32>,
          %parallel_loop3A_546 = arith.constant 16 : i32
          %parallel_loop3A_547 = arith.muli %parallel_loop3A_546, %parallel_loop3A_406 : i32
          %parallel_loop3A_548 = arith.constant 14 : i32
          %parallel_loop3A_549 = arith.index_cast %parallel_loop3A_548 : i32 to index
          %parallel_loop3A_550 = arith.index_cast %parallel_loop3A_547 : i32 to index
          %parallel_loop3A_551 = tpu.vector_load %arg7[%parallel_loop3A_549, %parallel_loop3A_550] {strides = array<i32>} : memref<32x128xf32, #tpu.memory_space<vmem>>, vector<16xf32>,
          tpu.vector_store %arg7[%parallel_loop3A_549, %parallel_loop3A_550], %parallel_loop3A_506 {strides = array<i32>} : memref<32x128xf32, #tpu.memory_space<vmem>>, vector<16xf32>,
          %parallel_loop3A_552 = arith.constant 16 : i32
          %parallel_loop3A_553 = arith.muli %parallel_loop3A_552, %parallel_loop3A_406 : i32
          %parallel_loop3A_554 = arith.constant 15 : i32
          %parallel_loop3A_555 = arith.index_cast %parallel_loop3A_554 : i32 to index
          %parallel_loop3A_556 = arith.index_cast %parallel_loop3A_553 : i32 to index
          %parallel_loop3A_557 = tpu.vector_load %arg7[%parallel_loop3A_555, %parallel_loop3A_556] {strides = array<i32>} : memref<32x128xf32, #tpu.memory_space<vmem>>, vector<16xf32>,
          tpu.vector_store %arg7[%parallel_loop3A_555, %parallel_loop3A_556], %parallel_loop3A_509 {strides = array<i32>} : memref<32x128xf32, #tpu.memory_space<vmem>>, vector<16xf32>,
          %parallel_loop3A_558 = arith.constant 20864 : i32
          %parallel_loop3A_559 = tpu.memref_slice %arg6[%parallel_loop3A_558] : memref<41728xf32, #tpu.memory_space<vmem>> -> memref<1300xf32, #tpu.memory_space<vmem>>
          %parallel_loop3A_560 = tpu.vector_load_idx %parallel_loop3A_559[%parallel_loop3A_413] : memref<1300xf32, #tpu.memory_space<vmem>>[vector<16xi32>], vector<16xf32>,
          %parallel_loop3A_561 = arith.constant 22168 : i32
          %parallel_loop3A_562 = tpu.memref_slice %arg6[%parallel_loop3A_561] : memref<41728xf32, #tpu.memory_space<vmem>> -> memref<1300xf32, #tpu.memory_space<vmem>>
          %parallel_loop3A_563 = tpu.vector_load_idx %parallel_loop3A_562[%parallel_loop3A_413] : memref<1300xf32, #tpu.memory_space<vmem>>[vector<16xi32>], vector<16xf32>,
          %parallel_loop3A_564 = arith.constant 23472 : i32
          %parallel_loop3A_565 = tpu.memref_slice %arg6[%parallel_loop3A_564] : memref<41728xf32, #tpu.memory_space<vmem>> -> memref<1300xf32, #tpu.memory_space<vmem>>
          %parallel_loop3A_566 = tpu.vector_load_idx %parallel_loop3A_565[%parallel_loop3A_413] : memref<1300xf32, #tpu.memory_space<vmem>>[vector<16xi32>], vector<16xf32>,
          %parallel_loop3A_567 = arith.constant 24776 : i32
          %parallel_loop3A_568 = tpu.memref_slice %arg6[%parallel_loop3A_567] : memref<41728xf32, #tpu.memory_space<vmem>> -> memref<1300xf32, #tpu.memory_space<vmem>>
          %parallel_loop3A_569 = tpu.vector_load_idx %parallel_loop3A_568[%parallel_loop3A_413] : memref<1300xf32, #tpu.memory_space<vmem>>[vector<16xi32>], vector<16xf32>,
          %parallel_loop3A_570 = arith.constant 26080 : i32
          %parallel_loop3A_571 = tpu.memref_slice %arg6[%parallel_loop3A_570] : memref<41728xf32, #tpu.memory_space<vmem>> -> memref<1300xf32, #tpu.memory_space<vmem>>
          %parallel_loop3A_572 = tpu.vector_load_idx %parallel_loop3A_571[%parallel_loop3A_413] : memref<1300xf32, #tpu.memory_space<vmem>>[vector<16xi32>], vector<16xf32>,
          %parallel_loop3A_573 = arith.constant 27384 : i32
          %parallel_loop3A_574 = tpu.memref_slice %arg6[%parallel_loop3A_573] : memref<41728xf32, #tpu.memory_space<vmem>> -> memref<1300xf32, #tpu.memory_space<vmem>>
          %parallel_loop3A_575 = tpu.vector_load_idx %parallel_loop3A_574[%parallel_loop3A_413] : memref<1300xf32, #tpu.memory_space<vmem>>[vector<16xi32>], vector<16xf32>,
          %parallel_loop3A_576 = arith.constant 28688 : i32
          %parallel_loop3A_577 = tpu.memref_slice %arg6[%parallel_loop3A_576] : memref<41728xf32, #tpu.memory_space<vmem>> -> memref<1300xf32, #tpu.memory_space<vmem>>
          %parallel_loop3A_578 = tpu.vector_load_idx %parallel_loop3A_577[%parallel_loop3A_413] : memref<1300xf32, #tpu.memory_space<vmem>>[vector<16xi32>], vector<16xf32>,
          %parallel_loop3A_579 = arith.constant 29992 : i32
          %parallel_loop3A_580 = tpu.memref_slice %arg6[%parallel_loop3A_579] : memref<41728xf32, #tpu.memory_space<vmem>> -> memref<1300xf32, #tpu.memory_space<vmem>>
          %parallel_loop3A_581 = tpu.vector_load_idx %parallel_loop3A_580[%parallel_loop3A_413] : memref<1300xf32, #tpu.memory_space<vmem>>[vector<16xi32>], vector<16xf32>,
          %parallel_loop3A_582 = arith.constant 16 : i32
          %parallel_loop3A_583 = arith.muli %parallel_loop3A_582, %parallel_loop3A_406 : i32
          %parallel_loop3A_584 = arith.constant 16 : i32
          %parallel_loop3A_585 = arith.index_cast %parallel_loop3A_584 : i32 to index
          %parallel_loop3A_586 = arith.index_cast %parallel_loop3A_583 : i32 to index
          %parallel_loop3A_587 = tpu.vector_load %arg7[%parallel_loop3A_585, %parallel_loop3A_586] {strides = array<i32>} : memref<32x128xf32, #tpu.memory_space<vmem>>, vector<16xf32>,
          tpu.vector_store %arg7[%parallel_loop3A_585, %parallel_loop3A_586], %parallel_loop3A_560 {strides = array<i32>} : memref<32x128xf32, #tpu.memory_space<vmem>>, vector<16xf32>,
          %parallel_loop3A_588 = arith.constant 16 : i32
          %parallel_loop3A_589 = arith.muli %parallel_loop3A_588, %parallel_loop3A_406 : i32
          %parallel_loop3A_590 = arith.constant 17 : i32
          %parallel_loop3A_591 = arith.index_cast %parallel_loop3A_590 : i32 to index
          %parallel_loop3A_592 = arith.index_cast %parallel_loop3A_589 : i32 to index
          %parallel_loop3A_593 = tpu.vector_load %arg7[%parallel_loop3A_591, %parallel_loop3A_592] {strides = array<i32>} : memref<32x128xf32, #tpu.memory_space<vmem>>, vector<16xf32>,
          tpu.vector_store %arg7[%parallel_loop3A_591, %parallel_loop3A_592], %parallel_loop3A_563 {strides = array<i32>} : memref<32x128xf32, #tpu.memory_space<vmem>>, vector<16xf32>,
          %parallel_loop3A_594 = arith.constant 16 : i32
          %parallel_loop3A_595 = arith.muli %parallel_loop3A_594, %parallel_loop3A_406 : i32
          %parallel_loop3A_596 = arith.constant 18 : i32
          %parallel_loop3A_597 = arith.index_cast %parallel_loop3A_596 : i32 to index
          %parallel_loop3A_598 = arith.index_cast %parallel_loop3A_595 : i32 to index
          %parallel_loop3A_599 = tpu.vector_load %arg7[%parallel_loop3A_597, %parallel_loop3A_598] {strides = array<i32>} : memref<32x128xf32, #tpu.memory_space<vmem>>, vector<16xf32>,
          tpu.vector_store %arg7[%parallel_loop3A_597, %parallel_loop3A_598], %parallel_loop3A_566 {strides = array<i32>} : memref<32x128xf32, #tpu.memory_space<vmem>>, vector<16xf32>,
          %parallel_loop3A_600 = arith.constant 16 : i32
          %parallel_loop3A_601 = arith.muli %parallel_loop3A_600, %parallel_loop3A_406 : i32
          %parallel_loop3A_602 = arith.constant 19 : i32
          %parallel_loop3A_603 = arith.index_cast %parallel_loop3A_602 : i32 to index
          %parallel_loop3A_604 = arith.index_cast %parallel_loop3A_601 : i32 to index
          %parallel_loop3A_605 = tpu.vector_load %arg7[%parallel_loop3A_603, %parallel_loop3A_604] {strides = array<i32>} : memref<32x128xf32, #tpu.memory_space<vmem>>, vector<16xf32>,
          tpu.vector_store %arg7[%parallel_loop3A_603, %parallel_loop3A_604], %parallel_loop3A_569 {strides = array<i32>} : memref<32x128xf32, #tpu.memory_space<vmem>>, vector<16xf32>,
          %parallel_loop3A_606 = arith.constant 16 : i32
          %parallel_loop3A_607 = arith.muli %parallel_loop3A_606, %parallel_loop3A_406 : i32
          %parallel_loop3A_608 = arith.constant 20 : i32
          %parallel_loop3A_609 = arith.index_cast %parallel_loop3A_608 : i32 to index
          %parallel_loop3A_610 = arith.index_cast %parallel_loop3A_607 : i32 to index
          %parallel_loop3A_611 = tpu.vector_load %arg7[%parallel_loop3A_609, %parallel_loop3A_610] {strides = array<i32>} : memref<32x128xf32, #tpu.memory_space<vmem>>, vector<16xf32>,
          tpu.vector_store %arg7[%parallel_loop3A_609, %parallel_loop3A_610], %parallel_loop3A_572 {strides = array<i32>} : memref<32x128xf32, #tpu.memory_space<vmem>>, vector<16xf32>,
          %parallel_loop3A_612 = arith.constant 16 : i32
          %parallel_loop3A_613 = arith.muli %parallel_loop3A_612, %parallel_loop3A_406 : i32
          %parallel_loop3A_614 = arith.constant 21 : i32
          %parallel_loop3A_615 = arith.index_cast %parallel_loop3A_614 : i32 to index
          %parallel_loop3A_616 = arith.index_cast %parallel_loop3A_613 : i32 to index
          %parallel_loop3A_617 = tpu.vector_load %arg7[%parallel_loop3A_615, %parallel_loop3A_616] {strides = array<i32>} : memref<32x128xf32, #tpu.memory_space<vmem>>, vector<16xf32>,
          tpu.vector_store %arg7[%parallel_loop3A_615, %parallel_loop3A_616], %parallel_loop3A_575 {strides = array<i32>} : memref<32x128xf32, #tpu.memory_space<vmem>>, vector<16xf32>,
          %parallel_loop3A_618 = arith.constant 16 : i32
          %parallel_loop3A_619 = arith.muli %parallel_loop3A_618, %parallel_loop3A_406 : i32
          %parallel_loop3A_620 = arith.constant 22 : i32
          %parallel_loop3A_621 = arith.index_cast %parallel_loop3A_620 : i32 to index
          %parallel_loop3A_622 = arith.index_cast %parallel_loop3A_619 : i32 to index
          %parallel_loop3A_623 = tpu.vector_load %arg7[%parallel_loop3A_621, %parallel_loop3A_622] {strides = array<i32>} : memref<32x128xf32, #tpu.memory_space<vmem>>, vector<16xf32>,
          tpu.vector_store %arg7[%parallel_loop3A_621, %parallel_loop3A_622], %parallel_loop3A_578 {strides = array<i32>} : memref<32x128xf32, #tpu.memory_space<vmem>>, vector<16xf32>,
          %parallel_loop3A_624 = arith.constant 16 : i32
          %parallel_loop3A_625 = arith.muli %parallel_loop3A_624, %parallel_loop3A_406 : i32
          %parallel_loop3A_626 = arith.constant 23 : i32
          %parallel_loop3A_627 = arith.index_cast %parallel_loop3A_626 : i32 to index
          %parallel_loop3A_628 = arith.index_cast %parallel_loop3A_625 : i32 to index
          %parallel_loop3A_629 = tpu.vector_load %arg7[%parallel_loop3A_627, %parallel_loop3A_628] {strides = array<i32>} : memref<32x128xf32, #tpu.memory_space<vmem>>, vector<16xf32>,
          tpu.vector_store %arg7[%parallel_loop3A_627, %parallel_loop3A_628], %parallel_loop3A_581 {strides = array<i32>} : memref<32x128xf32, #tpu.memory_space<vmem>>, vector<16xf32>,
          %parallel_loop3A_630 = arith.constant 31296 : i32
          %parallel_loop3A_631 = tpu.memref_slice %arg6[%parallel_loop3A_630] : memref<41728xf32, #tpu.memory_space<vmem>> -> memref<1300xf32, #tpu.memory_space<vmem>>
          %parallel_loop3A_632 = tpu.vector_load_idx %parallel_loop3A_631[%parallel_loop3A_413] : memref<1300xf32, #tpu.memory_space<vmem>>[vector<16xi32>], vector<16xf32>,
          %parallel_loop3A_633 = arith.constant 32600 : i32
          %parallel_loop3A_634 = tpu.memref_slice %arg6[%parallel_loop3A_633] : memref<41728xf32, #tpu.memory_space<vmem>> -> memref<1300xf32, #tpu.memory_space<vmem>>
          %parallel_loop3A_635 = tpu.vector_load_idx %parallel_loop3A_634[%parallel_loop3A_413] : memref<1300xf32, #tpu.memory_space<vmem>>[vector<16xi32>], vector<16xf32>,
          %parallel_loop3A_636 = arith.constant 33904 : i32
          %parallel_loop3A_637 = tpu.memref_slice %arg6[%parallel_loop3A_636] : memref<41728xf32, #tpu.memory_space<vmem>> -> memref<1300xf32, #tpu.memory_space<vmem>>
          %parallel_loop3A_638 = tpu.vector_load_idx %parallel_loop3A_637[%parallel_loop3A_413] : memref<1300xf32, #tpu.memory_space<vmem>>[vector<16xi32>], vector<16xf32>,
          %parallel_loop3A_639 = arith.constant 35208 : i32
          %parallel_loop3A_640 = tpu.memref_slice %arg6[%parallel_loop3A_639] : memref<41728xf32, #tpu.memory_space<vmem>> -> memref<1300xf32, #tpu.memory_space<vmem>>
          %parallel_loop3A_641 = tpu.vector_load_idx %parallel_loop3A_640[%parallel_loop3A_413] : memref<1300xf32, #tpu.memory_space<vmem>>[vector<16xi32>], vector<16xf32>,
          %parallel_loop3A_642 = arith.constant 36512 : i32
          %parallel_loop3A_643 = tpu.memref_slice %arg6[%parallel_loop3A_642] : memref<41728xf32, #tpu.memory_space<vmem>> -> memref<1300xf32, #tpu.memory_space<vmem>>
          %parallel_loop3A_644 = tpu.vector_load_idx %parallel_loop3A_643[%parallel_loop3A_413] : memref<1300xf32, #tpu.memory_space<vmem>>[vector<16xi32>], vector<16xf32>,
          %parallel_loop3A_645 = arith.constant 37816 : i32
          %parallel_loop3A_646 = tpu.memref_slice %arg6[%parallel_loop3A_645] : memref<41728xf32, #tpu.memory_space<vmem>> -> memref<1300xf32, #tpu.memory_space<vmem>>
          %parallel_loop3A_647 = tpu.vector_load_idx %parallel_loop3A_646[%parallel_loop3A_413] : memref<1300xf32, #tpu.memory_space<vmem>>[vector<16xi32>], vector<16xf32>,
          %parallel_loop3A_648 = arith.constant 39120 : i32
          %parallel_loop3A_649 = tpu.memref_slice %arg6[%parallel_loop3A_648] : memref<41728xf32, #tpu.memory_space<vmem>> -> memref<1300xf32, #tpu.memory_space<vmem>>
          %parallel_loop3A_650 = tpu.vector_load_idx %parallel_loop3A_649[%parallel_loop3A_413] : memref<1300xf32, #tpu.memory_space<vmem>>[vector<16xi32>], vector<16xf32>,
          %parallel_loop3A_651 = arith.constant 40424 : i32
          %parallel_loop3A_652 = tpu.memref_slice %arg6[%parallel_loop3A_651] : memref<41728xf32, #tpu.memory_space<vmem>> -> memref<1300xf32, #tpu.memory_space<vmem>>
          %parallel_loop3A_653 = tpu.vector_load_idx %parallel_loop3A_652[%parallel_loop3A_413] : memref<1300xf32, #tpu.memory_space<vmem>>[vector<16xi32>], vector<16xf32>,
          %parallel_loop3A_654 = arith.constant 16 : i32
          %parallel_loop3A_655 = arith.muli %parallel_loop3A_654, %parallel_loop3A_406 : i32
          %parallel_loop3A_656 = arith.constant 24 : i32
          %parallel_loop3A_657 = arith.index_cast %parallel_loop3A_656 : i32 to index
          %parallel_loop3A_658 = arith.index_cast %parallel_loop3A_655 : i32 to index
          %parallel_loop3A_659 = tpu.vector_load %arg7[%parallel_loop3A_657, %parallel_loop3A_658] {strides = array<i32>} : memref<32x128xf32, #tpu.memory_space<vmem>>, vector<16xf32>,
          tpu.vector_store %arg7[%parallel_loop3A_657, %parallel_loop3A_658], %parallel_loop3A_632 {strides = array<i32>} : memref<32x128xf32, #tpu.memory_space<vmem>>, vector<16xf32>,
          %parallel_loop3A_660 = arith.constant 16 : i32
          %parallel_loop3A_661 = arith.muli %parallel_loop3A_660, %parallel_loop3A_406 : i32
          %parallel_loop3A_662 = arith.constant 25 : i32
          %parallel_loop3A_663 = arith.index_cast %parallel_loop3A_662 : i32 to index
          %parallel_loop3A_664 = arith.index_cast %parallel_loop3A_661 : i32 to index
          %parallel_loop3A_665 = tpu.vector_load %arg7[%parallel_loop3A_663, %parallel_loop3A_664] {strides = array<i32>} : memref<32x128xf32, #tpu.memory_space<vmem>>, vector<16xf32>,
          tpu.vector_store %arg7[%parallel_loop3A_663, %parallel_loop3A_664], %parallel_loop3A_635 {strides = array<i32>} : memref<32x128xf32, #tpu.memory_space<vmem>>, vector<16xf32>,
          %parallel_loop3A_666 = arith.constant 16 : i32
          %parallel_loop3A_667 = arith.muli %parallel_loop3A_666, %parallel_loop3A_406 : i32
          %parallel_loop3A_668 = arith.constant 26 : i32
          %parallel_loop3A_669 = arith.index_cast %parallel_loop3A_668 : i32 to index
          %parallel_loop3A_670 = arith.index_cast %parallel_loop3A_667 : i32 to index
          %parallel_loop3A_671 = tpu.vector_load %arg7[%parallel_loop3A_669, %parallel_loop3A_670] {strides = array<i32>} : memref<32x128xf32, #tpu.memory_space<vmem>>, vector<16xf32>,
          tpu.vector_store %arg7[%parallel_loop3A_669, %parallel_loop3A_670], %parallel_loop3A_638 {strides = array<i32>} : memref<32x128xf32, #tpu.memory_space<vmem>>, vector<16xf32>,
          %parallel_loop3A_672 = arith.constant 16 : i32
          %parallel_loop3A_673 = arith.muli %parallel_loop3A_672, %parallel_loop3A_406 : i32
          %parallel_loop3A_674 = arith.constant 27 : i32
          %parallel_loop3A_675 = arith.index_cast %parallel_loop3A_674 : i32 to index
          %parallel_loop3A_676 = arith.index_cast %parallel_loop3A_673 : i32 to index
          %parallel_loop3A_677 = tpu.vector_load %arg7[%parallel_loop3A_675, %parallel_loop3A_676] {strides = array<i32>} : memref<32x128xf32, #tpu.memory_space<vmem>>, vector<16xf32>,
          tpu.vector_store %arg7[%parallel_loop3A_675, %parallel_loop3A_676], %parallel_loop3A_641 {strides = array<i32>} : memref<32x128xf32, #tpu.memory_space<vmem>>, vector<16xf32>,
          %parallel_loop3A_678 = arith.constant 16 : i32
          %parallel_loop3A_679 = arith.muli %parallel_loop3A_678, %parallel_loop3A_406 : i32
          %parallel_loop3A_680 = arith.constant 28 : i32
          %parallel_loop3A_681 = arith.index_cast %parallel_loop3A_680 : i32 to index
          %parallel_loop3A_682 = arith.index_cast %parallel_loop3A_679 : i32 to index
          %parallel_loop3A_683 = tpu.vector_load %arg7[%parallel_loop3A_681, %parallel_loop3A_682] {strides = array<i32>} : memref<32x128xf32, #tpu.memory_space<vmem>>, vector<16xf32>,
          tpu.vector_store %arg7[%parallel_loop3A_681, %parallel_loop3A_682], %parallel_loop3A_644 {strides = array<i32>} : memref<32x128xf32, #tpu.memory_space<vmem>>, vector<16xf32>,
          %parallel_loop3A_684 = arith.constant 16 : i32
          %parallel_loop3A_685 = arith.muli %parallel_loop3A_684, %parallel_loop3A_406 : i32
          %parallel_loop3A_686 = arith.constant 29 : i32
          %parallel_loop3A_687 = arith.index_cast %parallel_loop3A_686 : i32 to index
          %parallel_loop3A_688 = arith.index_cast %parallel_loop3A_685 : i32 to index
          %parallel_loop3A_689 = tpu.vector_load %arg7[%parallel_loop3A_687, %parallel_loop3A_688] {strides = array<i32>} : memref<32x128xf32, #tpu.memory_space<vmem>>, vector<16xf32>,
          tpu.vector_store %arg7[%parallel_loop3A_687, %parallel_loop3A_688], %parallel_loop3A_647 {strides = array<i32>} : memref<32x128xf32, #tpu.memory_space<vmem>>, vector<16xf32>,
          %parallel_loop3A_690 = arith.constant 16 : i32
          %parallel_loop3A_691 = arith.muli %parallel_loop3A_690, %parallel_loop3A_406 : i32
          %parallel_loop3A_692 = arith.constant 30 : i32
          %parallel_loop3A_693 = arith.index_cast %parallel_loop3A_692 : i32 to index
          %parallel_loop3A_694 = arith.index_cast %parallel_loop3A_691 : i32 to index
          %parallel_loop3A_695 = tpu.vector_load %arg7[%parallel_loop3A_693, %parallel_loop3A_694] {strides = array<i32>} : memref<32x128xf32, #tpu.memory_space<vmem>>, vector<16xf32>,
          tpu.vector_store %arg7[%parallel_loop3A_693, %parallel_loop3A_694], %parallel_loop3A_650 {strides = array<i32>} : memref<32x128xf32, #tpu.memory_space<vmem>>, vector<16xf32>,
          %parallel_loop3A_696 = arith.constant 16 : i32
          %parallel_loop3A_697 = arith.muli %parallel_loop3A_696, %parallel_loop3A_406 : i32
          %parallel_loop3A_698 = arith.constant 31 : i32
          %parallel_loop3A_699 = arith.index_cast %parallel_loop3A_698 : i32 to index
          %parallel_loop3A_700 = arith.index_cast %parallel_loop3A_697 : i32 to index
          %parallel_loop3A_701 = tpu.vector_load %arg7[%parallel_loop3A_699, %parallel_loop3A_700] {strides = array<i32>} : memref<32x128xf32, #tpu.memory_space<vmem>>, vector<16xf32>,
          tpu.vector_store %arg7[%parallel_loop3A_699, %parallel_loop3A_700], %parallel_loop3A_653 {strides = array<i32>} : memref<32x128xf32, #tpu.memory_space<vmem>>, vector<16xf32>,
        } {sc.loop_unroll_factor = 4 : i64, sc.parallel_access}
        %add3A_356 = arith.constant 1 : i32
        %add3A_357 = arith.addi %add3A_247, %add3A_356 : i32
        %jit3A_358 = arith.constant 128 : i32
        %div3A_359 = arith.divsi %add3A_357, %jit3A_358 : i32
        %sign3A_360 = arith.constant 0 : i32
        %sign3A_361 = arith.cmpi sgt, %add3A_357, %sign3A_360 : i32
        %sign3A_362 = arith.extui %sign3A_361 : i1 to i32
        %sign3A_363 = arith.constant 0 : i32
        %sign3A_364 = arith.cmpi slt, %add3A_357, %sign3A_363 : i32
        %sign3A_365 = arith.extui %sign3A_364 : i1 to i32
        %sign3A_366 = arith.subi %sign3A_362, %sign3A_365 : i32
        %sign3A_367 = arith.constant 0 : i32
        %sign3A_368 = arith.cmpi sgt, %jit3A_358, %sign3A_367 : i32
        %sign3A_369 = arith.extui %sign3A_368 : i1 to i32
        %sign3A_370 = arith.constant 0 : i32
        %sign3A_371 = arith.cmpi slt, %jit3A_358, %sign3A_370 : i32
        %sign3A_372 = arith.extui %sign3A_371 : i1 to i32
        %sign3A_373 = arith.subi %sign3A_369, %sign3A_372 : i32
        %ne3A_374 = arith.cmpi ne, %sign3A_366, %sign3A_373 : i32
        %rem3A_375 = arith.remsi %add3A_357, %jit3A_358 : i32
        %ne3A_376 = arith.constant 0 : i32
        %ne3A_377 = arith.cmpi ne, %rem3A_375, %ne3A_376 : i32
        %and3A_378 = arith.andi %ne3A_374, %ne3A_377 : i1
        %sub3A_379 = arith.constant 1 : i32
        %sub3A_380 = arith.subi %div3A_359, %sub3A_379 : i32
        %select_n3A_381 = arith.select %and3A_378, %sub3A_380, %div3A_359 : i32
        %jit3A_382 = arith.constant 128 : i32
        %eq3A_383 = arith.constant 0 : i32
        %eq3A_384 = arith.cmpi eq, %jit3A_382, %eq3A_383 : i32
        %jit3A_385 = arith.constant 1 : i32
        %select_n3A_386 = arith.select %eq3A_384, %jit3A_385, %jit3A_382 : i32
        %rem3A_387 = arith.remsi %add3A_357, %select_n3A_386 : i32
        %ne3A_388 = arith.constant 0 : i32
        %ne3A_389 = arith.cmpi ne, %rem3A_387, %ne3A_388 : i32
        %lt3A_390 = arith.constant 0 : i32
        %lt3A_391 = arith.cmpi slt, %rem3A_387, %lt3A_390 : i32
        %lt3A_392 = arith.constant 0 : i32
        %lt3A_393 = arith.cmpi slt, %select_n3A_386, %lt3A_392 : i32
        %ne3A_394 = arith.xori %lt3A_391, %lt3A_393 : i1
        %and3A_395 = arith.andi %ne3A_394, %ne3A_389 : i1
        %add3A_396 = arith.addi %rem3A_387, %select_n3A_386 : i32
        %select_n3A_397 = arith.select %and3A_395, %add3A_396, %rem3A_387 : i32
        %mul3A_398 = arith.constant 128 : i32
        %mul3A_399 = arith.muli %select_n3A_397, %mul3A_398 : i32
        %dma_start3A_400 = arith.constant 0 : i32
        %dma_start3A_401 = tpu.memref_slice %arg4[%select_n3A_381, %dma_start3A_400, %mul3A_399] : memref<26x32x16384xf32, #tpu.memory_space<hbm>> -> memref<1x32x128xf32, #tpu.memory_space<hbm>>
        %dma_start3A_402 = tpu.memref_squeeze %dma_start3A_401 : memref<1x32x128xf32, #tpu.memory_space<hbm>> -> memref<32x128xf32, #tpu.memory_space<hbm>>
        %dma_start3A_403 = arith.constant 0 : i32
        %dma_start3A_404 = tpu.memref_slice %arg4[%select_n3A_381, %dma_start3A_403, %mul3A_399] : memref<26x32x16384xf32, #tpu.memory_space<hbm>> -> memref<1x32x128xf32, #tpu.memory_space<hbm>>
        %dma_start3A_405 = tpu.memref_squeeze %dma_start3A_404 : memref<1x32x128xf32, #tpu.memory_space<hbm>> -> memref<32x128xf32, #tpu.memory_space<hbm>>
        tpu.enqueue_dma source(%arg7 : memref<32x128xf32, #tpu.memory_space<vmem>>) target(%dma_start3A_405 : memref<32x128xf32, #tpu.memory_space<hbm>>) target_semaphore(%arg9 : memref<!tpu.dma_semaphore, #tpu.memory_space<semaphore_mem>>)
      } else {
      }
      %jit3A_255 = arith.constant 128 : i32
      %div3A_256 = arith.divsi %add3A_247, %jit3A_255 : i32
      %sign3A_257 = arith.constant 0 : i32
      %sign3A_258 = arith.cmpi sgt, %add3A_247, %sign3A_257 : i32
      %sign3A_259 = arith.extui %sign3A_258 : i1 to i32
      %sign3A_260 = arith.constant 0 : i32
      %sign3A_261 = arith.cmpi slt, %add3A_247, %sign3A_260 : i32
      %sign3A_262 = arith.extui %sign3A_261 : i1 to i32
      %sign3A_263 = arith.subi %sign3A_259, %sign3A_262 : i32
      %sign3A_264 = arith.constant 0 : i32
      %sign3A_265 = arith.cmpi sgt, %jit3A_255, %sign3A_264 : i32
      %sign3A_266 = arith.extui %sign3A_265 : i1 to i32
      %sign3A_267 = arith.constant 0 : i32
      %sign3A_268 = arith.cmpi slt, %jit3A_255, %sign3A_267 : i32
      %sign3A_269 = arith.extui %sign3A_268 : i1 to i32
      %sign3A_270 = arith.subi %sign3A_266, %sign3A_269 : i32
      %ne3A_271 = arith.cmpi ne, %sign3A_263, %sign3A_270 : i32
      %rem3A_272 = arith.remsi %add3A_247, %jit3A_255 : i32
      %ne3A_273 = arith.constant 0 : i32
      %ne3A_274 = arith.cmpi ne, %rem3A_272, %ne3A_273 : i32
      %and3A_275 = arith.andi %ne3A_271, %ne3A_274 : i1
      %sub3A_276 = arith.constant 1 : i32
      %sub3A_277 = arith.subi %div3A_256, %sub3A_276 : i32
      %select_n3A_278 = arith.select %and3A_275, %sub3A_277, %div3A_256 : i32
      %jit3A_279 = arith.constant 128 : i32
      %eq3A_280 = arith.constant 0 : i32
      %eq3A_281 = arith.cmpi eq, %jit3A_279, %eq3A_280 : i32
      %jit3A_282 = arith.constant 1 : i32
      %select_n3A_283 = arith.select %eq3A_281, %jit3A_282, %jit3A_279 : i32
      %rem3A_284 = arith.remsi %add3A_247, %select_n3A_283 : i32
      %ne3A_285 = arith.constant 0 : i32
      %ne3A_286 = arith.cmpi ne, %rem3A_284, %ne3A_285 : i32
      %lt3A_287 = arith.constant 0 : i32
      %lt3A_288 = arith.cmpi slt, %rem3A_284, %lt3A_287 : i32
      %lt3A_289 = arith.constant 0 : i32
      %lt3A_290 = arith.cmpi slt, %select_n3A_283, %lt3A_289 : i32
      %ne3A_291 = arith.xori %lt3A_288, %lt3A_290 : i1
      %and3A_292 = arith.andi %ne3A_291, %ne3A_286 : i1
      %add3A_293 = arith.addi %rem3A_284, %select_n3A_283 : i32
      %select_n3A_294 = arith.select %and3A_292, %add3A_293, %rem3A_284 : i32
      %mul3A_295 = arith.constant 128 : i32
      %mul3A_296 = arith.muli %select_n3A_294, %mul3A_295 : i32
      %dma_wait3A_297 = arith.constant 0 : i32
      %dma_wait3A_298 = tpu.memref_slice %arg4[%select_n3A_278, %dma_wait3A_297, %mul3A_296] : memref<26x32x16384xf32, #tpu.memory_space<hbm>> -> memref<1x32x128xf32, #tpu.memory_space<hbm>>
      %dma_wait3A_299 = tpu.memref_squeeze %dma_wait3A_298 : memref<1x32x128xf32, #tpu.memory_space<hbm>> -> memref<32x128xf32, #tpu.memory_space<hbm>>
      %dma_wait3A_300 = arith.constant 0 : i32
      %dma_wait3A_301 = tpu.memref_slice %arg4[%select_n3A_278, %dma_wait3A_300, %mul3A_296] : memref<26x32x16384xf32, #tpu.memory_space<hbm>> -> memref<1x32x128xf32, #tpu.memory_space<hbm>>
      %dma_wait3A_302 = tpu.memref_squeeze %dma_wait3A_301 : memref<1x32x128xf32, #tpu.memory_space<hbm>> -> memref<32x128xf32, #tpu.memory_space<hbm>>
      tpu.wait_dma2 semaphore(%arg10 : memref<!tpu.dma_semaphore, #tpu.memory_space<semaphore_mem>>) src(%arg8 : memref<32x128xf32, #tpu.memory_space<vmem>>) dst(%dma_wait3A_302 : memref<32x128xf32, #tpu.memory_space<hbm>>)
    }
    %scan3A_185 = arith.constant 52 : i32
    return
  }
}

</mosaic_0001>

<sc_bundles>
// kernel: _lookup.3.cloned.1.call-start
scs
__scs_entry_jumppad:
0x0: {  	(pc) =	sbr.rel $0x88, $3  }
0x1: {  	(tag) =	ssettag $0x0;
	lr =	simm.s32 $0x1  }
0x2: {  	[smem:$0x3F9F] =	sst lr;
	_ =	strace $0xD0000000  }
0x3: {  	_ = 	snop  }
0x4: {  	_ = 	snop  }
0x5: {  	_ = 	snop  }
0x6: {  	_ = 	snop  }
0x7: {  	_ = 	snop  }
__scs_overlays_trampoline_lowered:
0x8: {  	[smem:$0x3FAE] =	sst s0  }
0x9: {  	[smem:$0x3FAF] =	sst s1  }
0xa: {  	[smem:$0x3FB0] =	sst s2  }
0xb: {  	[smem:$0x3FB1] =	sst s3  }
0xc: {  	[smem:$0x3FB2] =	sst s4  }
0xd: {  	[smem:$0x3FB3] =	sst s5  }
0xe: {  	[smem:$0x3FB4] =	sst s6  }
0xf: {  	[smem:$0x3FB5] =	sst s7  }
0x10: {  	[smem:$0x3FB6] =	sst s8  }
0x11: {  	[smem:$0x3FB7] =	sst s9;
	s0 =	simm.s32 @!p0 $0x0  }
0x12: {  	s1 =	sld [smem:$0x3F9D];
	s0 =	simm.s32 @p0 $0x1  }
0x13: {  	[smem:$0x3FB8] =	sst s0;
	s0 =	simm.s32 @!p1 $0x0  }
0x14: {  	s2 =	sld [smem:$0x3F9C];
	s0 =	simm.s32 @p1 $0x1  }
0x15: {  	[smem:$0x3FB9] =	sst s0;
	s0 =	simm.s32 @!p2 $0x0  }
0x16: {  	s3 =	sld [smem:$0x3FDB];
	s0 =	simm.s32 @p2 $0x1  }
0x17: {  	s4 =	simm.s32 $0x1BF5;
	[smem:$0x3FBB] =	sst s0  }
0x18: {  	s0 =	sld [smem:$0x3F9E];
	_ =	swait.ge [sflag:s4], $0x0  }
0x19: {  	s7 =	sld [smem:$0x3F9F]  }
0x1a: {  	s8 =	sadd.s32 $0xFFFFE003, lr  }
0x1b: {  	s9 =	sadd.s32 $0xFFFFFEF7, lr;
	s5 =	simm.s32 $0xFFFFFFFF;
	p2 =	slt.u32 s8, $0xFFFFF086  }
0x1c: {  	p1 =	slt.u32 s9, $0xF7A;
	s5 =	simm.s32 @!p2 $0x0  }
0x1d: {  	s5 =	simm.s32 @p1 $0x1;
	p0 =	seq.s32 s7, s2  }
0x1e: {  	s7 =	smul.u32 @!p0 $0xF7A, s2;
	p2 =	seq.s32 @!p0 s5, $0x0  }
0x1f: {  	s9 =	smul.u32 $0xF7A, s1;
	s8 =	simm.s32 @!p0 $0x1BF5;
	p2 =	por !p2, p0  }
0x20: {  	[sflag:s8] =	ssyncset.s32 @!p0 $0xFFFFF086;
	s6 =	sadd.s32 @!p0 s3, s7;
	s7 =	simm.s32 @!p0 $0x108  }
0x21: {  	s3 =	sadd.s32 s3, s9;
	s6 =	sadd.s32 @!p0 $0x88, s6;
	s7 =	simm.s32 @p2 $0x1082  }
0x22: {  	[simem:s7], [sflag:s8] =	dma.local @!p0 [hbm:s6], $0xF7A  }
0x23: {  	s9 =	sor.u32 $0xD0000000, s2;
	s6 =	simm.s32 $0x108;
	_ =	swait.ge @!p0 [sflag:s8], $0x0  }
0x24: {  	s3 =	sadd.s32 $0x88, s3;
	s6 =	simm.s32 @!p1 $0x1082;
	[sflag:s4] =	ssyncset.s32 $0xFFFFF086  }
0x25: {  	[simem:s6], [sflag:s4] =	dma.local [hbm:s3], $0xF7A  }
0x26: {  	[smem:$0x3F9F] =	sst s1;
	(tag) =	ssettag s2;
	_ =	strace s9  }
0x27: {  	s1 =	sld [smem:$0x3FAF]  }
0x28: {  	s2 =	sld [smem:$0x3FB0]  }
0x29: {  	s4 =	sld [smem:$0x3FB2]  }
0x2a: {  	p0 =	seq.s32 s5, $0x0;
	s5 =	sld [smem:$0x3FB3]  }
0x2b: {  	s6 =	sld [smem:$0x3FB4]  }
0x2c: {  	s7 =	sld [smem:$0x3FB5]  }
0x2d: {  	s3 =	simm.s32 $0x108;
	s8 =	sld [smem:$0x3FB6]  }
0x2e: {  	s3 =	simm.s32 @!p0 $0x1082;
	s9 =	sld [smem:$0x3FB7]  }
0x2f: {  	lr =	sadd.s32 s0, s3;
	s0 =	sld [smem:$0x3FAE]  }
0x30: {  	s3 =	sld [smem:$0x3FB1]  }
0x31: {  	[smem:$0x3FBA] =	sst s10  }
0x32: {  	s10 =	sld [smem:$0x3FB8];
	_ =	sdelay $0x3  }
0x33: {  	p0 =	seq.s32 s10, $0x1;
	s10 =	sld [smem:$0x3FBA];
	_ =	sdelay $0x3  }
0x34: {  	[smem:$0x3FBA] =	sst s10  }
0x35: {  	s10 =	sld [smem:$0x3FB9];
	_ =	sdelay $0x3  }
0x36: {  	p1 =	seq.s32 s10, $0x1;
	s10 =	sld [smem:$0x3FBA];
	_ =	sdelay $0x3  }
0x37: {  	[smem:$0x3FBA] =	sst s10  }
0x38: {  	s10 =	sld [smem:$0x3FBB]  }
0x39: {  	_ = 	snop;
	(pc) =	sbr.ind lr, $3  }
0x3a: {  	_ = 	snop  }
0x3b: {  	_ = 	snop  }
0x3c: {  	p2 =	seq.s32 s10, $0x1;
	s10 =	sld [smem:$0x3FBA]  }
0x3d: {  	_ =	shalt  }
0x3e: {  	_ =	shalt  }
0x3f: {  	_ =	shalt  }
0x40: {  	_ =	shalt  }
0x41: {  	_ =	shalt  }
0x42: {  	_ =	shalt  }
0x43: {  	_ =	shalt  }
0x44: {  	_ =	shalt  }
0x45: {  	_ =	shalt  }
0x46: {  	_ =	shalt  }
0x47: {  	_ =	shalt  }
0x48: {  	_ =	shalt  }
0x49: {  	_ =	shalt  }
0x4a: {  	_ =	shalt  }
0x4b: {  	_ =	shalt  }
0x4c: {  	_ =	shalt  }
0x4d: {  	_ =	shalt  }
0x4e: {  	_ =	shalt  }
0x4f: {  	_ =	shalt  }
0x50: {  	_ =	shalt  }
0x51: {  	_ =	shalt  }
0x52: {  	_ =	shalt  }
0x53: {  	_ =	shalt  }
0x54: {  	_ =	shalt  }
0x55: {  	_ =	shalt  }
0x56: {  	_ =	shalt  }
0x57: {  	_ =	shalt  }
0x58: {  	_ =	shalt  }
0x59: {  	_ =	shalt  }
0x5a: {  	_ =	shalt  }
0x5b: {  	_ =	shalt  }
0x5c: {  	_ =	shalt  }
0x5d: {  	_ =	shalt  }
0x5e: {  	_ =	shalt  }
0x5f: {  	_ =	shalt  }
0x60: {  	_ =	shalt  }
0x61: {  	_ =	shalt  }
0x62: {  	_ =	shalt  }
0x63: {  	_ =	shalt  }
0x64: {  	_ =	shalt  }
0x65: {  	_ =	shalt  }
0x66: {  	_ =	shalt  }
0x67: {  	_ =	shalt  }
0x68: {  	_ =	shalt  }
0x69: {  	_ =	shalt  }
0x6a: {  	_ =	shalt  }
0x6b: {  	_ =	shalt  }
0x6c: {  	_ =	shalt  }
0x6d: {  	_ =	shalt  }
0x6e: {  	_ =	shalt  }
0x6f: {  	_ =	shalt  }
0x70: {  	_ =	shalt  }
0x71: {  	_ =	shalt  }
0x72: {  	_ =	shalt  }
0x73: {  	_ =	shalt  }
0x74: {  	_ =	shalt  }
0x75: {  	_ =	shalt  }
0x76: {  	_ =	shalt  }
0x77: {  	_ =	shalt  }
0x78: {  	_ =	shalt  }
0x79: {  	_ =	shalt  }
0x7a: {  	_ =	shalt  }
0x7b: {  	_ =	shalt  }
0x7c: {  	_ =	shalt  }
0x7d: {  	_ =	shalt  }
0x7e: {  	_ =	shalt  }
0x7f: {  	_ =	shalt  }
0x80: {  	_ =	shalt  }
0x81: {  	_ =	shalt  }
0x82: {  	_ =	shalt  }
0x83: {  	_ =	shalt  }
0x84: {  	_ =	shalt  }
0x85: {  	_ =	shalt  }
0x86: {  	_ =	shalt  }
0x87: {  	_ =	shalt  }
.Lfunc_end0:
.L_simem_size_0:
called_computation_lowered:
.L_overlay_start_0:
0x88: {  	s2 =	sld [smem:$0x3FD9]  }
0x89: {  	s3 =	sld [smem:$0x3FFE];
	_ =	sdelay $0x1  }
0x8a: {  	s1 =	srdreg.scid  }
0x8b: {  	s0 =	sand.u32 $0x1, s1  }
0x8c: {  	s18 =	sshll.u32 s0, $0xA;
	s2 =	sadd.s32 s3, s2  }
0x8d: {  	s2 =	sadd.s32 s2, s18  }
0x8e: {  	[smem:$0x3FC6] =	sst s2  }
0x8f: {  	_ = 	snop  }
0x90: {  	s2 =	sld [smem:$0x3FC9]  }
0x91: {  	s19 =	sld [smem:$0x3FC8]  }
0x92: {  	s4 =	sld [smem:$0x3FD0];
	(tm) =	ssettm $0x1  }
0x93: {  	s5 =	sld [smem:$0x3FFB];
	_ =	sdelay $0x3  }
0x94: {  	_ =	strace s5  }
0x95: {  	s5 =	sld [smem:$0x3FFC];
	_ =	sdelay $0x3  }
0x96: {  	_ =	strace s5  }
0x97: {  	s5 =	sld [smem:$0x3FFD];
	_ =	sdelay $0x3  }
0x98: {  	_ =	strace s5  }
0x99: {  	_ =	strace $0x8FFFFFFF  }
0x9a: {  	s20 =	sld [smem:$0x3FDB];
	_ =	sdelay $0x1  }
0x9b: {  	s6 =	simm.s32 $_scs_section_size  }
0x9c: {  	s7 =	simm.s32 $_size__tile_overlayer_lowered;
	s8 =	simm.s32 $_tile_overlayer_lowered  }
0x9d: {  	s23 =	simm.s32 $0x1BFF;
	s22 =	sshll.u32 s8, $0x1;
	s5 =	sadd.s32 s6, s20  }
0x9e: {  	s9 =	simm.s32 $0x0;
	s21 =	sshll.u32 s7, $0x1;
	s7 =	sadd.s32 s22, s5  }
0x9f: {  	[timem:s9], [sflag:s23] =	dma.local [hbm:s7], s21  }
0xa0: {  	_ =	swait.ge [sflag:s23], s21  }
0xa1: {  	s6 =	ssub.s32 $0x0, s21;
	[sflag:s23] =	ssyncset.done $0x0  }
0xa2: {  	[sflag:s23] =	ssyncadd.s32 s6;
	_ =	sdelay $0x1  }
0xa3: {  	s24 =	simm.s32 $0x1B8B  }
0xa4: {  	_ =	swait.ge [sflag:s24], $0x1  }
0xa5: {  	[sflag:s24] =	ssyncset.done $0x0  }
0xa6: {  	s25 =	simm.s32 $0x1B8E;
	[sflag:s24] =	ssyncadd.s32 $0xFFFFFFFF  }
0xa7: {  	s26 =	simm.s32 $execute0_lowered;
	[smem:$0x3FD2] =	sst s25  }
0xa8: {  	s6 =	sshll.u32 s26, $0x1;
	_ =	strace $0x80000046;
	[dreg:$0x1] =	wrdreg $0xFFFFFFFF  }
0xa9: {  	s28 =	simm.s32 $_size_execute0_lowered;
	s5 =	sadd.s32 s5, s6;
	[dreg:$0x0] =	wrdreg $0x0  }
0xaa: {  	s6 =	sshll.u32 s28, $0x1;
	[dreg:$0x2] =	wrdreg s5  }
0xab: {  	[dreg:$0x3] =	wrdreg s6  }
0xac: {  	[dreg:$0x4] =	wrdreg $0xC0  }
0xad: {  	_ =	task [dreg:s9], $0x5FFFF  }
0xae: {  	[dreg:$0x1] =	wrdreg $0xFFFFFFFF  }
0xaf: {  	[dreg:$0x0] =	wrdreg $0x60  }
0xb0: {  	[dreg:$0x2] =	wrdreg s2  }
0xb1: {  	[dreg:$0x3] =	wrdreg s19  }
0xb2: {  	[dreg:$0x4] =	wrdreg s4  }
0xb3: {  	[dreg:$0x5] =	wrdreg $0x9  }
0xb4: {  	_ =	task.clear_ibuf [dreg:s9], $0x6FFFF;
	_ =	strace $0x90000046  }
0xb5: {  	s29 =	simm.s32 $0x9;
	_ =	strace $0x80000048  }
0xb6: {  	_ =	swait.ge [sflag:s29], $0x1  }
0xb7: {  	[sflag:s29] =	ssyncadd.s32 $0xFFFFFFFF  }
0xb8: {  	_ =	strace $0x90000048  }
0xb9: {  	_ =	sfence  }
0xba: {  	s30 =	sld [smem:$0x0];
	_ =	sdelay $0x2  }
0xbb: {  	s31 =	sshll.u32 s1, $0xD;
	s1 =	sshrl.u32 s1, $0x2  }
0xbc: {  	s3 =	sand.u32 $0x4000, s31;
	s1 =	sadd.s32 s1, s30  }
0xbd: {  	s0 =	sor.u32 s3, s0;
	s1 =	sshll.u32 s1, $0x11  }
0xbe: {  	s0 =	sor.u32 s1, s0  }
0xbf: {  	s0 =	sadd.s32 $0x8F2B, s0  }
0xc0: {  	[sflag:s0] =	ssyncadd.remote.s32 $0x1  }
0xc1: {  	_ =	sfence.sel $0xFFFF  }
0xc2: {  	[dreg:$0x0] =	wrdreg $0xFFFFFFFF;
	(pc) =	sbr.abs _section_cstart, $3  }
0xc3: {  	[dreg:$0x1] =	wrdreg $0xFFFFFFFF  }
0xc4: {  	_ =	task.clear_ibuf [dreg:s9], $0x2FFFF;
	_ =	strace $0x9FFFFFFF  }
0xc5: {  	(tm) =	ssettm $0x7FFFFFFF  }
tec
execute0_lowered:
.L_overlay_start_1:
0x0: {  	(tag) =	ssettag $0x1  }
0x1: {  	s0 =	rddreg [dreg:$0x0];
	s1 =	srdreg.scid  }
0x2: {  	s2 =	stileid.u32;
	s6 =	rddreg [dreg:$0x2];
	s3 =	simm.s32 $0x0  }
0x3: {  	s15 =	simm.s32 $0xD698;
	s13 =	simm.s32 $0xE0C8;
	s8 =	simm.s32 $0xEAF8  }
0x4: {  	s9 =	simm.s32 $0xF010;
	s11 =	simm.s32 $0xF528;
	s10 =	simm.s32 $0xFA40  }
0x5: {  	s14 =	simm.s32 $0x10470;
	s1 =	sand.u32 $0x1, s1;
	s2 =	sshll.u32 s2, $0x1  }
0x6: {  	s16 =	simm.s32 $0x113B8;
	s17 =	simm.s32 $0x118D0;
	s2 =	sor.u32 s1, s2  }
0x7: {  	s12 =	simm.s32 $0x11DE8;
	s1 =	ssub.s32 $0x2, s1;
	s7 =	smul.u32 $0x68, s2  }
0x8: {  	[smem:$0x7FF] =	sst s3;
	s4 =	sshrl.u32 s1, $0x1;
	s2 =	smul.u32 $0x3400, s2  }
0x9: {  	_ =	strace $0x80000047;
	s1 =	ssub.s32 s1, s4;
	s22 =	sshll.u32 s7, $0x7  }
0xa: {  	s5 =	sadd.s32 $0x60, s7;
	s24 =	sshrl.u32 s7, $0x7;
	s18 =	sand.u32 $0x3C00, s2  }
0xb: {  	s26 =	sshll.u32 s7, $0x9;
	[dreg:$0x4] =	wrdreg s7;
	s30 =	sor.u32 $0x2, s7  }
0xc: {  	s31 =	smax.u32 s1, $0x1;
	s1 =	simm.s32 $0xC750;
	s2 =	simm.s32 $0xD180  }
0xd: {  	s3 =	sor.u32 s7, s22;
	s23 =	sshll.u32 s5, $0x7;
	[dreg:$0x5] =	wrdreg s24  }
0xe: {  	s28 =	sand.u32 $0x1F0000, s26;
	s29 =	sadd.s32 s6, s18;
	[dreg:$0x9] =	wrdreg s30  }
0xf: {  	s19 =	smul.u32 $0x32, s24;
	[dreg:$0xa] =	wrdreg s31;
	s3 =	sand.u32 $0x60380, s3  }
0x10: {  	s7 =	simm.s32 $0xE5E0;
	s4 =	sor.u32 s5, s23;
	s3 =	sshrl.u32 s3, $0x3  }
.Ltmp0:
0x11: {  	v1 =	vmov s18;
	s25 =	sand.u32 $0x7FFE0380, s4;
	s3 =	sadd.s32 s0, s3;
	(pc) =	sbr.rel .LBB2_1-.Ltmp0, $4  }
0x12: {  	s6 =	simm.s32 $0x10EA0;
	[dreg:$0x6] =	wrdreg s3;
	s3 =	sshrl.u32 s25, $0x3  }
0x13: {  	s5 =	simm.s32 $0x10988;
	s4 =	simm.s32 $0xDBB0;
	s0 =	sadd.s32 s0, s3  }
0x14: {  	v0 =	vmov s19;
	s19 =	simm.s32 $0x0;
	[dreg:$0x7] =	wrdreg s0;
	s0 =	sadd.s32 s28, s29  }
0x15: {  	s3 =	simm.s32 $0xFF58;
	[dreg:$0x8] =	wrdreg s0;
	s0 =	simm.s32 $0xCC68  }
.LBB2_11:
0x16: {  	s19 =	rddreg [dreg:$0xb]  }
0x17: {  	s18 =	rddreg [dreg:$0xa]  }
0x18: {  	s1 =	simm.s32 $0xC750;
	s0 =	simm.s32 $0xCC68;
	s19 =	sadd.s32 $0x1, s19  }
0x19: {  	s2 =	simm.s32 $0xD180;
	s15 =	simm.s32 $0xD698;
	p0 =	sne.s32 s19, s18  }
.Ltmp1:
0x1a: {  	s4 =	simm.s32 $0xDBB0;
	s13 =	simm.s32 $0xE0C8;
	(pc) =	sbr.rel @!p0 .LBB2_12-.Ltmp1, $4  }
0x1b: {  	s7 =	simm.s32 $0xE5E0;
	s8 =	simm.s32 $0xEAF8;
	s9 =	simm.s32 $0xF010  }
0x1c: {  	s11 =	simm.s32 $0xF528;
	s10 =	simm.s32 $0xFA40;
	s3 =	simm.s32 $0xFF58  }
0x1d: {  	s14 =	simm.s32 $0x10470;
	s5 =	simm.s32 $0x10988;
	s6 =	simm.s32 $0x10EA0  }
0x1e: {  	s16 =	simm.s32 $0x113B8;
	s17 =	simm.s32 $0x118D0;
	s12 =	simm.s32 $0x11DE8  }
.LBB2_1:
0x1f: {  	[dreg:$0xb] =	wrdreg s19  }
0x20: {  	s18 =	rddreg [dreg:$0x1];
	s22 =	simm.s32 $0x0;
	s25 =	simm.s32 $0x8000  }
0x21: {  	[tilespmem:s25], [sflag:$0x1] =	stream.linear.gather [hbm4b:s18+s22], $0xA300, $0x38;
	[tilespmem:$0x14300] =	vst v63  }
0x22: {  	s26 =	rddreg [dreg:$0x6];
	s20 =	simm.s32 $0x80;
	s21 =	simm.s32 $0x400  }
0x23: {  	[tilespmem:s22], [sflag:$0x2] =	stream.strided.gather [hbm4b:s26+s20], $0x4000, s21, s20, $0x38;
	[tilespmem:$0x14300] =	vst v63  }
0x24: {  	s28 =	rddreg [dreg:$0x7];
	s29 =	simm.s32 $0x4000;
	s30 =	simm.s32 $0x1  }
0x25: {  	[tilespmem:s29], [sflag:$0x2] =	stream.strided.gather [hbm4b:s28+s20], $0x4000, s21, s20, $0x38;
	[tilespmem:$0x14300] =	vst v63  }
0x26: {  	_ =	swait.ge [sflag:s30], $0xA300  }
0x27: {  	[sflag:s30] =	ssyncset.done $0x0  }
0x28: {  	s31 =	simm.s32 $0x2;
	[sflag:s30] =	ssyncadd.s32 $0xFFFF5D00  }
0x29: {  	_ =	swait.ge [sflag:s31], $0x4000  }
0x2a: {  	[sflag:s31] =	ssyncset.done $0x0  }
0x2b: {  	[sflag:s31] =	ssyncadd.s32 $0xFFFFC000  }
0x2c: {  	_ =	swait.ge [sflag:s31], $0x4000  }
0x2d: {  	[sflag:s31] =	ssyncset.done $0x0  }
0x2e: {  	p0 =	por $0x1, $0x1;
	s18 =	simm.s32 $0x0;
	[sflag:s31] =	ssyncadd.s32 $0xFFFFC000  }
.LBB2_2:
0x2f: {  	v2 =	vld.idx.msk [tilespmem:v1+s18+$0x0 ss:$0x1], $0xffff;
	_ =	sdelay $0x4  }
0x30: {  	v2 =	vadd.s32 v0, v2;
	_ =	sdelay $0x3  }
0x31: {  	s19 =	simm.s32 $0x8000  }
0x32: {  	s20 =	simm.s32 $0x8518;
	v3 =	vld.idx.msk [tilespmem:v2+s19+$0x0], $0xffff  }
0x33: {  	s21 =	simm.s32 $0x8A30;
	v4 =	vld.idx.msk [tilespmem:v2+s20+$0x0], $0xffff  }
0x34: {  	s22 =	simm.s32 $0x8F48;
	v5 =	vld.idx.msk [tilespmem:v2+s21+$0x0], $0xffff  }
0x35: {  	s23 =	simm.s32 $0x9460;
	v6 =	vld.idx.msk [tilespmem:v2+s22+$0x0], $0xffff  }
0x36: {  	s24 =	simm.s32 $0x9978;
	v7 =	vld.idx.msk [tilespmem:v2+s23+$0x0], $0xffff  }
0x37: {  	s25 =	simm.s32 $0x9E90;
	v8 =	vld.idx.msk [tilespmem:v2+s24+$0x0], $0xffff  }
0x38: {  	s26 =	simm.s32 $0xA3A8;
	v9 =	vld.idx.msk [tilespmem:v2+s25+$0x0], $0xffff  }
0x39: {  	v10 =	vld.idx.msk [tilespmem:v2+s26+$0x0], $0xffff;
	[tilespmem:s18+$0x12300] =	vst v3  }
0x3a: {  	[tilespmem:s18+$0x12380] =	vst v4  }
0x3b: {  	[tilespmem:s18+$0x12400] =	vst v5  }
0x3c: {  	[tilespmem:s18+$0x12480] =	vst v6  }
0x3d: {  	[tilespmem:s18+$0x12500] =	vst v7  }
0x3e: {  	[tilespmem:s18+$0x12580] =	vst v8  }
0x3f: {  	[tilespmem:s18+$0x12600] =	vst v9  }
0x40: {  	s28 =	simm.s32 $0xA8C0;
	[tilespmem:s18+$0x12680] =	vst v10  }
0x41: {  	s29 =	simm.s32 $0xADD8;
	v4 =	vld.idx.msk [tilespmem:v2+s28+$0x0], $0xffff  }
0x42: {  	s30 =	simm.s32 $0xB2F0;
	v5 =	vld.idx.msk [tilespmem:v2+s29+$0x0], $0xffff  }
0x43: {  	s31 =	simm.s32 $0xBD20;
	v6 =	vld.idx.msk [tilespmem:v2+s30+$0x0], $0xffff  }
0x44: {  	v8 =	vld.idx.msk [tilespmem:v2+s31+$0x0], $0xffff  }
0x45: {  	v10 =	vld.idx.msk [tilespmem:v2+s1+$0x0], $0xffff  }
0x46: {  	s30 =	simm.s32 $0xB808;
	v11 =	vld.idx.msk [tilespmem:v2+s0+$0x0], $0xffff  }
0x47: {  	s31 =	simm.s32 $0xC238;
	v7 =	vld.idx.msk [tilespmem:v2+s30+$0x0], $0xffff  }
0x48: {  	v9 =	vld.idx.msk [tilespmem:v2+s31+$0x0], $0xffff;
	[tilespmem:s18+$0x12700] =	vst v4  }
0x49: {  	[tilespmem:s18+$0x12780] =	vst v5  }
0x4a: {  	[tilespmem:s18+$0x12800] =	vst v6  }
0x4b: {  	[tilespmem:s18+$0x12900] =	vst v8  }
0x4c: {  	[tilespmem:s18+$0x12A00] =	vst v10  }
0x4d: {  	[tilespmem:s18+$0x12A80] =	vst v11  }
0x4e: {  	v3 =	vld.idx.msk [tilespmem:v1+s18+$0x10 ss:$0x1], $0xffff;
	[tilespmem:s18+$0x12880] =	vst v7  }
0x4f: {  	[tilespmem:s18+$0x12980] =	vst v9  }
0x50: {  	v12 =	vld.idx.msk [tilespmem:v2+s2+$0x0], $0xffff  }
0x51: {  	v37 =	vld.idx.msk [tilespmem:v2+s15+$0x0], $0xffff  }
0x52: {  	v38 =	vld.idx.msk [tilespmem:v2+s4+$0x0], $0xffff  }
0x53: {  	v3 =	vadd.s32 v0, v3;
	v39 =	vld.idx.msk [tilespmem:v2+s13+$0x0], $0xffff  }
0x54: {  	v40 =	vld.idx.msk [tilespmem:v2+s7+$0x0], $0xffff  }
0x55: {  	v41 =	vld.idx.msk [tilespmem:v2+s8+$0x0], $0xffff  }
0x56: {  	v42 =	vld.idx.msk [tilespmem:v2+s9+$0x0], $0xffff  }
0x57: {  	v43 =	vld.idx.msk [tilespmem:v2+s11+$0x0], $0xffff;
	[tilespmem:s18+$0x12B00] =	vst v12  }
0x58: {  	v29 =	vld.idx.msk [tilespmem:v3+s19+$0x0], $0xffff;
	[tilespmem:s18+$0x12B80] =	vst v37  }
0x59: {  	v30 =	vld.idx.msk [tilespmem:v3+s20+$0x0], $0xffff;
	[tilespmem:s18+$0x12C00] =	vst v38  }
0x5a: {  	v31 =	vld.idx.msk [tilespmem:v3+s21+$0x0], $0xffff;
	[tilespmem:s18+$0x12C80] =	vst v39  }
0x5b: {  	v32 =	vld.idx.msk [tilespmem:v3+s22+$0x0], $0xffff;
	[tilespmem:s18+$0x12D00] =	vst v40  }
0x5c: {  	v33 =	vld.idx.msk [tilespmem:v3+s23+$0x0], $0xffff;
	[tilespmem:s18+$0x12D80] =	vst v41  }
0x5d: {  	v34 =	vld.idx.msk [tilespmem:v3+s24+$0x0], $0xffff;
	[tilespmem:s18+$0x12E00] =	vst v42  }
0x5e: {  	v35 =	vld.idx.msk [tilespmem:v3+s25+$0x0], $0xffff;
	[tilespmem:s18+$0x12E80] =	vst v43  }
0x5f: {  	v36 =	vld.idx.msk [tilespmem:v3+s26+$0x0], $0xffff;
	[tilespmem:s18+$0x12310] =	vst v29  }
0x60: {  	[tilespmem:s18+$0x12390] =	vst v30  }
0x61: {  	[tilespmem:s18+$0x12410] =	vst v31  }
0x62: {  	[tilespmem:s18+$0x12490] =	vst v32  }
0x63: {  	[tilespmem:s18+$0x12510] =	vst v33  }
0x64: {  	[tilespmem:s18+$0x12590] =	vst v34  }
0x65: {  	[tilespmem:s18+$0x12610] =	vst v35  }
0x66: {  	v51 =	vld.idx.msk [tilespmem:v2+s10+$0x0], $0xffff;
	[tilespmem:s18+$0x12690] =	vst v36  }
0x67: {  	v11 =	vld.idx.msk [tilespmem:v3+s28+$0x0], $0xffff  }
0x68: {  	v44 =	vld.idx.msk [tilespmem:v3+s29+$0x0], $0xffff  }
0x69: {  	v46 =	vld.idx.msk [tilespmem:v3+s30+$0x0], $0xffff  }
0x6a: {  	v48 =	vld.idx.msk [tilespmem:v3+s31+$0x0], $0xffff  }
0x6b: {  	v49 =	vld.idx.msk [tilespmem:v3+s1+$0x0], $0xffff  }
0x6c: {  	s29 =	simm.s32 $0xB2F0;
	v50 =	vld.idx.msk [tilespmem:v3+s0+$0x0], $0xffff  }
0x6d: {  	v45 =	vld.idx.msk [tilespmem:v3+s29+$0x0], $0xffff;
	s29 =	simm.s32 $0xBD20  }
0x6e: {  	v47 =	vld.idx.msk [tilespmem:v3+s29+$0x0], $0xffff;
	[tilespmem:s18+$0x12710] =	vst v11  }
0x6f: {  	v53 =	vld.idx.msk [tilespmem:v2+s3+$0x0], $0xffff;
	[tilespmem:s18+$0x12790] =	vst v44  }
0x70: {  	v54 =	vld.idx.msk [tilespmem:v2+s14+$0x0], $0xffff;
	[tilespmem:s18+$0x12890] =	vst v46  }
0x71: {  	v55 =	vld.idx.msk [tilespmem:v2+s5+$0x0], $0xffff;
	[tilespmem:s18+$0x12990] =	vst v48  }
0x72: {  	v56 =	vld.idx.msk [tilespmem:v2+s6+$0x0], $0xffff;
	[tilespmem:s18+$0x12A10] =	vst v49  }
0x73: {  	v57 =	vld.idx.msk [tilespmem:v2+s16+$0x0], $0xffff;
	[tilespmem:s18+$0x12A90] =	vst v50  }
0x74: {  	v58 =	vld.idx.msk [tilespmem:v2+s17+$0x0], $0xffff;
	[tilespmem:s18+$0x12810] =	vst v45  }
0x75: {  	v2 =	vld.idx.msk [tilespmem:v2+s12+$0x0], $0xffff;
	[tilespmem:s18+$0x12910] =	vst v47  }
0x76: {  	v5 =	vld.idx.msk [tilespmem:v3+s2+$0x0], $0xffff  }
0x77: {  	v6 =	vld.idx.msk [tilespmem:v3+s15+$0x0], $0xffff  }
0x78: {  	v7 =	vld.idx.msk [tilespmem:v3+s4+$0x0], $0xffff  }
0x79: {  	v8 =	vld.idx.msk [tilespmem:v3+s13+$0x0], $0xffff  }
0x7a: {  	v9 =	vld.idx.msk [tilespmem:v3+s7+$0x0], $0xffff  }
0x7b: {  	v10 =	vld.idx.msk [tilespmem:v3+s8+$0x0], $0xffff  }
0x7c: {  	[tilespmem:s18+$0x12F00] =	vst v51;
	v11 =	vld.idx.msk [tilespmem:v3+s9+$0x0], $0xffff  }
0x7d: {  	v52 =	vld.idx.msk [tilespmem:v3+s11+$0x0], $0xffff;
	[tilespmem:s18+$0x12B10] =	vst v5  }
0x7e: {  	[tilespmem:s18+$0x12B90] =	vst v6  }
0x7f: {  	[tilespmem:s18+$0x12C10] =	vst v7  }
0x80: {  	[tilespmem:s18+$0x12C90] =	vst v8  }
0x81: {  	[tilespmem:s18+$0x12D10] =	vst v9  }
0x82: {  	[tilespmem:s18+$0x12D90] =	vst v10  }
0x83: {  	v59 =	vld.idx.msk [tilespmem:v1+s18+$0x20 ss:$0x1], $0xffff;
	[tilespmem:s18+$0x12E10] =	vst v11  }
0x84: {  	v15 =	vld.idx.msk [tilespmem:v1+s18+$0x30 ss:$0x1], $0xffff;
	[tilespmem:s18+$0x12E90] =	vst v52  }
0x85: {  	[tilespmem:s18+$0x12F80] =	vst v53;
	v12 =	vld.idx.msk [tilespmem:v3+s10+$0x0], $0xffff  }
0x86: {  	[tilespmem:s18+$0x13000] =	vst v54;
	v60 =	vld.idx.msk [tilespmem:v3+s3+$0x0], $0xffff  }
0x87: {  	[tilespmem:s18+$0x13080] =	vst v55;
	v61 =	vld.idx.msk [tilespmem:v3+s14+$0x0], $0xffff  }
0x88: {  	[tilespmem:s18+$0x13100] =	vst v56;
	v11 =	vadd.s32 v0, v59;
	v62 =	vld.idx.msk [tilespmem:v3+s5+$0x0], $0xffff  }
0x89: {  	[tilespmem:s18+$0x13180] =	vst v57;
	v63 =	vld.idx.msk [tilespmem:v3+s6+$0x0], $0xffff  }
0x8a: {  	[tilespmem:s18+$0x13200] =	vst v58;
	v13 =	vld.idx.msk [tilespmem:v3+s16+$0x0], $0xffff  }
0x8b: {  	[tilespmem:s18+$0x13280] =	vst v2;
	v14 =	vld.idx.msk [tilespmem:v3+s17+$0x0], $0xffff  }
0x8c: {  	v2 =	vld.idx.msk [tilespmem:v3+s12+$0x0], $0xffff;
	[tilespmem:s18+$0x12F10] =	vst v12  }
0x8d: {  	v3 =	vld.idx.msk [tilespmem:v11+s19+$0x0], $0xffff;
	[tilespmem:s18+$0x12F90] =	vst v60  }
0x8e: {  	v16 =	vld.idx.msk [tilespmem:v11+s20+$0x0], $0xffff;
	[tilespmem:s18+$0x13010] =	vst v61  }
0x8f: {  	v17 =	vld.idx.msk [tilespmem:v11+s21+$0x0], $0xffff;
	[tilespmem:s18+$0x13090] =	vst v62  }
0x90: {  	v10 =	vadd.s32 v0, v15;
	v18 =	vld.idx.msk [tilespmem:v11+s22+$0x0], $0xffff;
	[tilespmem:s18+$0x13110] =	vst v63  }
0x91: {  	v19 =	vld.idx.msk [tilespmem:v11+s23+$0x0], $0xffff;
	[tilespmem:s18+$0x13190] =	vst v13  }
0x92: {  	v20 =	vld.idx.msk [tilespmem:v11+s24+$0x0], $0xffff;
	[tilespmem:s18+$0x13210] =	vst v14  }
0x93: {  	v21 =	vld.idx.msk [tilespmem:v11+s25+$0x0], $0xffff;
	[tilespmem:s18+$0x13290] =	vst v2  }
0x94: {  	v2 =	vld.idx.msk [tilespmem:v11+s26+$0x0], $0xffff;
	[tilespmem:s18+$0x12320] =	vst v3  }
0x95: {  	s29 =	simm.s32 $0x9460;
	v22 =	vld.idx.msk [tilespmem:v10+s20+$0x0], $0xffff;
	[tilespmem:s18+$0x123A0] =	vst v16  }
0x96: {  	s28 =	simm.s32 $0x9978;
	v25 =	vld.idx.msk [tilespmem:v10+s29+$0x0], $0xffff;
	[tilespmem:s18+$0x12420] =	vst v17  }
0x97: {  	s25 =	simm.s32 $0x8F48;
	v26 =	vld.idx.msk [tilespmem:v10+s28+$0x0], $0xffff;
	[tilespmem:s18+$0x124A0] =	vst v18  }
0x98: {  	s22 =	simm.s32 $0x9E90;
	v24 =	vld.idx.msk [tilespmem:v10+s25+$0x0], $0xffff;
	[tilespmem:s18+$0x12520] =	vst v19  }
0x99: {  	s26 =	simm.s32 $0x8A30;
	v27 =	vld.idx.msk [tilespmem:v10+s22+$0x0], $0xffff;
	[tilespmem:s18+$0x125A0] =	vst v20  }
0x9a: {  	v23 =	vld.idx.msk [tilespmem:v10+s26+$0x0], $0xffff;
	[tilespmem:s18+$0x12620] =	vst v21  }
0x9b: {  	s21 =	simm.s32 $0xA3A8;
	v3 =	vld.idx.msk [tilespmem:v10+s19+$0x0], $0xffff;
	[tilespmem:s18+$0x126A0] =	vst v2  }
0x9c: {  	s23 =	simm.s32 $0xADD8;
	v2 =	vld.idx.msk [tilespmem:v10+s21+$0x0], $0xffff;
	[tilespmem:s18+$0x123B0] =	vst v22  }
0x9d: {  	s25 =	simm.s32 $0xB2F0;
	[tilespmem:s18+$0x124B0] =	vst v24;
	v28 =	vld.idx.msk [tilespmem:v11+s23+$0x0], $0xffff  }
0x9e: {  	[tilespmem:s18+$0x12530] =	vst v25;
	v29 =	vld.idx.msk [tilespmem:v11+s25+$0x0], $0xffff  }
0x9f: {  	s26 =	simm.s32 $0xBD20;
	[tilespmem:s18+$0x125B0] =	vst v26;
	v30 =	vld.idx.msk [tilespmem:v11+s30+$0x0], $0xffff  }
0xa0: {  	[tilespmem:s18+$0x12630] =	vst v27;
	v31 =	vld.idx.msk [tilespmem:v11+s26+$0x0], $0xffff  }
0xa1: {  	[tilespmem:s18+$0x12430] =	vst v23;
	v32 =	vld.idx.msk [tilespmem:v11+s31+$0x0], $0xffff  }
0xa2: {  	s24 =	simm.s32 $0xA8C0;
	v33 =	vld.idx.msk [tilespmem:v11+s1+$0x0], $0xffff;
	[tilespmem:s18+$0x12330] =	vst v3  }
0xa3: {  	v3 =	vld.idx.msk [tilespmem:v11+s24+$0x0], $0xffff;
	[tilespmem:s18+$0x126B0] =	vst v2  }
0xa4: {  	v2 =	vld.idx.msk [tilespmem:v11+s0+$0x0], $0xffff;
	[tilespmem:s18+$0x127A0] =	vst v28  }
0xa5: {  	s29 =	simm.s32 $0xB2F0;
	v34 =	vld.idx.msk [tilespmem:v10+s23+$0x0], $0xffff;
	[tilespmem:s18+$0x12820] =	vst v29  }
0xa6: {  	v35 =	vld.idx.msk [tilespmem:v10+s29+$0x0], $0xffff;
	[tilespmem:s18+$0x128A0] =	vst v30  }
0xa7: {  	s28 =	simm.s32 $0xBD20;
	v36 =	vld.idx.msk [tilespmem:v10+s30+$0x0], $0xffff;
	[tilespmem:s18+$0x12920] =	vst v31  }
0xa8: {  	v37 =	vld.idx.msk [tilespmem:v10+s28+$0x0], $0xffff;
	[tilespmem:s18+$0x129A0] =	vst v32  }
0xa9: {  	v38 =	vld.idx.msk [tilespmem:v10+s31+$0x0], $0xffff;
	[tilespmem:s18+$0x12A20] =	vst v33  }
0xaa: {  	v39 =	vld.idx.msk [tilespmem:v10+s1+$0x0], $0xffff;
	[tilespmem:s18+$0x12720] =	vst v3  }
0xab: {  	v3 =	vld.idx.msk [tilespmem:v10+s24+$0x0], $0xffff;
	[tilespmem:s18+$0x12AA0] =	vst v2  }
0xac: {  	v2 =	vld.idx.msk [tilespmem:v10+s0+$0x0], $0xffff;
	[tilespmem:s18+$0x127B0] =	vst v34  }
0xad: {  	v40 =	vld.idx.msk [tilespmem:v11+s15+$0x0], $0xffff;
	[tilespmem:s18+$0x12830] =	vst v35  }
0xae: {  	v41 =	vld.idx.msk [tilespmem:v11+s4+$0x0], $0xffff;
	[tilespmem:s18+$0x128B0] =	vst v36  }
0xaf: {  	v42 =	vld.idx.msk [tilespmem:v11+s13+$0x0], $0xffff;
	[tilespmem:s18+$0x12930] =	vst v37  }
0xb0: {  	v43 =	vld.idx.msk [tilespmem:v11+s7+$0x0], $0xffff;
	[tilespmem:s18+$0x129B0] =	vst v38  }
0xb1: {  	v44 =	vld.idx.msk [tilespmem:v11+s8+$0x0], $0xffff;
	[tilespmem:s18+$0x12A30] =	vst v39  }
0xb2: {  	v45 =	vld.idx.msk [tilespmem:v11+s9+$0x0], $0xffff;
	[tilespmem:s18+$0x12730] =	vst v3  }
0xb3: {  	v3 =	vld.idx.msk [tilespmem:v11+s2+$0x0], $0xffff;
	[tilespmem:s18+$0x12AB0] =	vst v2  }
0xb4: {  	v2 =	vld.idx.msk [tilespmem:v11+s11+$0x0], $0xffff;
	[tilespmem:s18+$0x12BA0] =	vst v40  }
0xb5: {  	v46 =	vld.idx.msk [tilespmem:v10+s15+$0x0], $0xffff;
	[tilespmem:s18+$0x12C20] =	vst v41  }
0xb6: {  	v47 =	vld.idx.msk [tilespmem:v10+s4+$0x0], $0xffff;
	[tilespmem:s18+$0x12CA0] =	vst v42  }
0xb7: {  	v48 =	vld.idx.msk [tilespmem:v10+s13+$0x0], $0xffff;
	[tilespmem:s18+$0x12D20] =	vst v43  }
0xb8: {  	v49 =	vld.idx.msk [tilespmem:v10+s7+$0x0], $0xffff;
	[tilespmem:s18+$0x12DA0] =	vst v44  }
0xb9: {  	v50 =	vld.idx.msk [tilespmem:v10+s8+$0x0], $0xffff;
	[tilespmem:s18+$0x12E20] =	vst v45  }
0xba: {  	v51 =	vld.idx.msk [tilespmem:v10+s9+$0x0], $0xffff;
	[tilespmem:s18+$0x12B20] =	vst v3  }
0xbb: {  	v3 =	vld.idx.msk [tilespmem:v10+s2+$0x0], $0xffff;
	[tilespmem:s18+$0x12EA0] =	vst v2  }
0xbc: {  	v2 =	vld.idx.msk [tilespmem:v10+s11+$0x0], $0xffff;
	[tilespmem:s18+$0x12BB0] =	vst v46  }
0xbd: {  	v52 =	vld.idx.msk [tilespmem:v11+s3+$0x0], $0xffff;
	[tilespmem:s18+$0x12C30] =	vst v47  }
0xbe: {  	v53 =	vld.idx.msk [tilespmem:v11+s14+$0x0], $0xffff;
	[tilespmem:s18+$0x12CB0] =	vst v48  }
0xbf: {  	v54 =	vld.idx.msk [tilespmem:v11+s5+$0x0], $0xffff;
	[tilespmem:s18+$0x12D30] =	vst v49  }
0xc0: {  	v55 =	vld.idx.msk [tilespmem:v11+s6+$0x0], $0xffff;
	[tilespmem:s18+$0x12DB0] =	vst v50  }
0xc1: {  	v56 =	vld.idx.msk [tilespmem:v11+s16+$0x0], $0xffff;
	[tilespmem:s18+$0x12E30] =	vst v51  }
0xc2: {  	v57 =	vld.idx.msk [tilespmem:v11+s17+$0x0], $0xffff;
	[tilespmem:s18+$0x12B30] =	vst v3  }
0xc3: {  	v3 =	vld.idx.msk [tilespmem:v11+s10+$0x0], $0xffff;
	[tilespmem:s18+$0x12EB0] =	vst v2  }
0xc4: {  	v2 =	vld.idx.msk [tilespmem:v11+s12+$0x0], $0xffff;
	[tilespmem:s18+$0x12FA0] =	vst v52  }
0xc5: {  	v58 =	vld.idx.msk [tilespmem:v10+s3+$0x0], $0xffff;
	[tilespmem:s18+$0x13020] =	vst v53  }
0xc6: {  	v59 =	vld.idx.msk [tilespmem:v10+s14+$0x0], $0xffff;
	[tilespmem:s18+$0x130A0] =	vst v54  }
0xc7: {  	v60 =	vld.idx.msk [tilespmem:v10+s5+$0x0], $0xffff;
	[tilespmem:s18+$0x13120] =	vst v55  }
0xc8: {  	v61 =	vld.idx.msk [tilespmem:v10+s6+$0x0], $0xffff;
	[tilespmem:s18+$0x131A0] =	vst v56  }
0xc9: {  	v62 =	vld.idx.msk [tilespmem:v10+s16+$0x0], $0xffff;
	[tilespmem:s18+$0x13220] =	vst v57  }
0xca: {  	v63 =	vld.idx.msk [tilespmem:v10+s17+$0x0], $0xffff;
	[tilespmem:s18+$0x12F20] =	vst v3  }
0xcb: {  	v3 =	vld.idx.msk [tilespmem:v10+s10+$0x0], $0xffff;
	[tilespmem:s18+$0x132A0] =	vst v2  }
0xcc: {  	v2 =	vld.idx.msk [tilespmem:v10+s12+$0x0], $0xffff;
	[tilespmem:s18+$0x12FB0] =	vst v58  }
0xcd: {  	[tilespmem:s18+$0x13030] =	vst v59  }
0xce: {  	p1 =	por p0, p0;
	[tilespmem:s18+$0x130B0] =	vst v60  }
.Ltmp2:
0xcf: {  	[tilespmem:s18+$0x13130] =	vst v61;
	(pc) =	sbr.rel @p1 .LBB2_2-.Ltmp2, $4  }
0xd0: {  	[tilespmem:s18+$0x131B0] =	vst v62  }
0xd1: {  	[tilespmem:s18+$0x13230] =	vst v63  }
0xd2: {  	[tilespmem:s18+$0x12F30] =	vst v3  }
0xd3: {  	p0 =	por $0x0, $0x0;
	[tilespmem:s18+$0x132B0] =	vst v2;
	s18 =	simm.s32 $0x40  }
.Ltmp3:
0xd4: {  	(pc) =	sbr.rel .LBB2_4-.Ltmp3, $4  }
0xd5: {  	s18 =	rddreg [dreg:$0x8]  }
0xd6: {  	s19 =	simm.s32 $0x400;
	s0 =	simm.s32 $0x20000;
	s1 =	simm.s32 $0x12300  }
0xd7: {  	[hbm4b:s18+s19] =	stream.strided.scatter [tilespmem:s1], [sflag:$0x1], $0x1000, s0, s19, $0x38;
	[tilespmem:$0x14300] =	vst v63  }
0xd8: {  	s0 =	simm.s32 $0x0  }
.LBB2_10:
0xd9: {  	s0 =	sadd.s32 $0x1, s0  }
0xda: {  	p0 =	sne.s32 s0, $0x34  }
.Ltmp4:
0xdb: {  	_ = 	snop;
	(pc) =	sbr.rel @!p0 .LBB2_11-.Ltmp4, $4  }
0xdc: {  	s18 =	simm.s32 $0x2  }
0xdd: {  	_ =	swait.ge [sflag:s18], $0x1000  }
0xde: {  	[sflag:s18] =	ssyncset.done $0x0  }
0xdf: {  	[sflag:s18] =	ssyncadd.s32 $0xFFFFF000  }
.LBB2_4:
0xe0: {  	s28 =	sshll.u32 s0, $0x1;
	s18 =	rddreg [dreg:$0x4]  }
0xe1: {  	[dreg:$0xc] =	wrdreg s0;
	s18 =	sadd.s32 s18, s28  }
0xe2: {  	s29 =	rddreg [dreg:$0x5];
	s0 =	sshrl.u32 s18, $0x7  }
0xe3: {  	s1 =	sshll.u32 s18, $0x7;
	s2 =	ssub.s32 s0, s29  }
0xe4: {  	s30 =	sand.u32 $0x3F00, s1;
	s2 =	sshll.u32 s2, $0x10  }
0xe5: {  	s1 =	sor.u32 $0x80, s30;
	s31 =	sshra.s32 s2, $0x2  }
0xe6: {  	s18 =	sor.u32 s1, s31  }
0xe7: {  	v3 =	vmov s18;
	_ =	sdelay $0x1  }
0xe8: {  	[dreg:$0xe] =	wrdreg s0;
	s0 =	smul.u32 $0x32, s0  }
0xe9: {  	[dreg:$0xd] =	wrdreg s28  }
0xea: {  	p0 =	por $0x1, $0x1;
	[dreg:$0x10] =	wrdreg s1;
	v2 =	vmov s0;
	s18 =	simm.s32 $0x0  }
.LBB2_5:
0xeb: {  	v4 =	vld.idx.msk [tilespmem:v3+s18+$0x0 ss:$0x1], $0xffff;
	_ =	sdelay $0x4  }
0xec: {  	v4 =	vadd.s32 v2, v4;
	_ =	sdelay $0x3  }
0xed: {  	s21 =	simm.s32 $0x8000  }
0xee: {  	s22 =	simm.s32 $0x8518;
	v5 =	vld.idx.msk [tilespmem:v4+s21+$0x0], $0xffff  }
0xef: {  	s23 =	simm.s32 $0x8A30;
	v6 =	vld.idx.msk [tilespmem:v4+s22+$0x0], $0xffff  }
0xf0: {  	s24 =	simm.s32 $0x8F48;
	v7 =	vld.idx.msk [tilespmem:v4+s23+$0x0], $0xffff  }
0xf1: {  	s25 =	simm.s32 $0x9460;
	v8 =	vld.idx.msk [tilespmem:v4+s24+$0x0], $0xffff  }
0xf2: {  	s26 =	simm.s32 $0x9978;
	v9 =	vld.idx.msk [tilespmem:v4+s25+$0x0], $0xffff  }
0xf3: {  	s28 =	simm.s32 $0x9E90;
	v10 =	vld.idx.msk [tilespmem:v4+s26+$0x0], $0xffff  }
0xf4: {  	s29 =	simm.s32 $0xA3A8;
	v11 =	vld.idx.msk [tilespmem:v4+s28+$0x0], $0xffff  }
0xf5: {  	v12 =	vld.idx.msk [tilespmem:v4+s29+$0x0], $0xffff;
	[tilespmem:s18+$0x13300] =	vst v5  }
0xf6: {  	[tilespmem:s18+$0x13380] =	vst v6  }
0xf7: {  	[tilespmem:s18+$0x13400] =	vst v7  }
0xf8: {  	[tilespmem:s18+$0x13480] =	vst v8  }
0xf9: {  	[tilespmem:s18+$0x13500] =	vst v9  }
0xfa: {  	[tilespmem:s18+$0x13580] =	vst v10  }
0xfb: {  	[tilespmem:s18+$0x13600] =	vst v11  }
0xfc: {  	s30 =	simm.s32 $0xA8C0;
	[tilespmem:s18+$0x13680] =	vst v12  }
0xfd: {  	s31 =	simm.s32 $0xADD8;
	v6 =	vld.idx.msk [tilespmem:v4+s30+$0x0], $0xffff  }
0xfe: {  	s1 =	simm.s32 $0xB2F0;
	v7 =	vld.idx.msk [tilespmem:v4+s31+$0x0], $0xffff  }
0xff: {  	s0 =	simm.s32 $0xB808;
	v8 =	vld.idx.msk [tilespmem:v4+s1+$0x0], $0xffff  }
0x100: {  	s2 =	simm.s32 $0xBD20;
	v9 =	vld.idx.msk [tilespmem:v4+s0+$0x0], $0xffff  }
0x101: {  	s3 =	simm.s32 $0xC238;
	v10 =	vld.idx.msk [tilespmem:v4+s2+$0x0], $0xffff  }
0x102: {  	s15 =	simm.s32 $0xC750;
	v11 =	vld.idx.msk [tilespmem:v4+s3+$0x0], $0xffff  }
0x103: {  	s5 =	simm.s32 $0xCC68;
	v12 =	vld.idx.msk [tilespmem:v4+s15+$0x0], $0xffff  }
0x104: {  	v13 =	vld.idx.msk [tilespmem:v4+s5+$0x0], $0xffff;
	[tilespmem:s18+$0x13700] =	vst v6  }
0x105: {  	[tilespmem:s18+$0x13780] =	vst v7  }
0x106: {  	[tilespmem:s18+$0x13800] =	vst v8  }
0x107: {  	[tilespmem:s18+$0x13880] =	vst v9  }
0x108: {  	[tilespmem:s18+$0x13900] =	vst v10  }
0x109: {  	[tilespmem:s18+$0x13980] =	vst v11  }
0x10a: {  	v5 =	vld.idx.msk [tilespmem:v3+s18+$0x10 ss:$0x1], $0xffff;
	[tilespmem:s18+$0x13A00] =	vst v12  }
0x10b: {  	s13 =	simm.s32 $0xD180;
	[tilespmem:s18+$0x13A80] =	vst v13  }
0x10c: {  	s8 =	simm.s32 $0xD698;
	v14 =	vld.idx.msk [tilespmem:v4+s13+$0x0], $0xffff  }
0x10d: {  	s9 =	simm.s32 $0xDBB0;
	v34 =	vld.idx.msk [tilespmem:v4+s8+$0x0], $0xffff  }
0x10e: {  	s4 =	simm.s32 $0xE0C8;
	v35 =	vld.idx.msk [tilespmem:v4+s9+$0x0], $0xffff  }
0x10f: {  	s11 =	simm.s32 $0xE5E0;
	v5 =	vadd.s32 v2, v5;
	v36 =	vld.idx.msk [tilespmem:v4+s4+$0x0], $0xffff  }
0x110: {  	s10 =	simm.s32 $0xEAF8;
	v37 =	vld.idx.msk [tilespmem:v4+s11+$0x0], $0xffff  }
0x111: {  	s19 =	simm.s32 $0xF010;
	v38 =	vld.idx.msk [tilespmem:v4+s10+$0x0], $0xffff  }
0x112: {  	s14 =	simm.s32 $0xF528;
	v39 =	vld.idx.msk [tilespmem:v4+s19+$0x0], $0xffff  }
0x113: {  	v40 =	vld.idx.msk [tilespmem:v4+s14+$0x0], $0xffff  }
0x114: {  	v26 =	vld.idx.msk [tilespmem:v5+s21+$0x0], $0xffff  }
0x115: {  	v27 =	vld.idx.msk [tilespmem:v5+s22+$0x0], $0xffff  }
0x116: {  	v28 =	vld.idx.msk [tilespmem:v5+s23+$0x0], $0xffff  }
0x117: {  	v29 =	vld.idx.msk [tilespmem:v5+s24+$0x0], $0xffff  }
0x118: {  	v30 =	vld.idx.msk [tilespmem:v5+s25+$0x0], $0xffff  }
0x119: {  	v31 =	vld.idx.msk [tilespmem:v5+s26+$0x0], $0xffff  }
0x11a: {  	v32 =	vld.idx.msk [tilespmem:v5+s28+$0x0], $0xffff;
	[tilespmem:s18+$0x13B00] =	vst v14  }
0x11b: {  	v33 =	vld.idx.msk [tilespmem:v5+s29+$0x0], $0xffff;
	[tilespmem:s18+$0x13310] =	vst v26  }
0x11c: {  	[tilespmem:s18+$0x13390] =	vst v27  }
0x11d: {  	[tilespmem:s18+$0x13410] =	vst v28  }
0x11e: {  	[tilespmem:s18+$0x13490] =	vst v29  }
0x11f: {  	[tilespmem:s18+$0x13510] =	vst v30  }
0x120: {  	[tilespmem:s18+$0x13590] =	vst v31  }
0x121: {  	[tilespmem:s18+$0x13610] =	vst v32  }
0x122: {  	[tilespmem:s18+$0x13690] =	vst v33  }
0x123: {  	[tilespmem:s18+$0x13B80] =	vst v34;
	v13 =	vld.idx.msk [tilespmem:v5+s30+$0x0], $0xffff  }
0x124: {  	[tilespmem:s18+$0x13C00] =	vst v35;
	v41 =	vld.idx.msk [tilespmem:v5+s31+$0x0], $0xffff  }
0x125: {  	[tilespmem:s18+$0x13C80] =	vst v36;
	v42 =	vld.idx.msk [tilespmem:v5+s1+$0x0], $0xffff  }
0x126: {  	[tilespmem:s18+$0x13D00] =	vst v37;
	v43 =	vld.idx.msk [tilespmem:v5+s0+$0x0], $0xffff  }
0x127: {  	[tilespmem:s18+$0x13D80] =	vst v38;
	v44 =	vld.idx.msk [tilespmem:v5+s2+$0x0], $0xffff  }
0x128: {  	[tilespmem:s18+$0x13E00] =	vst v39;
	v45 =	vld.idx.msk [tilespmem:v5+s3+$0x0], $0xffff  }
0x129: {  	[tilespmem:s18+$0x13E80] =	vst v40;
	v46 =	vld.idx.msk [tilespmem:v5+s15+$0x0], $0xffff  }
0x12a: {  	v47 =	vld.idx.msk [tilespmem:v5+s5+$0x0], $0xffff;
	[tilespmem:s18+$0x13710] =	vst v13  }
0x12b: {  	[tilespmem:s18+$0x13790] =	vst v41  }
0x12c: {  	s7 =	simm.s32 $0xFA40;
	[tilespmem:s18+$0x13810] =	vst v42  }
0x12d: {  	s16 =	simm.s32 $0x10470;
	v48 =	vld.idx.msk [tilespmem:v4+s7+$0x0], $0xffff;
	[tilespmem:s18+$0x13890] =	vst v43  }
0x12e: {  	s17 =	simm.s32 $0x10988;
	v51 =	vld.idx.msk [tilespmem:v4+s16+$0x0], $0xffff;
	[tilespmem:s18+$0x13910] =	vst v44  }
0x12f: {  	s12 =	simm.s32 $0x10EA0;
	v52 =	vld.idx.msk [tilespmem:v4+s17+$0x0], $0xffff;
	[tilespmem:s18+$0x13990] =	vst v45  }
0x130: {  	s19 =	simm.s32 $0x113B8;
	v53 =	vld.idx.msk [tilespmem:v4+s12+$0x0], $0xffff;
	[tilespmem:s18+$0x13A10] =	vst v46  }
0x131: {  	v54 =	vld.idx.msk [tilespmem:v4+s19+$0x0], $0xffff;
	[tilespmem:s18+$0x13A90] =	vst v47  }
0x132: {  	v7 =	vld.idx.msk [tilespmem:v5+s13+$0x0], $0xffff  }
0x133: {  	v8 =	vld.idx.msk [tilespmem:v5+s8+$0x0], $0xffff  }
0x134: {  	s6 =	simm.s32 $0xE0C8;
	v9 =	vld.idx.msk [tilespmem:v5+s9+$0x0], $0xffff  }
0x135: {  	v10 =	vld.idx.msk [tilespmem:v5+s6+$0x0], $0xffff  }
0x136: {  	v11 =	vld.idx.msk [tilespmem:v5+s11+$0x0], $0xffff  }
0x137: {  	s20 =	simm.s32 $0xF010;
	v12 =	vld.idx.msk [tilespmem:v5+s10+$0x0], $0xffff  }
0x138: {  	v13 =	vld.idx.msk [tilespmem:v5+s20+$0x0], $0xffff;
	s6 =	simm.s32 $0xFF58  }
0x139: {  	s20 =	simm.s32 $0x118D0;
	v50 =	vld.idx.msk [tilespmem:v4+s6+$0x0], $0xffff  }
0x13a: {  	s4 =	simm.s32 $0x11DE8;
	v55 =	vld.idx.msk [tilespmem:v4+s20+$0x0], $0xffff  }
0x13b: {  	v4 =	vld.idx.msk [tilespmem:v4+s4+$0x0], $0xffff;
	[tilespmem:s18+$0x13F00] =	vst v48  }
0x13c: {  	v49 =	vld.idx.msk [tilespmem:v5+s14+$0x0], $0xffff;
	[tilespmem:s18+$0x13B10] =	vst v7  }
0x13d: {  	[tilespmem:s18+$0x13B90] =	vst v8  }
0x13e: {  	[tilespmem:s18+$0x13C10] =	vst v9  }
0x13f: {  	[tilespmem:s18+$0x13C90] =	vst v10  }
0x140: {  	[tilespmem:s18+$0x13D10] =	vst v11  }
0x141: {  	[tilespmem:s18+$0x13D90] =	vst v12  }
0x142: {  	v56 =	vld.idx.msk [tilespmem:v3+s18+$0x20 ss:$0x1], $0xffff;
	[tilespmem:s18+$0x13E10] =	vst v13  }
0x143: {  	v63 =	vld.idx.msk [tilespmem:v3+s18+$0x30 ss:$0x1], $0xffff;
	[tilespmem:s18+$0x13E90] =	vst v49  }
0x144: {  	[tilespmem:s18+$0x14000] =	vst v51;
	v14 =	vld.idx.msk [tilespmem:v5+s7+$0x0], $0xffff  }
0x145: {  	[tilespmem:s18+$0x14080] =	vst v52;
	v57 =	vld.idx.msk [tilespmem:v5+s6+$0x0], $0xffff  }
0x146: {  	[tilespmem:s18+$0x14100] =	vst v53;
	v58 =	vld.idx.msk [tilespmem:v5+s16+$0x0], $0xffff  }
0x147: {  	[tilespmem:s18+$0x14180] =	vst v54;
	v13 =	vadd.s32 v2, v56;
	v59 =	vld.idx.msk [tilespmem:v5+s17+$0x0], $0xffff  }
0x148: {  	[tilespmem:s18+$0x13F80] =	vst v50;
	v60 =	vld.idx.msk [tilespmem:v5+s12+$0x0], $0xffff  }
0x149: {  	v61 =	vld.idx.msk [tilespmem:v5+s19+$0x0], $0xffff;
	[tilespmem:s18+$0x14200] =	vst v55  }
0x14a: {  	v62 =	vld.idx.msk [tilespmem:v5+s20+$0x0], $0xffff;
	[tilespmem:s18+$0x14280] =	vst v4  }
0x14b: {  	v4 =	vld.idx.msk [tilespmem:v5+s4+$0x0], $0xffff;
	[tilespmem:s18+$0x13F10] =	vst v14  }
0x14c: {  	v5 =	vld.idx.msk [tilespmem:v13+s21+$0x0], $0xffff;
	[tilespmem:s18+$0x13F90] =	vst v57  }
0x14d: {  	v16 =	vld.idx.msk [tilespmem:v13+s22+$0x0], $0xffff;
	[tilespmem:s18+$0x14010] =	vst v58  }
0x14e: {  	v17 =	vld.idx.msk [tilespmem:v13+s23+$0x0], $0xffff;
	[tilespmem:s18+$0x14090] =	vst v59  }
0x14f: {  	v12 =	vadd.s32 v2, v63;
	v18 =	vld.idx.msk [tilespmem:v13+s24+$0x0], $0xffff;
	[tilespmem:s18+$0x14110] =	vst v60  }
0x150: {  	v19 =	vld.idx.msk [tilespmem:v13+s25+$0x0], $0xffff;
	[tilespmem:s18+$0x14190] =	vst v61  }
0x151: {  	v20 =	vld.idx.msk [tilespmem:v13+s26+$0x0], $0xffff;
	[tilespmem:s18+$0x14210] =	vst v62  }
0x152: {  	v21 =	vld.idx.msk [tilespmem:v13+s28+$0x0], $0xffff;
	[tilespmem:s18+$0x14290] =	vst v4  }
0x153: {  	v4 =	vld.idx.msk [tilespmem:v13+s29+$0x0], $0xffff;
	[tilespmem:s18+$0x13320] =	vst v5  }
0x154: {  	v22 =	vld.idx.msk [tilespmem:v12+s22+$0x0], $0xffff;
	[tilespmem:s18+$0x133A0] =	vst v16  }
0x155: {  	v23 =	vld.idx.msk [tilespmem:v12+s23+$0x0], $0xffff;
	[tilespmem:s18+$0x13420] =	vst v17  }
0x156: {  	v24 =	vld.idx.msk [tilespmem:v12+s24+$0x0], $0xffff;
	[tilespmem:s18+$0x134A0] =	vst v18  }
0x157: {  	v25 =	vld.idx.msk [tilespmem:v12+s25+$0x0], $0xffff;
	[tilespmem:s18+$0x13520] =	vst v19  }
0x158: {  	v26 =	vld.idx.msk [tilespmem:v12+s26+$0x0], $0xffff;
	[tilespmem:s18+$0x135A0] =	vst v20  }
0x159: {  	v27 =	vld.idx.msk [tilespmem:v12+s28+$0x0], $0xffff;
	[tilespmem:s18+$0x13620] =	vst v21  }
0x15a: {  	v5 =	vld.idx.msk [tilespmem:v12+s21+$0x0], $0xffff;
	[tilespmem:s18+$0x136A0] =	vst v4  }
0x15b: {  	v4 =	vld.idx.msk [tilespmem:v12+s29+$0x0], $0xffff;
	[tilespmem:s18+$0x133B0] =	vst v22  }
0x15c: {  	[tilespmem:s18+$0x13430] =	vst v23;
	v28 =	vld.idx.msk [tilespmem:v13+s31+$0x0], $0xffff  }
0x15d: {  	[tilespmem:s18+$0x134B0] =	vst v24;
	v29 =	vld.idx.msk [tilespmem:v13+s1+$0x0], $0xffff  }
0x15e: {  	[tilespmem:s18+$0x13530] =	vst v25;
	v30 =	vld.idx.msk [tilespmem:v13+s0+$0x0], $0xffff  }
0x15f: {  	[tilespmem:s18+$0x135B0] =	vst v26;
	v31 =	vld.idx.msk [tilespmem:v13+s2+$0x0], $0xffff  }
0x160: {  	[tilespmem:s18+$0x13630] =	vst v27;
	v32 =	vld.idx.msk [tilespmem:v13+s3+$0x0], $0xffff  }
0x161: {  	v33 =	vld.idx.msk [tilespmem:v13+s15+$0x0], $0xffff;
	[tilespmem:s18+$0x13330] =	vst v5  }
0x162: {  	v5 =	vld.idx.msk [tilespmem:v13+s30+$0x0], $0xffff;
	[tilespmem:s18+$0x136B0] =	vst v4  }
0x163: {  	v4 =	vld.idx.msk [tilespmem:v13+s5+$0x0], $0xffff;
	[tilespmem:s18+$0x137A0] =	vst v28  }
0x164: {  	v34 =	vld.idx.msk [tilespmem:v12+s31+$0x0], $0xffff;
	[tilespmem:s18+$0x13820] =	vst v29  }
0x165: {  	v35 =	vld.idx.msk [tilespmem:v12+s1+$0x0], $0xffff;
	[tilespmem:s18+$0x138A0] =	vst v30  }
0x166: {  	v36 =	vld.idx.msk [tilespmem:v12+s0+$0x0], $0xffff;
	[tilespmem:s18+$0x13920] =	vst v31  }
0x167: {  	v37 =	vld.idx.msk [tilespmem:v12+s2+$0x0], $0xffff;
	[tilespmem:s18+$0x139A0] =	vst v32  }
0x168: {  	v38 =	vld.idx.msk [tilespmem:v12+s3+$0x0], $0xffff;
	[tilespmem:s18+$0x13A20] =	vst v33  }
0x169: {  	v39 =	vld.idx.msk [tilespmem:v12+s15+$0x0], $0xffff;
	[tilespmem:s18+$0x13720] =	vst v5  }
0x16a: {  	v5 =	vld.idx.msk [tilespmem:v12+s30+$0x0], $0xffff;
	[tilespmem:s18+$0x13AA0] =	vst v4  }
0x16b: {  	v4 =	vld.idx.msk [tilespmem:v12+s5+$0x0], $0xffff;
	[tilespmem:s18+$0x137B0] =	vst v34  }
0x16c: {  	v40 =	vld.idx.msk [tilespmem:v13+s8+$0x0], $0xffff;
	[tilespmem:s18+$0x13830] =	vst v35  }
0x16d: {  	s28 =	simm.s32 $0xE0C8;
	v41 =	vld.idx.msk [tilespmem:v13+s9+$0x0], $0xffff;
	[tilespmem:s18+$0x138B0] =	vst v36  }
0x16e: {  	v42 =	vld.idx.msk [tilespmem:v13+s28+$0x0], $0xffff;
	[tilespmem:s18+$0x13930] =	vst v37  }
0x16f: {  	v43 =	vld.idx.msk [tilespmem:v13+s11+$0x0], $0xffff;
	[tilespmem:s18+$0x139B0] =	vst v38  }
0x170: {  	s30 =	simm.s32 $0xF010;
	v44 =	vld.idx.msk [tilespmem:v13+s10+$0x0], $0xffff;
	[tilespmem:s18+$0x13A30] =	vst v39  }
0x171: {  	v45 =	vld.idx.msk [tilespmem:v13+s30+$0x0], $0xffff;
	[tilespmem:s18+$0x13730] =	vst v5  }
0x172: {  	v5 =	vld.idx.msk [tilespmem:v13+s13+$0x0], $0xffff;
	[tilespmem:s18+$0x13AB0] =	vst v4  }
0x173: {  	v4 =	vld.idx.msk [tilespmem:v13+s14+$0x0], $0xffff;
	[tilespmem:s18+$0x13BA0] =	vst v40  }
0x174: {  	v46 =	vld.idx.msk [tilespmem:v12+s8+$0x0], $0xffff;
	[tilespmem:s18+$0x13C20] =	vst v41  }
0x175: {  	s29 =	simm.s32 $0xE0C8;
	v47 =	vld.idx.msk [tilespmem:v12+s9+$0x0], $0xffff;
	[tilespmem:s18+$0x13CA0] =	vst v42  }
0x176: {  	v48 =	vld.idx.msk [tilespmem:v12+s29+$0x0], $0xffff;
	[tilespmem:s18+$0x13D20] =	vst v43  }
0x177: {  	v49 =	vld.idx.msk [tilespmem:v12+s11+$0x0], $0xffff;
	[tilespmem:s18+$0x13DA0] =	vst v44  }
0x178: {  	s31 =	simm.s32 $0xF010;
	v50 =	vld.idx.msk [tilespmem:v12+s10+$0x0], $0xffff;
	[tilespmem:s18+$0x13E20] =	vst v45  }
0x179: {  	v51 =	vld.idx.msk [tilespmem:v12+s31+$0x0], $0xffff;
	[tilespmem:s18+$0x13B20] =	vst v5  }
0x17a: {  	v5 =	vld.idx.msk [tilespmem:v12+s13+$0x0], $0xffff;
	[tilespmem:s18+$0x13EA0] =	vst v4  }
0x17b: {  	v4 =	vld.idx.msk [tilespmem:v12+s14+$0x0], $0xffff;
	[tilespmem:s18+$0x13BB0] =	vst v46  }
0x17c: {  	v52 =	vld.idx.msk [tilespmem:v13+s6+$0x0], $0xffff;
	[tilespmem:s18+$0x13C30] =	vst v47  }
0x17d: {  	v53 =	vld.idx.msk [tilespmem:v13+s16+$0x0], $0xffff;
	[tilespmem:s18+$0x13CB0] =	vst v48  }
0x17e: {  	v54 =	vld.idx.msk [tilespmem:v13+s17+$0x0], $0xffff;
	[tilespmem:s18+$0x13D30] =	vst v49  }
0x17f: {  	v55 =	vld.idx.msk [tilespmem:v13+s12+$0x0], $0xffff;
	[tilespmem:s18+$0x13DB0] =	vst v50  }
0x180: {  	v56 =	vld.idx.msk [tilespmem:v13+s19+$0x0], $0xffff;
	[tilespmem:s18+$0x13E30] =	vst v51  }
0x181: {  	v57 =	vld.idx.msk [tilespmem:v13+s20+$0x0], $0xffff;
	[tilespmem:s18+$0x13B30] =	vst v5  }
0x182: {  	v5 =	vld.idx.msk [tilespmem:v13+s7+$0x0], $0xffff;
	[tilespmem:s18+$0x13EB0] =	vst v4  }
0x183: {  	v4 =	vld.idx.msk [tilespmem:v13+s4+$0x0], $0xffff;
	[tilespmem:s18+$0x13FA0] =	vst v52  }
0x184: {  	v58 =	vld.idx.msk [tilespmem:v12+s6+$0x0], $0xffff;
	[tilespmem:s18+$0x14020] =	vst v53  }
0x185: {  	v59 =	vld.idx.msk [tilespmem:v12+s16+$0x0], $0xffff;
	[tilespmem:s18+$0x140A0] =	vst v54  }
0x186: {  	v60 =	vld.idx.msk [tilespmem:v12+s17+$0x0], $0xffff;
	[tilespmem:s18+$0x14120] =	vst v55  }
0x187: {  	v61 =	vld.idx.msk [tilespmem:v12+s12+$0x0], $0xffff;
	[tilespmem:s18+$0x141A0] =	vst v56  }
0x188: {  	v62 =	vld.idx.msk [tilespmem:v12+s19+$0x0], $0xffff;
	[tilespmem:s18+$0x14220] =	vst v57  }
0x189: {  	v63 =	vld.idx.msk [tilespmem:v12+s20+$0x0], $0xffff;
	[tilespmem:s18+$0x13F20] =	vst v5  }
0x18a: {  	v5 =	vld.idx.msk [tilespmem:v12+s7+$0x0], $0xffff;
	[tilespmem:s18+$0x142A0] =	vst v4  }
0x18b: {  	v4 =	vld.idx.msk [tilespmem:v12+s4+$0x0], $0xffff;
	[tilespmem:s18+$0x13FB0] =	vst v58  }
0x18c: {  	[tilespmem:s18+$0x14030] =	vst v59  }
0x18d: {  	p1 =	por p0, p0;
	[tilespmem:s18+$0x140B0] =	vst v60  }
.Ltmp5:
0x18e: {  	[tilespmem:s18+$0x14130] =	vst v61;
	(pc) =	sbr.rel @p1 .LBB2_5-.Ltmp5, $4  }
0x18f: {  	[tilespmem:s18+$0x141B0] =	vst v62  }
0x190: {  	[tilespmem:s18+$0x14230] =	vst v63  }
0x191: {  	[tilespmem:s18+$0x13F30] =	vst v5  }
0x192: {  	p0 =	por $0x0, $0x0;
	[tilespmem:s18+$0x142B0] =	vst v4;
	s18 =	simm.s32 $0x40  }
0x193: {  	s0 =	rddreg [dreg:$0xe]  }
0x194: {  	s26 =	rddreg [dreg:$0x2]  }
0x195: {  	s28 =	rddreg [dreg:$0x10];
	s19 =	simm.s32 $0x400;
	s18 =	sshll.u32 s0, $0x10  }
0x196: {  	s29 =	simm.s32 $0x20000;
	s1 =	sand.u32 $0x1FFF0000, s18;
	s18 =	sadd.s32 s26, s28  }
0x197: {  	s30 =	simm.s32 $0x13300;
	s31 =	simm.s32 $0x1;
	s18 =	sadd.s32 s1, s18  }
0x198: {  	[hbm4b:s18+s19] =	stream.strided.scatter [tilespmem:s30], [sflag:$0x2], $0x1000, s29, s19, $0x38;
	[tilespmem:$0x14300] =	vst v63  }
0x199: {  	_ =	swait.ge [sflag:s31], $0x1000  }
0x19a: {  	s0 =	rddreg [dreg:$0xc]  }
0x19b: {  	p0 =	seq.s32 s0, $0x33  }
.Ltmp6:
0x19c: {  	_ = 	snop;
	(pc) =	sbr.rel @p0 .LBB2_10-.Ltmp6, $3  }
0x19d: {  	_ =	sdelay $0x1  }
0x19e: {  	[sflag:s31] =	ssyncset.done $0x0  }
0x19f: {  	[sflag:s31] =	ssyncadd.s32 $0xFFFFF000  }
0x1a0: {  	s18 =	rddreg [dreg:$0x9]  }
0x1a1: {  	s0 =	rddreg [dreg:$0xd]  }
0x1a2: {  	s1 =	sadd.s32 s0, s18  }
0x1a3: {  	s26 =	rddreg [dreg:$0x5];
	s0 =	sshrl.u32 s1, $0x7  }
0x1a4: {  	s2 =	ssub.s32 s0, s26  }
0x1a5: {  	s28 =	sshll.u32 s1, $0x7;
	s3 =	sshll.u32 s2, $0x10  }
0x1a6: {  	s1 =	sand.u32 $0x3F00, s28;
	s30 =	sshra.s32 s3, $0x2  }
0x1a7: {  	s31 =	sor.u32 s1, s30  }
0x1a8: {  	v3 =	vmov s31;
	_ =	sdelay $0x1  }
0x1a9: {  	s29 =	smul.u32 $0x32, s0  }
0x1aa: {  	[dreg:$0xf] =	wrdreg s0  }
0x1ab: {  	p0 =	por $0x1, $0x1;
	s18 =	simm.s32 $0x0;
	[dreg:$0x11] =	wrdreg s1;
	v2 =	vmov s29  }
.LBB2_8:
0x1ac: {  	v4 =	vld.idx.msk [tilespmem:v3+s18+$0x0 ss:$0x1], $0xffff;
	_ =	sdelay $0x4  }
0x1ad: {  	v4 =	vadd.s32 v2, v4;
	_ =	sdelay $0x3  }
0x1ae: {  	s21 =	simm.s32 $0x8000  }
0x1af: {  	s22 =	simm.s32 $0x8518;
	v5 =	vld.idx.msk [tilespmem:v4+s21+$0x0], $0xffff  }
0x1b0: {  	s23 =	simm.s32 $0x8A30;
	v6 =	vld.idx.msk [tilespmem:v4+s22+$0x0], $0xffff  }
0x1b1: {  	s24 =	simm.s32 $0x8F48;
	v7 =	vld.idx.msk [tilespmem:v4+s23+$0x0], $0xffff  }
0x1b2: {  	s25 =	simm.s32 $0x9460;
	v8 =	vld.idx.msk [tilespmem:v4+s24+$0x0], $0xffff  }
0x1b3: {  	s26 =	simm.s32 $0x9978;
	v9 =	vld.idx.msk [tilespmem:v4+s25+$0x0], $0xffff  }
0x1b4: {  	s28 =	simm.s32 $0x9E90;
	v10 =	vld.idx.msk [tilespmem:v4+s26+$0x0], $0xffff  }
0x1b5: {  	s29 =	simm.s32 $0xA3A8;
	v11 =	vld.idx.msk [tilespmem:v4+s28+$0x0], $0xffff  }
0x1b6: {  	v12 =	vld.idx.msk [tilespmem:v4+s29+$0x0], $0xffff;
	[tilespmem:s18+$0x12300] =	vst v5  }
0x1b7: {  	[tilespmem:s18+$0x12380] =	vst v6  }
0x1b8: {  	[tilespmem:s18+$0x12400] =	vst v7  }
0x1b9: {  	[tilespmem:s18+$0x12480] =	vst v8  }
0x1ba: {  	[tilespmem:s18+$0x12500] =	vst v9  }
0x1bb: {  	[tilespmem:s18+$0x12580] =	vst v10  }
0x1bc: {  	[tilespmem:s18+$0x12600] =	vst v11  }
0x1bd: {  	s30 =	simm.s32 $0xA8C0;
	[tilespmem:s18+$0x12680] =	vst v12  }
0x1be: {  	s31 =	simm.s32 $0xADD8;
	v6 =	vld.idx.msk [tilespmem:v4+s30+$0x0], $0xffff  }
0x1bf: {  	s1 =	simm.s32 $0xB2F0;
	v7 =	vld.idx.msk [tilespmem:v4+s31+$0x0], $0xffff  }
0x1c0: {  	s0 =	simm.s32 $0xB808;
	v8 =	vld.idx.msk [tilespmem:v4+s1+$0x0], $0xffff  }
0x1c1: {  	s2 =	simm.s32 $0xBD20;
	v9 =	vld.idx.msk [tilespmem:v4+s0+$0x0], $0xffff  }
0x1c2: {  	s3 =	simm.s32 $0xC238;
	v10 =	vld.idx.msk [tilespmem:v4+s2+$0x0], $0xffff  }
0x1c3: {  	s15 =	simm.s32 $0xC750;
	v11 =	vld.idx.msk [tilespmem:v4+s3+$0x0], $0xffff  }
0x1c4: {  	s5 =	simm.s32 $0xCC68;
	v12 =	vld.idx.msk [tilespmem:v4+s15+$0x0], $0xffff  }
0x1c5: {  	v13 =	vld.idx.msk [tilespmem:v4+s5+$0x0], $0xffff;
	[tilespmem:s18+$0x12700] =	vst v6  }
0x1c6: {  	[tilespmem:s18+$0x12780] =	vst v7  }
0x1c7: {  	[tilespmem:s18+$0x12800] =	vst v8  }
0x1c8: {  	[tilespmem:s18+$0x12880] =	vst v9  }
0x1c9: {  	[tilespmem:s18+$0x12900] =	vst v10  }
0x1ca: {  	[tilespmem:s18+$0x12980] =	vst v11  }
0x1cb: {  	v5 =	vld.idx.msk [tilespmem:v3+s18+$0x10 ss:$0x1], $0xffff;
	[tilespmem:s18+$0x12A00] =	vst v12  }
0x1cc: {  	s13 =	simm.s32 $0xD180;
	[tilespmem:s18+$0x12A80] =	vst v13  }
0x1cd: {  	s8 =	simm.s32 $0xD698;
	v14 =	vld.idx.msk [tilespmem:v4+s13+$0x0], $0xffff  }
0x1ce: {  	s9 =	simm.s32 $0xDBB0;
	v34 =	vld.idx.msk [tilespmem:v4+s8+$0x0], $0xffff  }
0x1cf: {  	s4 =	simm.s32 $0xE0C8;
	v35 =	vld.idx.msk [tilespmem:v4+s9+$0x0], $0xffff  }
0x1d0: {  	s11 =	simm.s32 $0xE5E0;
	v5 =	vadd.s32 v2, v5;
	v36 =	vld.idx.msk [tilespmem:v4+s4+$0x0], $0xffff  }
0x1d1: {  	s10 =	simm.s32 $0xEAF8;
	v37 =	vld.idx.msk [tilespmem:v4+s11+$0x0], $0xffff  }
0x1d2: {  	s19 =	simm.s32 $0xF010;
	v38 =	vld.idx.msk [tilespmem:v4+s10+$0x0], $0xffff  }
0x1d3: {  	s14 =	simm.s32 $0xF528;
	v39 =	vld.idx.msk [tilespmem:v4+s19+$0x0], $0xffff  }
0x1d4: {  	v40 =	vld.idx.msk [tilespmem:v4+s14+$0x0], $0xffff  }
0x1d5: {  	v26 =	vld.idx.msk [tilespmem:v5+s21+$0x0], $0xffff  }
0x1d6: {  	v27 =	vld.idx.msk [tilespmem:v5+s22+$0x0], $0xffff  }
0x1d7: {  	v28 =	vld.idx.msk [tilespmem:v5+s23+$0x0], $0xffff  }
0x1d8: {  	v29 =	vld.idx.msk [tilespmem:v5+s24+$0x0], $0xffff  }
0x1d9: {  	v30 =	vld.idx.msk [tilespmem:v5+s25+$0x0], $0xffff  }
0x1da: {  	v31 =	vld.idx.msk [tilespmem:v5+s26+$0x0], $0xffff  }
0x1db: {  	v32 =	vld.idx.msk [tilespmem:v5+s28+$0x0], $0xffff;
	[tilespmem:s18+$0x12B00] =	vst v14  }
0x1dc: {  	v33 =	vld.idx.msk [tilespmem:v5+s29+$0x0], $0xffff;
	[tilespmem:s18+$0x12310] =	vst v26  }
0x1dd: {  	[tilespmem:s18+$0x12390] =	vst v27  }
0x1de: {  	[tilespmem:s18+$0x12410] =	vst v28  }
0x1df: {  	[tilespmem:s18+$0x12490] =	vst v29  }
0x1e0: {  	[tilespmem:s18+$0x12510] =	vst v30  }
0x1e1: {  	[tilespmem:s18+$0x12590] =	vst v31  }
0x1e2: {  	[tilespmem:s18+$0x12610] =	vst v32  }
0x1e3: {  	[tilespmem:s18+$0x12690] =	vst v33  }
0x1e4: {  	[tilespmem:s18+$0x12B80] =	vst v34;
	v13 =	vld.idx.msk [tilespmem:v5+s30+$0x0], $0xffff  }
0x1e5: {  	[tilespmem:s18+$0x12C00] =	vst v35;
	v41 =	vld.idx.msk [tilespmem:v5+s31+$0x0], $0xffff  }
0x1e6: {  	[tilespmem:s18+$0x12C80] =	vst v36;
	v42 =	vld.idx.msk [tilespmem:v5+s1+$0x0], $0xffff  }
0x1e7: {  	[tilespmem:s18+$0x12D00] =	vst v37;
	v43 =	vld.idx.msk [tilespmem:v5+s0+$0x0], $0xffff  }
0x1e8: {  	[tilespmem:s18+$0x12D80] =	vst v38;
	v44 =	vld.idx.msk [tilespmem:v5+s2+$0x0], $0xffff  }
0x1e9: {  	[tilespmem:s18+$0x12E00] =	vst v39;
	v45 =	vld.idx.msk [tilespmem:v5+s3+$0x0], $0xffff  }
0x1ea: {  	[tilespmem:s18+$0x12E80] =	vst v40;
	v46 =	vld.idx.msk [tilespmem:v5+s15+$0x0], $0xffff  }
0x1eb: {  	v47 =	vld.idx.msk [tilespmem:v5+s5+$0x0], $0xffff;
	[tilespmem:s18+$0x12710] =	vst v13  }
0x1ec: {  	[tilespmem:s18+$0x12790] =	vst v41  }
0x1ed: {  	s7 =	simm.s32 $0xFA40;
	[tilespmem:s18+$0x12810] =	vst v42  }
0x1ee: {  	s16 =	simm.s32 $0x10470;
	v48 =	vld.idx.msk [tilespmem:v4+s7+$0x0], $0xffff;
	[tilespmem:s18+$0x12890] =	vst v43  }
0x1ef: {  	s17 =	simm.s32 $0x10988;
	v51 =	vld.idx.msk [tilespmem:v4+s16+$0x0], $0xffff;
	[tilespmem:s18+$0x12910] =	vst v44  }
0x1f0: {  	s12 =	simm.s32 $0x10EA0;
	v52 =	vld.idx.msk [tilespmem:v4+s17+$0x0], $0xffff;
	[tilespmem:s18+$0x12990] =	vst v45  }
0x1f1: {  	s19 =	simm.s32 $0x113B8;
	v53 =	vld.idx.msk [tilespmem:v4+s12+$0x0], $0xffff;
	[tilespmem:s18+$0x12A10] =	vst v46  }
0x1f2: {  	v54 =	vld.idx.msk [tilespmem:v4+s19+$0x0], $0xffff;
	[tilespmem:s18+$0x12A90] =	vst v47  }
0x1f3: {  	v7 =	vld.idx.msk [tilespmem:v5+s13+$0x0], $0xffff  }
0x1f4: {  	v8 =	vld.idx.msk [tilespmem:v5+s8+$0x0], $0xffff  }
0x1f5: {  	s6 =	simm.s32 $0xE0C8;
	v9 =	vld.idx.msk [tilespmem:v5+s9+$0x0], $0xffff  }
0x1f6: {  	v10 =	vld.idx.msk [tilespmem:v5+s6+$0x0], $0xffff  }
0x1f7: {  	v11 =	vld.idx.msk [tilespmem:v5+s11+$0x0], $0xffff  }
0x1f8: {  	s20 =	simm.s32 $0xF010;
	v12 =	vld.idx.msk [tilespmem:v5+s10+$0x0], $0xffff  }
0x1f9: {  	v13 =	vld.idx.msk [tilespmem:v5+s20+$0x0], $0xffff;
	s6 =	simm.s32 $0xFF58  }
0x1fa: {  	s20 =	simm.s32 $0x118D0;
	v50 =	vld.idx.msk [tilespmem:v4+s6+$0x0], $0xffff  }
0x1fb: {  	s4 =	simm.s32 $0x11DE8;
	v55 =	vld.idx.msk [tilespmem:v4+s20+$0x0], $0xffff  }
0x1fc: {  	v4 =	vld.idx.msk [tilespmem:v4+s4+$0x0], $0xffff;
	[tilespmem:s18+$0x12F00] =	vst v48  }
0x1fd: {  	v49 =	vld.idx.msk [tilespmem:v5+s14+$0x0], $0xffff;
	[tilespmem:s18+$0x12B10] =	vst v7  }
0x1fe: {  	[tilespmem:s18+$0x12B90] =	vst v8  }
0x1ff: {  	[tilespmem:s18+$0x12C10] =	vst v9  }
0x200: {  	[tilespmem:s18+$0x12C90] =	vst v10  }
0x201: {  	[tilespmem:s18+$0x12D10] =	vst v11  }
0x202: {  	[tilespmem:s18+$0x12D90] =	vst v12  }
0x203: {  	v56 =	vld.idx.msk [tilespmem:v3+s18+$0x20 ss:$0x1], $0xffff;
	[tilespmem:s18+$0x12E10] =	vst v13  }
0x204: {  	v63 =	vld.idx.msk [tilespmem:v3+s18+$0x30 ss:$0x1], $0xffff;
	[tilespmem:s18+$0x12E90] =	vst v49  }
0x205: {  	[tilespmem:s18+$0x13000] =	vst v51;
	v14 =	vld.idx.msk [tilespmem:v5+s7+$0x0], $0xffff  }
0x206: {  	[tilespmem:s18+$0x13080] =	vst v52;
	v57 =	vld.idx.msk [tilespmem:v5+s6+$0x0], $0xffff  }
0x207: {  	[tilespmem:s18+$0x13100] =	vst v53;
	v58 =	vld.idx.msk [tilespmem:v5+s16+$0x0], $0xffff  }
0x208: {  	[tilespmem:s18+$0x13180] =	vst v54;
	v13 =	vadd.s32 v2, v56;
	v59 =	vld.idx.msk [tilespmem:v5+s17+$0x0], $0xffff  }
0x209: {  	[tilespmem:s18+$0x12F80] =	vst v50;
	v60 =	vld.idx.msk [tilespmem:v5+s12+$0x0], $0xffff  }
0x20a: {  	v61 =	vld.idx.msk [tilespmem:v5+s19+$0x0], $0xffff;
	[tilespmem:s18+$0x13200] =	vst v55  }
0x20b: {  	v62 =	vld.idx.msk [tilespmem:v5+s20+$0x0], $0xffff;
	[tilespmem:s18+$0x13280] =	vst v4  }
0x20c: {  	v4 =	vld.idx.msk [tilespmem:v5+s4+$0x0], $0xffff;
	[tilespmem:s18+$0x12F10] =	vst v14  }
0x20d: {  	v5 =	vld.idx.msk [tilespmem:v13+s21+$0x0], $0xffff;
	[tilespmem:s18+$0x12F90] =	vst v57  }
0x20e: {  	v16 =	vld.idx.msk [tilespmem:v13+s22+$0x0], $0xffff;
	[tilespmem:s18+$0x13010] =	vst v58  }
0x20f: {  	v17 =	vld.idx.msk [tilespmem:v13+s23+$0x0], $0xffff;
	[tilespmem:s18+$0x13090] =	vst v59  }
0x210: {  	v12 =	vadd.s32 v2, v63;
	v18 =	vld.idx.msk [tilespmem:v13+s24+$0x0], $0xffff;
	[tilespmem:s18+$0x13110] =	vst v60  }
0x211: {  	v19 =	vld.idx.msk [tilespmem:v13+s25+$0x0], $0xffff;
	[tilespmem:s18+$0x13190] =	vst v61  }
0x212: {  	v20 =	vld.idx.msk [tilespmem:v13+s26+$0x0], $0xffff;
	[tilespmem:s18+$0x13210] =	vst v62  }
0x213: {  	v21 =	vld.idx.msk [tilespmem:v13+s28+$0x0], $0xffff;
	[tilespmem:s18+$0x13290] =	vst v4  }
0x214: {  	v4 =	vld.idx.msk [tilespmem:v13+s29+$0x0], $0xffff;
	[tilespmem:s18+$0x12320] =	vst v5  }
0x215: {  	v22 =	vld.idx.msk [tilespmem:v12+s22+$0x0], $0xffff;
	[tilespmem:s18+$0x123A0] =	vst v16  }
0x216: {  	v23 =	vld.idx.msk [tilespmem:v12+s23+$0x0], $0xffff;
	[tilespmem:s18+$0x12420] =	vst v17  }
0x217: {  	v24 =	vld.idx.msk [tilespmem:v12+s24+$0x0], $0xffff;
	[tilespmem:s18+$0x124A0] =	vst v18  }
0x218: {  	v25 =	vld.idx.msk [tilespmem:v12+s25+$0x0], $0xffff;
	[tilespmem:s18+$0x12520] =	vst v19  }
0x219: {  	v26 =	vld.idx.msk [tilespmem:v12+s26+$0x0], $0xffff;
	[tilespmem:s18+$0x125A0] =	vst v20  }
0x21a: {  	v27 =	vld.idx.msk [tilespmem:v12+s28+$0x0], $0xffff;
	[tilespmem:s18+$0x12620] =	vst v21  }
0x21b: {  	v5 =	vld.idx.msk [tilespmem:v12+s21+$0x0], $0xffff;
	[tilespmem:s18+$0x126A0] =	vst v4  }
0x21c: {  	v4 =	vld.idx.msk [tilespmem:v12+s29+$0x0], $0xffff;
	[tilespmem:s18+$0x123B0] =	vst v22  }
0x21d: {  	[tilespmem:s18+$0x12430] =	vst v23;
	v28 =	vld.idx.msk [tilespmem:v13+s31+$0x0], $0xffff  }
0x21e: {  	[tilespmem:s18+$0x124B0] =	vst v24;
	v29 =	vld.idx.msk [tilespmem:v13+s1+$0x0], $0xffff  }
0x21f: {  	[tilespmem:s18+$0x12530] =	vst v25;
	v30 =	vld.idx.msk [tilespmem:v13+s0+$0x0], $0xffff  }
0x220: {  	[tilespmem:s18+$0x125B0] =	vst v26;
	v31 =	vld.idx.msk [tilespmem:v13+s2+$0x0], $0xffff  }
0x221: {  	[tilespmem:s18+$0x12630] =	vst v27;
	v32 =	vld.idx.msk [tilespmem:v13+s3+$0x0], $0xffff  }
0x222: {  	v33 =	vld.idx.msk [tilespmem:v13+s15+$0x0], $0xffff;
	[tilespmem:s18+$0x12330] =	vst v5  }
0x223: {  	v5 =	vld.idx.msk [tilespmem:v13+s30+$0x0], $0xffff;
	[tilespmem:s18+$0x126B0] =	vst v4  }
0x224: {  	v4 =	vld.idx.msk [tilespmem:v13+s5+$0x0], $0xffff;
	[tilespmem:s18+$0x127A0] =	vst v28  }
0x225: {  	v34 =	vld.idx.msk [tilespmem:v12+s31+$0x0], $0xffff;
	[tilespmem:s18+$0x12820] =	vst v29  }
0x226: {  	v35 =	vld.idx.msk [tilespmem:v12+s1+$0x0], $0xffff;
	[tilespmem:s18+$0x128A0] =	vst v30  }
0x227: {  	v36 =	vld.idx.msk [tilespmem:v12+s0+$0x0], $0xffff;
	[tilespmem:s18+$0x12920] =	vst v31  }
0x228: {  	v37 =	vld.idx.msk [tilespmem:v12+s2+$0x0], $0xffff;
	[tilespmem:s18+$0x129A0] =	vst v32  }
0x229: {  	v38 =	vld.idx.msk [tilespmem:v12+s3+$0x0], $0xffff;
	[tilespmem:s18+$0x12A20] =	vst v33  }
0x22a: {  	v39 =	vld.idx.msk [tilespmem:v12+s15+$0x0], $0xffff;
	[tilespmem:s18+$0x12720] =	vst v5  }
0x22b: {  	v5 =	vld.idx.msk [tilespmem:v12+s30+$0x0], $0xffff;
	[tilespmem:s18+$0x12AA0] =	vst v4  }
0x22c: {  	v4 =	vld.idx.msk [tilespmem:v12+s5+$0x0], $0xffff;
	[tilespmem:s18+$0x127B0] =	vst v34  }
0x22d: {  	v40 =	vld.idx.msk [tilespmem:v13+s8+$0x0], $0xffff;
	[tilespmem:s18+$0x12830] =	vst v35  }
0x22e: {  	s28 =	simm.s32 $0xE0C8;
	v41 =	vld.idx.msk [tilespmem:v13+s9+$0x0], $0xffff;
	[tilespmem:s18+$0x128B0] =	vst v36  }
0x22f: {  	v42 =	vld.idx.msk [tilespmem:v13+s28+$0x0], $0xffff;
	[tilespmem:s18+$0x12930] =	vst v37  }
0x230: {  	v43 =	vld.idx.msk [tilespmem:v13+s11+$0x0], $0xffff;
	[tilespmem:s18+$0x129B0] =	vst v38  }
0x231: {  	s30 =	simm.s32 $0xF010;
	v44 =	vld.idx.msk [tilespmem:v13+s10+$0x0], $0xffff;
	[tilespmem:s18+$0x12A30] =	vst v39  }
0x232: {  	v45 =	vld.idx.msk [tilespmem:v13+s30+$0x0], $0xffff;
	[tilespmem:s18+$0x12730] =	vst v5  }
0x233: {  	v5 =	vld.idx.msk [tilespmem:v13+s13+$0x0], $0xffff;
	[tilespmem:s18+$0x12AB0] =	vst v4  }
0x234: {  	v4 =	vld.idx.msk [tilespmem:v13+s14+$0x0], $0xffff;
	[tilespmem:s18+$0x12BA0] =	vst v40  }
0x235: {  	v46 =	vld.idx.msk [tilespmem:v12+s8+$0x0], $0xffff;
	[tilespmem:s18+$0x12C20] =	vst v41  }
0x236: {  	s29 =	simm.s32 $0xE0C8;
	v47 =	vld.idx.msk [tilespmem:v12+s9+$0x0], $0xffff;
	[tilespmem:s18+$0x12CA0] =	vst v42  }
0x237: {  	v48 =	vld.idx.msk [tilespmem:v12+s29+$0x0], $0xffff;
	[tilespmem:s18+$0x12D20] =	vst v43  }
0x238: {  	v49 =	vld.idx.msk [tilespmem:v12+s11+$0x0], $0xffff;
	[tilespmem:s18+$0x12DA0] =	vst v44  }
0x239: {  	s31 =	simm.s32 $0xF010;
	v50 =	vld.idx.msk [tilespmem:v12+s10+$0x0], $0xffff;
	[tilespmem:s18+$0x12E20] =	vst v45  }
0x23a: {  	v51 =	vld.idx.msk [tilespmem:v12+s31+$0x0], $0xffff;
	[tilespmem:s18+$0x12B20] =	vst v5  }
0x23b: {  	v5 =	vld.idx.msk [tilespmem:v12+s13+$0x0], $0xffff;
	[tilespmem:s18+$0x12EA0] =	vst v4  }
0x23c: {  	v4 =	vld.idx.msk [tilespmem:v12+s14+$0x0], $0xffff;
	[tilespmem:s18+$0x12BB0] =	vst v46  }
0x23d: {  	v52 =	vld.idx.msk [tilespmem:v13+s6+$0x0], $0xffff;
	[tilespmem:s18+$0x12C30] =	vst v47  }
0x23e: {  	v53 =	vld.idx.msk [tilespmem:v13+s16+$0x0], $0xffff;
	[tilespmem:s18+$0x12CB0] =	vst v48  }
0x23f: {  	v54 =	vld.idx.msk [tilespmem:v13+s17+$0x0], $0xffff;
	[tilespmem:s18+$0x12D30] =	vst v49  }
0x240: {  	v55 =	vld.idx.msk [tilespmem:v13+s12+$0x0], $0xffff;
	[tilespmem:s18+$0x12DB0] =	vst v50  }
0x241: {  	v56 =	vld.idx.msk [tilespmem:v13+s19+$0x0], $0xffff;
	[tilespmem:s18+$0x12E30] =	vst v51  }
0x242: {  	v57 =	vld.idx.msk [tilespmem:v13+s20+$0x0], $0xffff;
	[tilespmem:s18+$0x12B30] =	vst v5  }
0x243: {  	v5 =	vld.idx.msk [tilespmem:v13+s7+$0x0], $0xffff;
	[tilespmem:s18+$0x12EB0] =	vst v4  }
0x244: {  	v4 =	vld.idx.msk [tilespmem:v13+s4+$0x0], $0xffff;
	[tilespmem:s18+$0x12FA0] =	vst v52  }
0x245: {  	v58 =	vld.idx.msk [tilespmem:v12+s6+$0x0], $0xffff;
	[tilespmem:s18+$0x13020] =	vst v53  }
0x246: {  	v59 =	vld.idx.msk [tilespmem:v12+s16+$0x0], $0xffff;
	[tilespmem:s18+$0x130A0] =	vst v54  }
0x247: {  	v60 =	vld.idx.msk [tilespmem:v12+s17+$0x0], $0xffff;
	[tilespmem:s18+$0x13120] =	vst v55  }
0x248: {  	v61 =	vld.idx.msk [tilespmem:v12+s12+$0x0], $0xffff;
	[tilespmem:s18+$0x131A0] =	vst v56  }
0x249: {  	v62 =	vld.idx.msk [tilespmem:v12+s19+$0x0], $0xffff;
	[tilespmem:s18+$0x13220] =	vst v57  }
0x24a: {  	v63 =	vld.idx.msk [tilespmem:v12+s20+$0x0], $0xffff;
	[tilespmem:s18+$0x12F20] =	vst v5  }
0x24b: {  	v5 =	vld.idx.msk [tilespmem:v12+s7+$0x0], $0xffff;
	[tilespmem:s18+$0x132A0] =	vst v4  }
0x24c: {  	v4 =	vld.idx.msk [tilespmem:v12+s4+$0x0], $0xffff;
	[tilespmem:s18+$0x12FB0] =	vst v58  }
0x24d: {  	[tilespmem:s18+$0x13030] =	vst v59  }
0x24e: {  	p1 =	por p0, p0;
	[tilespmem:s18+$0x130B0] =	vst v60  }
.Ltmp7:
0x24f: {  	[tilespmem:s18+$0x13130] =	vst v61;
	(pc) =	sbr.rel @p1 .LBB2_8-.Ltmp7, $4  }
0x250: {  	[tilespmem:s18+$0x131B0] =	vst v62  }
0x251: {  	[tilespmem:s18+$0x13230] =	vst v63  }
0x252: {  	[tilespmem:s18+$0x12F30] =	vst v5  }
0x253: {  	p0 =	por $0x0, $0x0;
	[tilespmem:s18+$0x132B0] =	vst v4;
	s18 =	simm.s32 $0x40  }
0x254: {  	s0 =	rddreg [dreg:$0xf]  }
.Ltmp8:
0x255: {  	s28 =	rddreg [dreg:$0x2];
	(pc) =	sbr.rel .LBB2_10-.Ltmp8, $4  }
0x256: {  	s29 =	rddreg [dreg:$0x11];
	s19 =	simm.s32 $0x400;
	s18 =	sshll.u32 s0, $0x10  }
0x257: {  	s30 =	simm.s32 $0x20000;
	s1 =	sand.u32 $0x1FFF0000, s18;
	s18 =	sadd.s32 s28, s29  }
0x258: {  	s31 =	simm.s32 $0x12300;
	s0 =	rddreg [dreg:$0xc];
	s18 =	sadd.s32 s1, s18  }
0x259: {  	[hbm4b:s18+s19] =	stream.strided.scatter [tilespmem:s31], [sflag:$0x1], $0x1000, s30, s19, $0x38;
	[tilespmem:$0x14300] =	vst v63  }
.LBB2_12:
0x25a: {  	_ =	sfence.sel $0x180000  }
0x25b: {  	[bflag:$0x0] =	sbarrier.arrive $0xFFFF  }
0x25c: {  	_ =	strace $0x90000047  }
0x25d: {  	s0 =	stileid.u32;
	[bflag:$0x2] =	sbarrier.arrive $0xFFFF  }
0x25e: {  	p0 =	sne.s32 s0, $0x0;
	s0 =	rddreg [dreg:$0x3]  }
0x25f: {  	s0 =	sadd.s32 @!p0 $0x100000, s0  }
0x260: {  	[sflag:s0] =	ssyncadd.tile.s32 @!p0 $0x1;
	_ =	shalt  }
.Lfunc_end2:
_tile_overlayer_lowered:
.L_overlay_start_2:
0x261: {  	(tag) =	ssettag $0x2  }
0x262: {  	s0 =	rddreg [dreg:$0x0];
	s2 =	stileid.u32  }
0x263: {  	s1 =	rddreg [dreg:$0x1];
	p0 =	sne.s32 s2, $0x0  }
0x264: {  	s3 =	rddreg [dreg:$0x2];
	[bflag:$0x3] =	sbarrier.arrive $0xFFFF;
	s2 =	simm.s32 @!p0 $0x1C03  }
0x265: {  	[timem:s3], [sflag:s2] =	dma.local @!p0 [hbm:s0], s1  }
0x266: {  	s0 =	simm.s32 @!p0 $0x3  }
0x267: {  	_ =	swait.ge @!p0 [sflag:s0], s1  }
0x268: {  	s1 =	ssub.s32 @!p0 $0x0, s1;
	[sflag:s0] =	ssyncset.done @!p0 $0x0  }
0x269: {  	[sflag:s0] =	ssyncadd.s32 @!p0 s1  }
0x26a: {  	[bflag:$0x3] =	sbarrier.arrive $0xFFFF  }
0x26b: {  	_ =	shalt  }

</sc_bundles>
